<compile_context>
chip_gen: v7x
topology: tpu7x:2x2x1
jax: 0.10.2.dev20260603
libtpu: 0.0.44.dev20260713+nightly
codegen_flags: <defaults>
</compile_context>

<pallas_src>
import functools

import jax
import jax.numpy as jnp
from jax import lax
from jax.experimental import pallas as pl
from jax.experimental.pallas import tpu as pltpu
from jax.experimental.pallas import tpu_sc as plsc

A = 4
K = 1024
D = 64
B = 16
T = 576
N = B * T

NC = 2
NS = 16
BG = 8


def _tc_body(x_ref, w_ref, idx_ref, loss_ref, sw_ref):
    b = pl.program_id(0)

    @pl.when(b == 0)
    def _reset():
        for a in range(A):
            loss_ref[a] = 0.0
            w = w_ref[a]
            sw_ref[a:a + 1, :] = jnp.sum(w * w, axis=1)[None, :]

    for a in range(A):
        x = x_ref[0, :, T * a:T * (a + 1)]
        w = w_ref[a]
        xt = x.T
        mm2 = jax.lax.dot_general(xt + xt, w, (((1,), (1,)), ((), ())),
                                  preferred_element_type=jnp.float32)
        sx = jnp.sum(xt * xt, axis=1, keepdims=True)
        sw = sw_ref[a:a + 1, :]
        dist = (sx + sw) - mm2

        m = jnp.min(dist, axis=1, keepdims=True)
        lane_f = jax.lax.broadcasted_iota(jnp.int32, (T, K), 1).astype(
            jnp.float32)
        idx_f = jnp.min(jnp.where(dist == m, lane_f, jnp.float32(K)),
                        axis=1, keepdims=True)

        idx_ref[0, :, a:a + 1] = idx_f.astype(jnp.int32)
        loss_ref[a] += jnp.sum(m)


def _vq_tc(x2, emb):
    return pl.pallas_call(
        _tc_body,
        grid=(B,),
        in_specs=[
            pl.BlockSpec((1, D, A * T), lambda b: (b, 0, 0)),
            pl.BlockSpec((A, K, D), lambda b: (0, 0, 0)),
        ],
        out_specs=[
            pl.BlockSpec((1, T, A), lambda b: (b, 0, 0)),
            pl.BlockSpec(memory_space=pltpu.SMEM),
        ],
        out_shape=[
            jax.ShapeDtypeStruct((B, T, A), jnp.int32),
            jax.ShapeDtypeStruct((A,), jnp.float32),
        ],
        scratch_shapes=[
            pltpu.VMEM((A, K), jnp.float32),
        ],
    )(x2, emb)


def _sc_body(wt_hbm, idx_hbm, q_hbm, histp_hbm, counts_hbm,
             wtbuf, idxblk, qbuf, hist, histin):
    c = lax.axis_index("c")
    s = lax.axis_index("s")
    a = c * 2 + s // BG
    bg = jax.lax.rem(s, BG)

    iota16 = lax.iota(jnp.int32, 16)
    ones16 = jnp.ones((16,), jnp.float32)
    mask16 = iota16 < 16
    zeros16 = jnp.zeros((16,), jnp.float32)

    pltpu.sync_copy(wt_hbm.at[pl.ds(a * (D * K), D * K)], wtbuf)

    def _zero(i, carry):
        hist[pl.ds(i * 16, 16)] = zeros16
        return carry
    lax.fori_loop(0, K // 16, _zero, 0)

    iotaA = iota16 * A + a
    for r in range(2):
        b = bg * 2 + r
        pltpu.sync_copy(idx_hbm.at[b], idxblk)

        def _chunk(cix, carry):
            iv = plsc.load_gather(idxblk, [iotaA + cix * (16 * A)],
                                  mask=mask16)
            for d in range(D):
                vals = plsc.load_gather(wtbuf, [iv + d * K], mask=mask16)
                qbuf[d, pl.ds(cix * 16, 16)] = vals
            plsc.addupdate_scatter(hist, [iv], ones16, mask=mask16)
            return carry
        lax.fori_loop(0, T // 16, _chunk, 0)

        pltpu.sync_copy(qbuf, q_hbm.at[b, :, a, :])

    pltpu.sync_copy(hist, histp_hbm.at[a, pl.ds(bg * K, K)])
    plsc.subcore_barrier()

    @pl.when(bg == 0)
    def _reduce():
        pltpu.sync_copy(histp_hbm.at[a], histin)

        def _rchunk(i, carry):
            acc = histin[pl.ds(i * 16, 16)]
            for rr in range(1, BG):
                acc = acc + histin[pl.ds(rr * K + i * 16, 16)]
            hist[pl.ds(i * 16, 16)] = acc
            return carry
        lax.fori_loop(0, K // 16, _rchunk, 0)
        pltpu.sync_copy(hist, counts_hbm.at[a])


def _vq_sc(wtflat, idx2):
    mesh = plsc.VectorSubcoreMesh(core_axis_name="c", subcore_axis_name="s")
    f = pl.kernel(
        _sc_body,
        mesh=mesh,
        compiler_params=pltpu.CompilerParams(needs_layout_passes=False),
        out_type=[
            jax.ShapeDtypeStruct((B, D, A, T), jnp.float32),
            jax.ShapeDtypeStruct((A, BG * K), jnp.float32),
            jax.ShapeDtypeStruct((A, K), jnp.float32),
        ],
        scratch_types=[
            pltpu.VMEM((D * K,), jnp.float32),
            pltpu.VMEM((T * A,), jnp.int32),
            pltpu.VMEM((D, T), jnp.float32),
            pltpu.VMEM((K,), jnp.float32),
            pltpu.VMEM((BG * K,), jnp.float32),
        ],
    )
    return f(wtflat, idx2)


def kernel(inputs, emb):
    x2 = inputs.reshape(B, D, A * T)
    wtflat = jnp.transpose(emb, (0, 2, 1)).reshape(A * D * K)
    idx2, loss_sums = _vq_tc(x2, emb)
    quantized, _histp, counts = _vq_sc(wtflat, idx2.reshape(B, T * A))
    encoding_indices = idx2.reshape(N, A, 1)
    l = loss_sums / jnp.float32(N * D)
    q_loss = jnp.sum(l) / A
    e_loss = jnp.sum(0.25 * l) / A
    p = counts / N
    perplexity = jnp.sum(jnp.exp(-jnp.sum(p * jnp.log(p + 1e-10), axis=1))) / A
    return q_loss, e_loss, quantized, perplexity, encoding_indices

# --- scband reference (transcript-rebuilt; emitter-appended) ---
"""Pipeline reference for scband-vector-quantizer-42150809043547 (READ-ONLY COPY).

The authoritative reference and input builder live on the scoring server;
editing this copy changes nothing except your own understanding.
"""

import jax, jax.numpy as jnp
import numpy as np

NUM_AGENTS = 4
NUM_EMBEDDINGS = 1024
EMBEDDING_DIM = 64
COMMITMENT_COST = 0.25


def setup_inputs(seed: int = 0) -> dict:
    key = jax.random.key(seed)
    k1, k2 = jax.random.split(key)
    inputs = jax.random.normal(k1, (16, EMBEDDING_DIM, NUM_AGENTS, 576), dtype=jnp.float32)
    # per-agent codebooks, uniform(-1/K, 1/K) like the torch init
    emb = jax.random.uniform(
        k2,
        (NUM_AGENTS, NUM_EMBEDDINGS, EMBEDDING_DIM),
        dtype=jnp.float32,
        minval=-1.0 / NUM_EMBEDDINGS,
        maxval=1.0 / NUM_EMBEDDINGS,
    )
    return {"inputs": inputs, "emb": emb}


def reference(inputs, emb):
    A = NUM_AGENTS
    K = NUM_EMBEDDINGS
    D = EMBEDDING_DIM
    q_loss = jnp.zeros((), dtype=jnp.float32)
    e_loss = jnp.zeros((), dtype=jnp.float32)
    perplexity = jnp.zeros((), dtype=jnp.float32)
    quantized_inputs = []
    all_encoding_indices = []
    for i in range(A):
        inp = jnp.transpose(inputs[:, :, i], (0, 2, 1))  # [B, T, D]
        input_shape = inp.shape
        flat_input = inp.reshape(-1, D)  # [N, D]
        w = emb[i]  # [K, D]
        distances = (
            jnp.sum(flat_input ** 2, axis=1, keepdims=True)
            + jnp.sum(w ** 2, axis=1)
            - 2.0 * jnp.matmul(flat_input, w.T)
        )  # [N, K]
        encoding_indices = jnp.argmin(distances, axis=1)[:, None]  # [N, 1]
        encodings = jax.nn.one_hot(encoding_indices[:, 0], K, dtype=flat_input.dtype)  # [N, K]
        all_encoding_indices.append(encoding_indices)
        quantized = jnp.matmul(encodings, w).reshape(input_shape)  # [B, T, D]
        e_latent_loss = jnp.mean((jax.lax.stop_gradient(quantized) - inp) ** 2)
        q_latent_loss = jnp.mean((quantized - jax.lax.stop_gradient(inp)) ** 2)
        q_loss = q_loss + q_latent_loss
        e_loss = e_loss + COMMITMENT_COST * e_latent_loss
        quantized_st = inp + jax.lax.stop_gradient(quantized - inp)
        avg_probs = jnp.mean(encodings, axis=0)
        perplexity = perplexity + jnp.exp(-jnp.sum(avg_probs * jnp.log(avg_probs + 1e-10)))
        quantized_inputs.append(jnp.transpose(quantized_st, (0, 2, 1)))  # [B, D, T]
    quantized = jnp.stack(quantized_inputs, axis=2)  # [B, D, A, T]
    encoding_indices = jnp.stack(all_encoding_indices, axis=1)  # [N, A, 1]
    return (
        q_loss / A,
        e_loss / A,
        quantized,
        perplexity / A,
        encoding_indices,
    )

if __name__ == "__main__":
    import jax
    _d = setup_inputs()
    print(jax.jit(kernel)(*tuple(_d.values())))

</pallas_src>

<mosaic_0001>
#map = affine_map<(d0, d1) -> (0)>
#map1 = affine_map<(d0, d1) -> (0, 0)>
#map2 = affine_map<(d0, d1) -> (0, 0, 0, 0)>
module attributes {stable_mosaic.version = 14 : i64} {
  func.func @_sc_body(%arg0: i32, %arg1: i32, %arg2: memref<262144xf32, #tpu.memory_space<hbm>>, %arg3: memref<16x2304xi32, #tpu.memory_space<hbm>>, %arg4: memref<16x64x4x576xf32, #tpu.memory_space<hbm>>, %arg5: memref<4x8192xf32, #tpu.memory_space<hbm>>, %arg6: memref<4x1024xf32, #tpu.memory_space<hbm>>, %arg7: memref<65536xf32, #tpu.memory_space<vmem>>, %arg8: memref<2304xi32, #tpu.memory_space<vmem>>, %arg9: memref<64x576xf32, #tpu.memory_space<vmem>>, %arg10: memref<1024xf32, #tpu.memory_space<vmem>>, %arg11: memref<8192xf32, #tpu.memory_space<vmem>>) attributes {dimension_semantics = [#tpu.dimension_semantics<core_parallel>, #tpu.dimension_semantics<subcore_parallel>], iteration_bounds = array<i64: 2, 16>, scalar_prefetch = 0 : i64, scratch_operands = 5 : i64, tpu.core_type = #tpu.core_type<sc_vector_subcore>, window_params = [{transform_indices = #map}, {transform_indices = #map1}, {transform_indices = #map2}, {transform_indices = #map1}, {transform_indices = #map1}]} {
    %mul3A = arith.constant 2 : i32
    %mul3A_0 = arith.muli %arg0, %mul3A : i32
    %jit3A = arith.constant 8 : i32
    %div3A = arith.divsi %arg1, %jit3A : i32
    %sign3A = arith.constant 0 : i32
    %sign3A_1 = arith.cmpi sgt, %arg1, %sign3A : i32
    %sign3A_2 = arith.extui %sign3A_1 : i1 to i32
    %sign3A_3 = arith.constant 0 : i32
    %sign3A_4 = arith.cmpi slt, %arg1, %sign3A_3 : i32
    %sign3A_5 = arith.extui %sign3A_4 : i1 to i32
    %sign3A_6 = arith.subi %sign3A_2, %sign3A_5 : i32
    %sign3A_7 = arith.constant 0 : i32
    %sign3A_8 = arith.cmpi sgt, %jit3A, %sign3A_7 : i32
    %sign3A_9 = arith.extui %sign3A_8 : i1 to i32
    %sign3A_10 = arith.constant 0 : i32
    %sign3A_11 = arith.cmpi slt, %jit3A, %sign3A_10 : i32
    %sign3A_12 = arith.extui %sign3A_11 : i1 to i32
    %sign3A_13 = arith.subi %sign3A_9, %sign3A_12 : i32
    %ne3A = arith.cmpi ne, %sign3A_6, %sign3A_13 : i32
    %rem3A = arith.remsi %arg1, %jit3A : i32
    %ne3A_14 = arith.constant 0 : i32
    %ne3A_15 = arith.cmpi ne, %rem3A, %ne3A_14 : i32
    %and3A = arith.andi %ne3A, %ne3A_15 : i1
    %sub3A = arith.constant 1 : i32
    %sub3A_16 = arith.subi %div3A, %sub3A : i32
    %select_n3A = arith.select %and3A, %sub3A_16, %div3A : i32
    %add3A = arith.addi %mul3A_0, %select_n3A : i32
    %rem3A_17 = arith.constant 8 : i32
    %rem3A_18 = arith.remsi %arg1, %rem3A_17 : i32
    %iota3A = tpu.iota {dimensions = array<i32: 0>} : vector<16xi32>
    %broadcast_in_dim3A = arith.constant 1.000000e+00 : f32
    %broadcast_in_dim3A_19 = vector.broadcast %broadcast_in_dim3A : f32 to vector<16xf32>
    %lt3A = arith.constant 16 : i32
    %lt3A_20 = vector.broadcast %lt3A : i32 to vector<16xi32>
    %lt3A_21 = arith.cmpi slt, %iota3A, %lt3A_20 : vector<16xi32>
    %broadcast_in_dim3A_22 = arith.constant 0.000000e+00 : f32
    %broadcast_in_dim3A_23 = vector.broadcast %broadcast_in_dim3A_22 : f32 to vector<16xf32>
    %mul3A_24 = arith.constant 65536 : i32
    %mul3A_25 = arith.muli %add3A, %mul3A_24 : i32
    "tpu.region"() ({
      %run_scoped3A = tpu.sem_alloc : memref<!tpu.dma_semaphore, #tpu.memory_space<semaphore_mem>>
      %dma_start3A = tpu.memref_slice %arg2[%mul3A_25] : memref<262144xf32, #tpu.memory_space<hbm>> -> memref<65536xf32, #tpu.memory_space<hbm>>
      %dma_start3A_60 = tpu.memref_slice %arg2[%mul3A_25] : memref<262144xf32, #tpu.memory_space<hbm>> -> memref<65536xf32, #tpu.memory_space<hbm>>
      tpu.enqueue_dma source(%dma_start3A_60 : memref<65536xf32, #tpu.memory_space<hbm>>) target(%arg7 : memref<65536xf32, #tpu.memory_space<vmem>>) target_semaphore(%run_scoped3A : memref<!tpu.dma_semaphore, #tpu.memory_space<semaphore_mem>>)
      %dma_wait3A = tpu.memref_slice %arg2[%mul3A_25] : memref<262144xf32, #tpu.memory_space<hbm>> -> memref<65536xf32, #tpu.memory_space<hbm>>
      %dma_wait3A_61 = tpu.memref_slice %arg2[%mul3A_25] : memref<262144xf32, #tpu.memory_space<hbm>> -> memref<65536xf32, #tpu.memory_space<hbm>>
      tpu.wait_dma2 semaphore(%run_scoped3A : memref<!tpu.dma_semaphore, #tpu.memory_space<semaphore_mem>>) src(%dma_wait3A_61 : memref<65536xf32, #tpu.memory_space<hbm>>) dst(%arg7 : memref<65536xf32, #tpu.memory_space<vmem>>)
      tpu.yield
    }) : () -> ()
    %scan3A = arith.constant 0 : i32
    %scan3A_26 = arith.constant 0 : i32
    %scan3A_27 = arith.constant 64 : i32
    %scan3A_28 = arith.addi %scan3A_26, %scan3A_27 : i32
    %scan3A_29 = arith.constant 1 : i32
    scf.for %scan3A_60 = %scan3A_26 to %scan3A_28 step %scan3A_29  : i32 {
      %mul3A_61 = arith.constant 16 : i32
      %mul3A_62 = arith.muli %scan3A_60, %mul3A_61 : i32
      %swap3A = arith.index_cast %mul3A_62 : i32 to index
      %swap3A_63 = tpu.vector_load %arg10[%swap3A] {strides = array<i32>} : memref<1024xf32, #tpu.memory_space<vmem>>, vector<16xf32>,
      tpu.vector_store %arg10[%swap3A], %broadcast_in_dim3A_23 {strides = array<i32>} : memref<1024xf32, #tpu.memory_space<vmem>>, vector<16xf32>,
    }
    %scan3A_30 = arith.constant 64 : i32
    %mul3A_31 = arith.constant 4 : i32
    %mul3A_32 = vector.broadcast %mul3A_31 : i32 to vector<16xi32>
    %mul3A_33 = arith.muli %iota3A, %mul3A_32 : vector<16xi32>
    %add3A_34 = vector.broadcast %add3A : i32 to vector<16xi32>
    %add3A_35 = arith.addi %mul3A_33, %add3A_34 : vector<16xi32>
    %mul3A_36 = arith.constant 2 : i32
    %mul3A_37 = arith.muli %rem3A_18, %mul3A_36 : i32
    %add3A_38 = arith.constant 0 : i32
    %add3A_39 = arith.addi %mul3A_37, %add3A_38 : i32
    "tpu.region"() ({
      %run_scoped3A = tpu.sem_alloc : memref<!tpu.dma_semaphore, #tpu.memory_space<semaphore_mem>>
      %dma_start3A = arith.constant 0 : i32
      %dma_start3A_60 = tpu.memref_slice %arg3[%add3A_39, %dma_start3A] : memref<16x2304xi32, #tpu.memory_space<hbm>> -> memref<1x2304xi32, #tpu.memory_space<hbm>>
      %dma_start3A_61 = tpu.memref_squeeze %dma_start3A_60 : memref<1x2304xi32, #tpu.memory_space<hbm>> -> memref<2304xi32, #tpu.memory_space<hbm>>
      %dma_start3A_62 = arith.constant 0 : i32
      %dma_start3A_63 = tpu.memref_slice %arg3[%add3A_39, %dma_start3A_62] : memref<16x2304xi32, #tpu.memory_space<hbm>> -> memref<1x2304xi32, #tpu.memory_space<hbm>>
      %dma_start3A_64 = tpu.memref_squeeze %dma_start3A_63 : memref<1x2304xi32, #tpu.memory_space<hbm>> -> memref<2304xi32, #tpu.memory_space<hbm>>
      tpu.enqueue_dma source(%dma_start3A_64 : memref<2304xi32, #tpu.memory_space<hbm>>) target(%arg8 : memref<2304xi32, #tpu.memory_space<vmem>>) target_semaphore(%run_scoped3A : memref<!tpu.dma_semaphore, #tpu.memory_space<semaphore_mem>>)
      %dma_wait3A = arith.constant 0 : i32
      %dma_wait3A_65 = tpu.memref_slice %arg3[%add3A_39, %dma_wait3A] : memref<16x2304xi32, #tpu.memory_space<hbm>> -> memref<1x2304xi32, #tpu.memory_space<hbm>>
      %dma_wait3A_66 = tpu.memref_squeeze %dma_wait3A_65 : memref<1x2304xi32, #tpu.memory_space<hbm>> -> memref<2304xi32, #tpu.memory_space<hbm>>
      %dma_wait3A_67 = arith.constant 0 : i32
      %dma_wait3A_68 = tpu.memref_slice %arg3[%add3A_39, %dma_wait3A_67] : memref<16x2304xi32, #tpu.memory_space<hbm>> -> memref<1x2304xi32, #tpu.memory_space<hbm>>
      %dma_wait3A_69 = tpu.memref_squeeze %dma_wait3A_68 : memref<1x2304xi32, #tpu.memory_space<hbm>> -> memref<2304xi32, #tpu.memory_space<hbm>>
      tpu.wait_dma2 semaphore(%run_scoped3A : memref<!tpu.dma_semaphore, #tpu.memory_space<semaphore_mem>>) src(%dma_wait3A_69 : memref<2304xi32, #tpu.memory_space<hbm>>) dst(%arg8 : memref<2304xi32, #tpu.memory_space<vmem>>)
      tpu.yield
    }) : () -> ()
    %scan3A_40 = arith.constant 0 : i32
    %scan3A_41 = arith.constant 0 : i32
    %scan3A_42 = arith.constant 36 : i32
    %scan3A_43 = arith.addi %scan3A_41, %scan3A_42 : i32
    %scan3A_44 = arith.constant 1 : i32
    scf.for %scan3A_60 = %scan3A_41 to %scan3A_43 step %scan3A_44  : i32 {
      %mul3A_61 = arith.constant 64 : i32
      %mul3A_62 = arith.muli %scan3A_60, %mul3A_61 : i32
      %add3A_63 = vector.broadcast %mul3A_62 : i32 to vector<16xi32>
      %add3A_64 = arith.addi %add3A_35, %add3A_63 : vector<16xi32>
      %gather3A = tpu.vector_load_idx %arg8[%add3A_64] masked %lt3A_21 : memref<2304xi32, #tpu.memory_space<vmem>>[vector<16xi32>], vector<16xi32>, vector<16xi1>
      %add3A_65 = arith.constant 0 : i32
      %add3A_66 = vector.broadcast %add3A_65 : i32 to vector<16xi32>
      %add3A_67 = arith.addi %gather3A, %add3A_66 : vector<16xi32>
      %gather3A_68 = tpu.vector_load_idx %arg7[%add3A_67] masked %lt3A_21 : memref<65536xf32, #tpu.memory_space<vmem>>[vector<16xi32>], vector<16xf32>, vector<16xi1>
      %mul3A_69 = arith.constant 16 : i32
      %mul3A_70 = arith.muli %scan3A_60, %mul3A_69 : i32
      %swap3A = arith.constant 0 : i32
      %swap3A_71 = arith.index_cast %swap3A : i32 to index
      %swap3A_72 = arith.index_cast %mul3A_70 : i32 to index
      %swap3A_73 = tpu.vector_load %arg9[%swap3A_71, %swap3A_72] {strides = array<i32>} : memref<64x576xf32, #tpu.memory_space<vmem>>, vector<16xf32>,
      tpu.vector_store %arg9[%swap3A_71, %swap3A_72], %gather3A_68 {strides = array<i32>} : memref<64x576xf32, #tpu.memory_space<vmem>>, vector<16xf32>,
      %add3A_74 = arith.constant 1024 : i32
      %add3A_75 = vector.broadcast %add3A_74 : i32 to vector<16xi32>
      %add3A_76 = arith.addi %gather3A, %add3A_75 : vector<16xi32>
      %gather3A_77 = tpu.vector_load_idx %arg7[%add3A_76] masked %lt3A_21 : memref<65536xf32, #tpu.memory_space<vmem>>[vector<16xi32>], vector<16xf32>, vector<16xi1>
      %mul3A_78 = arith.constant 16 : i32
      %mul3A_79 = arith.muli %scan3A_60, %mul3A_78 : i32
      %swap3A_80 = arith.constant 1 : i32
      %swap3A_81 = arith.index_cast %swap3A_80 : i32 to index
      %swap3A_82 = arith.index_cast %mul3A_79 : i32 to index
      %swap3A_83 = tpu.vector_load %arg9[%swap3A_81, %swap3A_82] {strides = array<i32>} : memref<64x576xf32, #tpu.memory_space<vmem>>, vector<16xf32>,
      tpu.vector_store %arg9[%swap3A_81, %swap3A_82], %gather3A_77 {strides = array<i32>} : memref<64x576xf32, #tpu.memory_space<vmem>>, vector<16xf32>,
      %add3A_84 = arith.constant 2048 : i32
      %add3A_85 = vector.broadcast %add3A_84 : i32 to vector<16xi32>
      %add3A_86 = arith.addi %gather3A, %add3A_85 : vector<16xi32>
      %gather3A_87 = tpu.vector_load_idx %arg7[%add3A_86] masked %lt3A_21 : memref<65536xf32, #tpu.memory_space<vmem>>[vector<16xi32>], vector<16xf32>, vector<16xi1>
      %mul3A_88 = arith.constant 16 : i32
      %mul3A_89 = arith.muli %scan3A_60, %mul3A_88 : i32
      %swap3A_90 = arith.constant 2 : i32
      %swap3A_91 = arith.index_cast %swap3A_90 : i32 to index
      %swap3A_92 = arith.index_cast %mul3A_89 : i32 to index
      %swap3A_93 = tpu.vector_load %arg9[%swap3A_91, %swap3A_92] {strides = array<i32>} : memref<64x576xf32, #tpu.memory_space<vmem>>, vector<16xf32>,
      tpu.vector_store %arg9[%swap3A_91, %swap3A_92], %gather3A_87 {strides = array<i32>} : memref<64x576xf32, #tpu.memory_space<vmem>>, vector<16xf32>,
      %add3A_94 = arith.constant 3072 : i32
      %add3A_95 = vector.broadcast %add3A_94 : i32 to vector<16xi32>
      %add3A_96 = arith.addi %gather3A, %add3A_95 : vector<16xi32>
      %gather3A_97 = tpu.vector_load_idx %arg7[%add3A_96] masked %lt3A_21 : memref<65536xf32, #tpu.memory_space<vmem>>[vector<16xi32>], vector<16xf32>, vector<16xi1>
      %mul3A_98 = arith.constant 16 : i32
      %mul3A_99 = arith.muli %scan3A_60, %mul3A_98 : i32
      %swap3A_100 = arith.constant 3 : i32
      %swap3A_101 = arith.index_cast %swap3A_100 : i32 to index
      %swap3A_102 = arith.index_cast %mul3A_99 : i32 to index
      %swap3A_103 = tpu.vector_load %arg9[%swap3A_101, %swap3A_102] {strides = array<i32>} : memref<64x576xf32, #tpu.memory_space<vmem>>, vector<16xf32>,
      tpu.vector_store %arg9[%swap3A_101, %swap3A_102], %gather3A_97 {strides = array<i32>} : memref<64x576xf32, #tpu.memory_space<vmem>>, vector<16xf32>,
      %add3A_104 = arith.constant 4096 : i32
      %add3A_105 = vector.broadcast %add3A_104 : i32 to vector<16xi32>
      %add3A_106 = arith.addi %gather3A, %add3A_105 : vector<16xi32>
      %gather3A_107 = tpu.vector_load_idx %arg7[%add3A_106] masked %lt3A_21 : memref<65536xf32, #tpu.memory_space<vmem>>[vector<16xi32>], vector<16xf32>, vector<16xi1>
      %mul3A_108 = arith.constant 16 : i32
      %mul3A_109 = arith.muli %scan3A_60, %mul3A_108 : i32
      %swap3A_110 = arith.constant 4 : i32
      %swap3A_111 = arith.index_cast %swap3A_110 : i32 to index
      %swap3A_112 = arith.index_cast %mul3A_109 : i32 to index
      %swap3A_113 = tpu.vector_load %arg9[%swap3A_111, %swap3A_112] {strides = array<i32>} : memref<64x576xf32, #tpu.memory_space<vmem>>, vector<16xf32>,
      tpu.vector_store %arg9[%swap3A_111, %swap3A_112], %gather3A_107 {strides = array<i32>} : memref<64x576xf32, #tpu.memory_space<vmem>>, vector<16xf32>,
      %add3A_114 = arith.constant 5120 : i32
      %add3A_115 = vector.broadcast %add3A_114 : i32 to vector<16xi32>
      %add3A_116 = arith.addi %gather3A, %add3A_115 : vector<16xi32>
      %gather3A_117 = tpu.vector_load_idx %arg7[%add3A_116] masked %lt3A_21 : memref<65536xf32, #tpu.memory_space<vmem>>[vector<16xi32>], vector<16xf32>, vector<16xi1>
      %mul3A_118 = arith.constant 16 : i32
      %mul3A_119 = arith.muli %scan3A_60, %mul3A_118 : i32
      %swap3A_120 = arith.constant 5 : i32
      %swap3A_121 = arith.index_cast %swap3A_120 : i32 to index
      %swap3A_122 = arith.index_cast %mul3A_119 : i32 to index
      %swap3A_123 = tpu.vector_load %arg9[%swap3A_121, %swap3A_122] {strides = array<i32>} : memref<64x576xf32, #tpu.memory_space<vmem>>, vector<16xf32>,
      tpu.vector_store %arg9[%swap3A_121, %swap3A_122], %gather3A_117 {strides = array<i32>} : memref<64x576xf32, #tpu.memory_space<vmem>>, vector<16xf32>,
      %add3A_124 = arith.constant 6144 : i32
      %add3A_125 = vector.broadcast %add3A_124 : i32 to vector<16xi32>
      %add3A_126 = arith.addi %gather3A, %add3A_125 : vector<16xi32>
      %gather3A_127 = tpu.vector_load_idx %arg7[%add3A_126] masked %lt3A_21 : memref<65536xf32, #tpu.memory_space<vmem>>[vector<16xi32>], vector<16xf32>, vector<16xi1>
      %mul3A_128 = arith.constant 16 : i32
      %mul3A_129 = arith.muli %scan3A_60, %mul3A_128 : i32
      %swap3A_130 = arith.constant 6 : i32
      %swap3A_131 = arith.index_cast %swap3A_130 : i32 to index
      %swap3A_132 = arith.index_cast %mul3A_129 : i32 to index
      %swap3A_133 = tpu.vector_load %arg9[%swap3A_131, %swap3A_132] {strides = array<i32>} : memref<64x576xf32, #tpu.memory_space<vmem>>, vector<16xf32>,
      tpu.vector_store %arg9[%swap3A_131, %swap3A_132], %gather3A_127 {strides = array<i32>} : memref<64x576xf32, #tpu.memory_space<vmem>>, vector<16xf32>,
      %add3A_134 = arith.constant 7168 : i32
      %add3A_135 = vector.broadcast %add3A_134 : i32 to vector<16xi32>
      %add3A_136 = arith.addi %gather3A, %add3A_135 : vector<16xi32>
      %gather3A_137 = tpu.vector_load_idx %arg7[%add3A_136] masked %lt3A_21 : memref<65536xf32, #tpu.memory_space<vmem>>[vector<16xi32>], vector<16xf32>, vector<16xi1>
      %mul3A_138 = arith.constant 16 : i32
      %mul3A_139 = arith.muli %scan3A_60, %mul3A_138 : i32
      %swap3A_140 = arith.constant 7 : i32
      %swap3A_141 = arith.index_cast %swap3A_140 : i32 to index
      %swap3A_142 = arith.index_cast %mul3A_139 : i32 to index
      %swap3A_143 = tpu.vector_load %arg9[%swap3A_141, %swap3A_142] {strides = array<i32>} : memref<64x576xf32, #tpu.memory_space<vmem>>, vector<16xf32>,
      tpu.vector_store %arg9[%swap3A_141, %swap3A_142], %gather3A_137 {strides = array<i32>} : memref<64x576xf32, #tpu.memory_space<vmem>>, vector<16xf32>,
      %add3A_144 = arith.constant 8192 : i32
      %add3A_145 = vector.broadcast %add3A_144 : i32 to vector<16xi32>
      %add3A_146 = arith.addi %gather3A, %add3A_145 : vector<16xi32>
      %gather3A_147 = tpu.vector_load_idx %arg7[%add3A_146] masked %lt3A_21 : memref<65536xf32, #tpu.memory_space<vmem>>[vector<16xi32>], vector<16xf32>, vector<16xi1>
      %mul3A_148 = arith.constant 16 : i32
      %mul3A_149 = arith.muli %scan3A_60, %mul3A_148 : i32
      %swap3A_150 = arith.constant 8 : i32
      %swap3A_151 = arith.index_cast %swap3A_150 : i32 to index
      %swap3A_152 = arith.index_cast %mul3A_149 : i32 to index
      %swap3A_153 = tpu.vector_load %arg9[%swap3A_151, %swap3A_152] {strides = array<i32>} : memref<64x576xf32, #tpu.memory_space<vmem>>, vector<16xf32>,
      tpu.vector_store %arg9[%swap3A_151, %swap3A_152], %gather3A_147 {strides = array<i32>} : memref<64x576xf32, #tpu.memory_space<vmem>>, vector<16xf32>,
      %add3A_154 = arith.constant 9216 : i32
      %add3A_155 = vector.broadcast %add3A_154 : i32 to vector<16xi32>
      %add3A_156 = arith.addi %gather3A, %add3A_155 : vector<16xi32>
      %gather3A_157 = tpu.vector_load_idx %arg7[%add3A_156] masked %lt3A_21 : memref<65536xf32, #tpu.memory_space<vmem>>[vector<16xi32>], vector<16xf32>, vector<16xi1>
      %mul3A_158 = arith.constant 16 : i32
      %mul3A_159 = arith.muli %scan3A_60, %mul3A_158 : i32
      %swap3A_160 = arith.constant 9 : i32
      %swap3A_161 = arith.index_cast %swap3A_160 : i32 to index
      %swap3A_162 = arith.index_cast %mul3A_159 : i32 to index
      %swap3A_163 = tpu.vector_load %arg9[%swap3A_161, %swap3A_162] {strides = array<i32>} : memref<64x576xf32, #tpu.memory_space<vmem>>, vector<16xf32>,
      tpu.vector_store %arg9[%swap3A_161, %swap3A_162], %gather3A_157 {strides = array<i32>} : memref<64x576xf32, #tpu.memory_space<vmem>>, vector<16xf32>,
      %add3A_164 = arith.constant 10240 : i32
      %add3A_165 = vector.broadcast %add3A_164 : i32 to vector<16xi32>
      %add3A_166 = arith.addi %gather3A, %add3A_165 : vector<16xi32>
      %gather3A_167 = tpu.vector_load_idx %arg7[%add3A_166] masked %lt3A_21 : memref<65536xf32, #tpu.memory_space<vmem>>[vector<16xi32>], vector<16xf32>, vector<16xi1>
      %mul3A_168 = arith.constant 16 : i32
      %mul3A_169 = arith.muli %scan3A_60, %mul3A_168 : i32
      %swap3A_170 = arith.constant 10 : i32
      %swap3A_171 = arith.index_cast %swap3A_170 : i32 to index
      %swap3A_172 = arith.index_cast %mul3A_169 : i32 to index
      %swap3A_173 = tpu.vector_load %arg9[%swap3A_171, %swap3A_172] {strides = array<i32>} : memref<64x576xf32, #tpu.memory_space<vmem>>, vector<16xf32>,
      tpu.vector_store %arg9[%swap3A_171, %swap3A_172], %gather3A_167 {strides = array<i32>} : memref<64x576xf32, #tpu.memory_space<vmem>>, vector<16xf32>,
      %add3A_174 = arith.constant 11264 : i32
      %add3A_175 = vector.broadcast %add3A_174 : i32 to vector<16xi32>
      %add3A_176 = arith.addi %gather3A, %add3A_175 : vector<16xi32>
      %gather3A_177 = tpu.vector_load_idx %arg7[%add3A_176] masked %lt3A_21 : memref<65536xf32, #tpu.memory_space<vmem>>[vector<16xi32>], vector<16xf32>, vector<16xi1>
      %mul3A_178 = arith.constant 16 : i32
      %mul3A_179 = arith.muli %scan3A_60, %mul3A_178 : i32
      %swap3A_180 = arith.constant 11 : i32
      %swap3A_181 = arith.index_cast %swap3A_180 : i32 to index
      %swap3A_182 = arith.index_cast %mul3A_179 : i32 to index
      %swap3A_183 = tpu.vector_load %arg9[%swap3A_181, %swap3A_182] {strides = array<i32>} : memref<64x576xf32, #tpu.memory_space<vmem>>, vector<16xf32>,
      tpu.vector_store %arg9[%swap3A_181, %swap3A_182], %gather3A_177 {strides = array<i32>} : memref<64x576xf32, #tpu.memory_space<vmem>>, vector<16xf32>,
      %add3A_184 = arith.constant 12288 : i32
      %add3A_185 = vector.broadcast %add3A_184 : i32 to vector<16xi32>
      %add3A_186 = arith.addi %gather3A, %add3A_185 : vector<16xi32>
      %gather3A_187 = tpu.vector_load_idx %arg7[%add3A_186] masked %lt3A_21 : memref<65536xf32, #tpu.memory_space<vmem>>[vector<16xi32>], vector<16xf32>, vector<16xi1>
      %mul3A_188 = arith.constant 16 : i32
      %mul3A_189 = arith.muli %scan3A_60, %mul3A_188 : i32
      %swap3A_190 = arith.constant 12 : i32
      %swap3A_191 = arith.index_cast %swap3A_190 : i32 to index
      %swap3A_192 = arith.index_cast %mul3A_189 : i32 to index
      %swap3A_193 = tpu.vector_load %arg9[%swap3A_191, %swap3A_192] {strides = array<i32>} : memref<64x576xf32, #tpu.memory_space<vmem>>, vector<16xf32>,
      tpu.vector_store %arg9[%swap3A_191, %swap3A_192], %gather3A_187 {strides = array<i32>} : memref<64x576xf32, #tpu.memory_space<vmem>>, vector<16xf32>,
      %add3A_194 = arith.constant 13312 : i32
      %add3A_195 = vector.broadcast %add3A_194 : i32 to vector<16xi32>
      %add3A_196 = arith.addi %gather3A, %add3A_195 : vector<16xi32>
      %gather3A_197 = tpu.vector_load_idx %arg7[%add3A_196] masked %lt3A_21 : memref<65536xf32, #tpu.memory_space<vmem>>[vector<16xi32>], vector<16xf32>, vector<16xi1>
      %mul3A_198 = arith.constant 16 : i32
      %mul3A_199 = arith.muli %scan3A_60, %mul3A_198 : i32
      %swap3A_200 = arith.constant 13 : i32
      %swap3A_201 = arith.index_cast %swap3A_200 : i32 to index
      %swap3A_202 = arith.index_cast %mul3A_199 : i32 to index
      %swap3A_203 = tpu.vector_load %arg9[%swap3A_201, %swap3A_202] {strides = array<i32>} : memref<64x576xf32, #tpu.memory_space<vmem>>, vector<16xf32>,
      tpu.vector_store %arg9[%swap3A_201, %swap3A_202], %gather3A_197 {strides = array<i32>} : memref<64x576xf32, #tpu.memory_space<vmem>>, vector<16xf32>,
      %add3A_204 = arith.constant 14336 : i32
      %add3A_205 = vector.broadcast %add3A_204 : i32 to vector<16xi32>
      %add3A_206 = arith.addi %gather3A, %add3A_205 : vector<16xi32>
      %gather3A_207 = tpu.vector_load_idx %arg7[%add3A_206] masked %lt3A_21 : memref<65536xf32, #tpu.memory_space<vmem>>[vector<16xi32>], vector<16xf32>, vector<16xi1>
      %mul3A_208 = arith.constant 16 : i32
      %mul3A_209 = arith.muli %scan3A_60, %mul3A_208 : i32
      %swap3A_210 = arith.constant 14 : i32
      %swap3A_211 = arith.index_cast %swap3A_210 : i32 to index
      %swap3A_212 = arith.index_cast %mul3A_209 : i32 to index
      %swap3A_213 = tpu.vector_load %arg9[%swap3A_211, %swap3A_212] {strides = array<i32>} : memref<64x576xf32, #tpu.memory_space<vmem>>, vector<16xf32>,
      tpu.vector_store %arg9[%swap3A_211, %swap3A_212], %gather3A_207 {strides = array<i32>} : memref<64x576xf32, #tpu.memory_space<vmem>>, vector<16xf32>,
      %add3A_214 = arith.constant 15360 : i32
      %add3A_215 = vector.broadcast %add3A_214 : i32 to vector<16xi32>
      %add3A_216 = arith.addi %gather3A, %add3A_215 : vector<16xi32>
      %gather3A_217 = tpu.vector_load_idx %arg7[%add3A_216] masked %lt3A_21 : memref<65536xf32, #tpu.memory_space<vmem>>[vector<16xi32>], vector<16xf32>, vector<16xi1>
      %mul3A_218 = arith.constant 16 : i32
      %mul3A_219 = arith.muli %scan3A_60, %mul3A_218 : i32
      %swap3A_220 = arith.constant 15 : i32
      %swap3A_221 = arith.index_cast %swap3A_220 : i32 to index
      %swap3A_222 = arith.index_cast %mul3A_219 : i32 to index
      %swap3A_223 = tpu.vector_load %arg9[%swap3A_221, %swap3A_222] {strides = array<i32>} : memref<64x576xf32, #tpu.memory_space<vmem>>, vector<16xf32>,
      tpu.vector_store %arg9[%swap3A_221, %swap3A_222], %gather3A_217 {strides = array<i32>} : memref<64x576xf32, #tpu.memory_space<vmem>>, vector<16xf32>,
      %add3A_224 = arith.constant 16384 : i32
      %add3A_225 = vector.broadcast %add3A_224 : i32 to vector<16xi32>
      %add3A_226 = arith.addi %gather3A, %add3A_225 : vector<16xi32>
      %gather3A_227 = tpu.vector_load_idx %arg7[%add3A_226] masked %lt3A_21 : memref<65536xf32, #tpu.memory_space<vmem>>[vector<16xi32>], vector<16xf32>, vector<16xi1>
      %mul3A_228 = arith.constant 16 : i32
      %mul3A_229 = arith.muli %scan3A_60, %mul3A_228 : i32
      %swap3A_230 = arith.constant 16 : i32
      %swap3A_231 = arith.index_cast %swap3A_230 : i32 to index
      %swap3A_232 = arith.index_cast %mul3A_229 : i32 to index
      %swap3A_233 = tpu.vector_load %arg9[%swap3A_231, %swap3A_232] {strides = array<i32>} : memref<64x576xf32, #tpu.memory_space<vmem>>, vector<16xf32>,
      tpu.vector_store %arg9[%swap3A_231, %swap3A_232], %gather3A_227 {strides = array<i32>} : memref<64x576xf32, #tpu.memory_space<vmem>>, vector<16xf32>,
      %add3A_234 = arith.constant 17408 : i32
      %add3A_235 = vector.broadcast %add3A_234 : i32 to vector<16xi32>
      %add3A_236 = arith.addi %gather3A, %add3A_235 : vector<16xi32>
      %gather3A_237 = tpu.vector_load_idx %arg7[%add3A_236] masked %lt3A_21 : memref<65536xf32, #tpu.memory_space<vmem>>[vector<16xi32>], vector<16xf32>, vector<16xi1>
      %mul3A_238 = arith.constant 16 : i32
      %mul3A_239 = arith.muli %scan3A_60, %mul3A_238 : i32
      %swap3A_240 = arith.constant 17 : i32
      %swap3A_241 = arith.index_cast %swap3A_240 : i32 to index
      %swap3A_242 = arith.index_cast %mul3A_239 : i32 to index
      %swap3A_243 = tpu.vector_load %arg9[%swap3A_241, %swap3A_242] {strides = array<i32>} : memref<64x576xf32, #tpu.memory_space<vmem>>, vector<16xf32>,
      tpu.vector_store %arg9[%swap3A_241, %swap3A_242], %gather3A_237 {strides = array<i32>} : memref<64x576xf32, #tpu.memory_space<vmem>>, vector<16xf32>,
      %add3A_244 = arith.constant 18432 : i32
      %add3A_245 = vector.broadcast %add3A_244 : i32 to vector<16xi32>
      %add3A_246 = arith.addi %gather3A, %add3A_245 : vector<16xi32>
      %gather3A_247 = tpu.vector_load_idx %arg7[%add3A_246] masked %lt3A_21 : memref<65536xf32, #tpu.memory_space<vmem>>[vector<16xi32>], vector<16xf32>, vector<16xi1>
      %mul3A_248 = arith.constant 16 : i32
      %mul3A_249 = arith.muli %scan3A_60, %mul3A_248 : i32
      %swap3A_250 = arith.constant 18 : i32
      %swap3A_251 = arith.index_cast %swap3A_250 : i32 to index
      %swap3A_252 = arith.index_cast %mul3A_249 : i32 to index
      %swap3A_253 = tpu.vector_load %arg9[%swap3A_251, %swap3A_252] {strides = array<i32>} : memref<64x576xf32, #tpu.memory_space<vmem>>, vector<16xf32>,
      tpu.vector_store %arg9[%swap3A_251, %swap3A_252], %gather3A_247 {strides = array<i32>} : memref<64x576xf32, #tpu.memory_space<vmem>>, vector<16xf32>,
      %add3A_254 = arith.constant 19456 : i32
      %add3A_255 = vector.broadcast %add3A_254 : i32 to vector<16xi32>
      %add3A_256 = arith.addi %gather3A, %add3A_255 : vector<16xi32>
      %gather3A_257 = tpu.vector_load_idx %arg7[%add3A_256] masked %lt3A_21 : memref<65536xf32, #tpu.memory_space<vmem>>[vector<16xi32>], vector<16xf32>, vector<16xi1>
      %mul3A_258 = arith.constant 16 : i32
      %mul3A_259 = arith.muli %scan3A_60, %mul3A_258 : i32
      %swap3A_260 = arith.constant 19 : i32
      %swap3A_261 = arith.index_cast %swap3A_260 : i32 to index
      %swap3A_262 = arith.index_cast %mul3A_259 : i32 to index
      %swap3A_263 = tpu.vector_load %arg9[%swap3A_261, %swap3A_262] {strides = array<i32>} : memref<64x576xf32, #tpu.memory_space<vmem>>, vector<16xf32>,
      tpu.vector_store %arg9[%swap3A_261, %swap3A_262], %gather3A_257 {strides = array<i32>} : memref<64x576xf32, #tpu.memory_space<vmem>>, vector<16xf32>,
      %add3A_264 = arith.constant 20480 : i32
      %add3A_265 = vector.broadcast %add3A_264 : i32 to vector<16xi32>
      %add3A_266 = arith.addi %gather3A, %add3A_265 : vector<16xi32>
      %gather3A_267 = tpu.vector_load_idx %arg7[%add3A_266] masked %lt3A_21 : memref<65536xf32, #tpu.memory_space<vmem>>[vector<16xi32>], vector<16xf32>, vector<16xi1>
      %mul3A_268 = arith.constant 16 : i32
      %mul3A_269 = arith.muli %scan3A_60, %mul3A_268 : i32
      %swap3A_270 = arith.constant 20 : i32
      %swap3A_271 = arith.index_cast %swap3A_270 : i32 to index
      %swap3A_272 = arith.index_cast %mul3A_269 : i32 to index
      %swap3A_273 = tpu.vector_load %arg9[%swap3A_271, %swap3A_272] {strides = array<i32>} : memref<64x576xf32, #tpu.memory_space<vmem>>, vector<16xf32>,
      tpu.vector_store %arg9[%swap3A_271, %swap3A_272], %gather3A_267 {strides = array<i32>} : memref<64x576xf32, #tpu.memory_space<vmem>>, vector<16xf32>,
      %add3A_274 = arith.constant 21504 : i32
      %add3A_275 = vector.broadcast %add3A_274 : i32 to vector<16xi32>
      %add3A_276 = arith.addi %gather3A, %add3A_275 : vector<16xi32>
      %gather3A_277 = tpu.vector_load_idx %arg7[%add3A_276] masked %lt3A_21 : memref<65536xf32, #tpu.memory_space<vmem>>[vector<16xi32>], vector<16xf32>, vector<16xi1>
      %mul3A_278 = arith.constant 16 : i32
      %mul3A_279 = arith.muli %scan3A_60, %mul3A_278 : i32
      %swap3A_280 = arith.constant 21 : i32
      %swap3A_281 = arith.index_cast %swap3A_280 : i32 to index
      %swap3A_282 = arith.index_cast %mul3A_279 : i32 to index
      %swap3A_283 = tpu.vector_load %arg9[%swap3A_281, %swap3A_282] {strides = array<i32>} : memref<64x576xf32, #tpu.memory_space<vmem>>, vector<16xf32>,
      tpu.vector_store %arg9[%swap3A_281, %swap3A_282], %gather3A_277 {strides = array<i32>} : memref<64x576xf32, #tpu.memory_space<vmem>>, vector<16xf32>,
      %add3A_284 = arith.constant 22528 : i32
      %add3A_285 = vector.broadcast %add3A_284 : i32 to vector<16xi32>
      %add3A_286 = arith.addi %gather3A, %add3A_285 : vector<16xi32>
      %gather3A_287 = tpu.vector_load_idx %arg7[%add3A_286] masked %lt3A_21 : memref<65536xf32, #tpu.memory_space<vmem>>[vector<16xi32>], vector<16xf32>, vector<16xi1>
      %mul3A_288 = arith.constant 16 : i32
      %mul3A_289 = arith.muli %scan3A_60, %mul3A_288 : i32
      %swap3A_290 = arith.constant 22 : i32
      %swap3A_291 = arith.index_cast %swap3A_290 : i32 to index
      %swap3A_292 = arith.index_cast %mul3A_289 : i32 to index
      %swap3A_293 = tpu.vector_load %arg9[%swap3A_291, %swap3A_292] {strides = array<i32>} : memref<64x576xf32, #tpu.memory_space<vmem>>, vector<16xf32>,
      tpu.vector_store %arg9[%swap3A_291, %swap3A_292], %gather3A_287 {strides = array<i32>} : memref<64x576xf32, #tpu.memory_space<vmem>>, vector<16xf32>,
      %add3A_294 = arith.constant 23552 : i32
      %add3A_295 = vector.broadcast %add3A_294 : i32 to vector<16xi32>
      %add3A_296 = arith.addi %gather3A, %add3A_295 : vector<16xi32>
      %gather3A_297 = tpu.vector_load_idx %arg7[%add3A_296] masked %lt3A_21 : memref<65536xf32, #tpu.memory_space<vmem>>[vector<16xi32>], vector<16xf32>, vector<16xi1>
      %mul3A_298 = arith.constant 16 : i32
      %mul3A_299 = arith.muli %scan3A_60, %mul3A_298 : i32
      %swap3A_300 = arith.constant 23 : i32
      %swap3A_301 = arith.index_cast %swap3A_300 : i32 to index
      %swap3A_302 = arith.index_cast %mul3A_299 : i32 to index
      %swap3A_303 = tpu.vector_load %arg9[%swap3A_301, %swap3A_302] {strides = array<i32>} : memref<64x576xf32, #tpu.memory_space<vmem>>, vector<16xf32>,
      tpu.vector_store %arg9[%swap3A_301, %swap3A_302], %gather3A_297 {strides = array<i32>} : memref<64x576xf32, #tpu.memory_space<vmem>>, vector<16xf32>,
      %add3A_304 = arith.constant 24576 : i32
      %add3A_305 = vector.broadcast %add3A_304 : i32 to vector<16xi32>
      %add3A_306 = arith.addi %gather3A, %add3A_305 : vector<16xi32>
      %gather3A_307 = tpu.vector_load_idx %arg7[%add3A_306] masked %lt3A_21 : memref<65536xf32, #tpu.memory_space<vmem>>[vector<16xi32>], vector<16xf32>, vector<16xi1>
      %mul3A_308 = arith.constant 16 : i32
      %mul3A_309 = arith.muli %scan3A_60, %mul3A_308 : i32
      %swap3A_310 = arith.constant 24 : i32
      %swap3A_311 = arith.index_cast %swap3A_310 : i32 to index
      %swap3A_312 = arith.index_cast %mul3A_309 : i32 to index
      %swap3A_313 = tpu.vector_load %arg9[%swap3A_311, %swap3A_312] {strides = array<i32>} : memref<64x576xf32, #tpu.memory_space<vmem>>, vector<16xf32>,
      tpu.vector_store %arg9[%swap3A_311, %swap3A_312], %gather3A_307 {strides = array<i32>} : memref<64x576xf32, #tpu.memory_space<vmem>>, vector<16xf32>,
      %add3A_314 = arith.constant 25600 : i32
      %add3A_315 = vector.broadcast %add3A_314 : i32 to vector<16xi32>
      %add3A_316 = arith.addi %gather3A, %add3A_315 : vector<16xi32>
      %gather3A_317 = tpu.vector_load_idx %arg7[%add3A_316] masked %lt3A_21 : memref<65536xf32, #tpu.memory_space<vmem>>[vector<16xi32>], vector<16xf32>, vector<16xi1>
      %mul3A_318 = arith.constant 16 : i32
      %mul3A_319 = arith.muli %scan3A_60, %mul3A_318 : i32
      %swap3A_320 = arith.constant 25 : i32
      %swap3A_321 = arith.index_cast %swap3A_320 : i32 to index
      %swap3A_322 = arith.index_cast %mul3A_319 : i32 to index
      %swap3A_323 = tpu.vector_load %arg9[%swap3A_321, %swap3A_322] {strides = array<i32>} : memref<64x576xf32, #tpu.memory_space<vmem>>, vector<16xf32>,
      tpu.vector_store %arg9[%swap3A_321, %swap3A_322], %gather3A_317 {strides = array<i32>} : memref<64x576xf32, #tpu.memory_space<vmem>>, vector<16xf32>,
      %add3A_324 = arith.constant 26624 : i32
      %add3A_325 = vector.broadcast %add3A_324 : i32 to vector<16xi32>
      %add3A_326 = arith.addi %gather3A, %add3A_325 : vector<16xi32>
      %gather3A_327 = tpu.vector_load_idx %arg7[%add3A_326] masked %lt3A_21 : memref<65536xf32, #tpu.memory_space<vmem>>[vector<16xi32>], vector<16xf32>, vector<16xi1>
      %mul3A_328 = arith.constant 16 : i32
      %mul3A_329 = arith.muli %scan3A_60, %mul3A_328 : i32
      %swap3A_330 = arith.constant 26 : i32
      %swap3A_331 = arith.index_cast %swap3A_330 : i32 to index
      %swap3A_332 = arith.index_cast %mul3A_329 : i32 to index
      %swap3A_333 = tpu.vector_load %arg9[%swap3A_331, %swap3A_332] {strides = array<i32>} : memref<64x576xf32, #tpu.memory_space<vmem>>, vector<16xf32>,
      tpu.vector_store %arg9[%swap3A_331, %swap3A_332], %gather3A_327 {strides = array<i32>} : memref<64x576xf32, #tpu.memory_space<vmem>>, vector<16xf32>,
      %add3A_334 = arith.constant 27648 : i32
      %add3A_335 = vector.broadcast %add3A_334 : i32 to vector<16xi32>
      %add3A_336 = arith.addi %gather3A, %add3A_335 : vector<16xi32>
      %gather3A_337 = tpu.vector_load_idx %arg7[%add3A_336] masked %lt3A_21 : memref<65536xf32, #tpu.memory_space<vmem>>[vector<16xi32>], vector<16xf32>, vector<16xi1>
      %mul3A_338 = arith.constant 16 : i32
      %mul3A_339 = arith.muli %scan3A_60, %mul3A_338 : i32
      %swap3A_340 = arith.constant 27 : i32
      %swap3A_341 = arith.index_cast %swap3A_340 : i32 to index
      %swap3A_342 = arith.index_cast %mul3A_339 : i32 to index
      %swap3A_343 = tpu.vector_load %arg9[%swap3A_341, %swap3A_342] {strides = array<i32>} : memref<64x576xf32, #tpu.memory_space<vmem>>, vector<16xf32>,
      tpu.vector_store %arg9[%swap3A_341, %swap3A_342], %gather3A_337 {strides = array<i32>} : memref<64x576xf32, #tpu.memory_space<vmem>>, vector<16xf32>,
      %add3A_344 = arith.constant 28672 : i32
      %add3A_345 = vector.broadcast %add3A_344 : i32 to vector<16xi32>
      %add3A_346 = arith.addi %gather3A, %add3A_345 : vector<16xi32>
      %gather3A_347 = tpu.vector_load_idx %arg7[%add3A_346] masked %lt3A_21 : memref<65536xf32, #tpu.memory_space<vmem>>[vector<16xi32>], vector<16xf32>, vector<16xi1>
      %mul3A_348 = arith.constant 16 : i32
      %mul3A_349 = arith.muli %scan3A_60, %mul3A_348 : i32
      %swap3A_350 = arith.constant 28 : i32
      %swap3A_351 = arith.index_cast %swap3A_350 : i32 to index
      %swap3A_352 = arith.index_cast %mul3A_349 : i32 to index
      %swap3A_353 = tpu.vector_load %arg9[%swap3A_351, %swap3A_352] {strides = array<i32>} : memref<64x576xf32, #tpu.memory_space<vmem>>, vector<16xf32>,
      tpu.vector_store %arg9[%swap3A_351, %swap3A_352], %gather3A_347 {strides = array<i32>} : memref<64x576xf32, #tpu.memory_space<vmem>>, vector<16xf32>,
      %add3A_354 = arith.constant 29696 : i32
      %add3A_355 = vector.broadcast %add3A_354 : i32 to vector<16xi32>
      %add3A_356 = arith.addi %gather3A, %add3A_355 : vector<16xi32>
      %gather3A_357 = tpu.vector_load_idx %arg7[%add3A_356] masked %lt3A_21 : memref<65536xf32, #tpu.memory_space<vmem>>[vector<16xi32>], vector<16xf32>, vector<16xi1>
      %mul3A_358 = arith.constant 16 : i32
      %mul3A_359 = arith.muli %scan3A_60, %mul3A_358 : i32
      %swap3A_360 = arith.constant 29 : i32
      %swap3A_361 = arith.index_cast %swap3A_360 : i32 to index
      %swap3A_362 = arith.index_cast %mul3A_359 : i32 to index
      %swap3A_363 = tpu.vector_load %arg9[%swap3A_361, %swap3A_362] {strides = array<i32>} : memref<64x576xf32, #tpu.memory_space<vmem>>, vector<16xf32>,
      tpu.vector_store %arg9[%swap3A_361, %swap3A_362], %gather3A_357 {strides = array<i32>} : memref<64x576xf32, #tpu.memory_space<vmem>>, vector<16xf32>,
      %add3A_364 = arith.constant 30720 : i32
      %add3A_365 = vector.broadcast %add3A_364 : i32 to vector<16xi32>
      %add3A_366 = arith.addi %gather3A, %add3A_365 : vector<16xi32>
      %gather3A_367 = tpu.vector_load_idx %arg7[%add3A_366] masked %lt3A_21 : memref<65536xf32, #tpu.memory_space<vmem>>[vector<16xi32>], vector<16xf32>, vector<16xi1>
      %mul3A_368 = arith.constant 16 : i32
      %mul3A_369 = arith.muli %scan3A_60, %mul3A_368 : i32
      %swap3A_370 = arith.constant 30 : i32
      %swap3A_371 = arith.index_cast %swap3A_370 : i32 to index
      %swap3A_372 = arith.index_cast %mul3A_369 : i32 to index
      %swap3A_373 = tpu.vector_load %arg9[%swap3A_371, %swap3A_372] {strides = array<i32>} : memref<64x576xf32, #tpu.memory_space<vmem>>, vector<16xf32>,
      tpu.vector_store %arg9[%swap3A_371, %swap3A_372], %gather3A_367 {strides = array<i32>} : memref<64x576xf32, #tpu.memory_space<vmem>>, vector<16xf32>,
      %add3A_374 = arith.constant 31744 : i32
      %add3A_375 = vector.broadcast %add3A_374 : i32 to vector<16xi32>
      %add3A_376 = arith.addi %gather3A, %add3A_375 : vector<16xi32>
      %gather3A_377 = tpu.vector_load_idx %arg7[%add3A_376] masked %lt3A_21 : memref<65536xf32, #tpu.memory_space<vmem>>[vector<16xi32>], vector<16xf32>, vector<16xi1>
      %mul3A_378 = arith.constant 16 : i32
      %mul3A_379 = arith.muli %scan3A_60, %mul3A_378 : i32
      %swap3A_380 = arith.constant 31 : i32
      %swap3A_381 = arith.index_cast %swap3A_380 : i32 to index
      %swap3A_382 = arith.index_cast %mul3A_379 : i32 to index
      %swap3A_383 = tpu.vector_load %arg9[%swap3A_381, %swap3A_382] {strides = array<i32>} : memref<64x576xf32, #tpu.memory_space<vmem>>, vector<16xf32>,
      tpu.vector_store %arg9[%swap3A_381, %swap3A_382], %gather3A_377 {strides = array<i32>} : memref<64x576xf32, #tpu.memory_space<vmem>>, vector<16xf32>,
      %add3A_384 = arith.constant 32768 : i32
      %add3A_385 = vector.broadcast %add3A_384 : i32 to vector<16xi32>
      %add3A_386 = arith.addi %gather3A, %add3A_385 : vector<16xi32>
      %gather3A_387 = tpu.vector_load_idx %arg7[%add3A_386] masked %lt3A_21 : memref<65536xf32, #tpu.memory_space<vmem>>[vector<16xi32>], vector<16xf32>, vector<16xi1>
      %mul3A_388 = arith.constant 16 : i32
      %mul3A_389 = arith.muli %scan3A_60, %mul3A_388 : i32
      %swap3A_390 = arith.constant 32 : i32
      %swap3A_391 = arith.index_cast %swap3A_390 : i32 to index
      %swap3A_392 = arith.index_cast %mul3A_389 : i32 to index
      %swap3A_393 = tpu.vector_load %arg9[%swap3A_391, %swap3A_392] {strides = array<i32>} : memref<64x576xf32, #tpu.memory_space<vmem>>, vector<16xf32>,
      tpu.vector_store %arg9[%swap3A_391, %swap3A_392], %gather3A_387 {strides = array<i32>} : memref<64x576xf32, #tpu.memory_space<vmem>>, vector<16xf32>,
      %add3A_394 = arith.constant 33792 : i32
      %add3A_395 = vector.broadcast %add3A_394 : i32 to vector<16xi32>
      %add3A_396 = arith.addi %gather3A, %add3A_395 : vector<16xi32>
      %gather3A_397 = tpu.vector_load_idx %arg7[%add3A_396] masked %lt3A_21 : memref<65536xf32, #tpu.memory_space<vmem>>[vector<16xi32>], vector<16xf32>, vector<16xi1>
      %mul3A_398 = arith.constant 16 : i32
      %mul3A_399 = arith.muli %scan3A_60, %mul3A_398 : i32
      %swap3A_400 = arith.constant 33 : i32
      %swap3A_401 = arith.index_cast %swap3A_400 : i32 to index
      %swap3A_402 = arith.index_cast %mul3A_399 : i32 to index
      %swap3A_403 = tpu.vector_load %arg9[%swap3A_401, %swap3A_402] {strides = array<i32>} : memref<64x576xf32, #tpu.memory_space<vmem>>, vector<16xf32>,
      tpu.vector_store %arg9[%swap3A_401, %swap3A_402], %gather3A_397 {strides = array<i32>} : memref<64x576xf32, #tpu.memory_space<vmem>>, vector<16xf32>,
      %add3A_404 = arith.constant 34816 : i32
      %add3A_405 = vector.broadcast %add3A_404 : i32 to vector<16xi32>
      %add3A_406 = arith.addi %gather3A, %add3A_405 : vector<16xi32>
      %gather3A_407 = tpu.vector_load_idx %arg7[%add3A_406] masked %lt3A_21 : memref<65536xf32, #tpu.memory_space<vmem>>[vector<16xi32>], vector<16xf32>, vector<16xi1>
      %mul3A_408 = arith.constant 16 : i32
      %mul3A_409 = arith.muli %scan3A_60, %mul3A_408 : i32
      %swap3A_410 = arith.constant 34 : i32
      %swap3A_411 = arith.index_cast %swap3A_410 : i32 to index
      %swap3A_412 = arith.index_cast %mul3A_409 : i32 to index
      %swap3A_413 = tpu.vector_load %arg9[%swap3A_411, %swap3A_412] {strides = array<i32>} : memref<64x576xf32, #tpu.memory_space<vmem>>, vector<16xf32>,
      tpu.vector_store %arg9[%swap3A_411, %swap3A_412], %gather3A_407 {strides = array<i32>} : memref<64x576xf32, #tpu.memory_space<vmem>>, vector<16xf32>,
      %add3A_414 = arith.constant 35840 : i32
      %add3A_415 = vector.broadcast %add3A_414 : i32 to vector<16xi32>
      %add3A_416 = arith.addi %gather3A, %add3A_415 : vector<16xi32>
      %gather3A_417 = tpu.vector_load_idx %arg7[%add3A_416] masked %lt3A_21 : memref<65536xf32, #tpu.memory_space<vmem>>[vector<16xi32>], vector<16xf32>, vector<16xi1>
      %mul3A_418 = arith.constant 16 : i32
      %mul3A_419 = arith.muli %scan3A_60, %mul3A_418 : i32
      %swap3A_420 = arith.constant 35 : i32
      %swap3A_421 = arith.index_cast %swap3A_420 : i32 to index
      %swap3A_422 = arith.index_cast %mul3A_419 : i32 to index
      %swap3A_423 = tpu.vector_load %arg9[%swap3A_421, %swap3A_422] {strides = array<i32>} : memref<64x576xf32, #tpu.memory_space<vmem>>, vector<16xf32>,
      tpu.vector_store %arg9[%swap3A_421, %swap3A_422], %gather3A_417 {strides = array<i32>} : memref<64x576xf32, #tpu.memory_space<vmem>>, vector<16xf32>,
      %add3A_424 = arith.constant 36864 : i32
      %add3A_425 = vector.broadcast %add3A_424 : i32 to vector<16xi32>
      %add3A_426 = arith.addi %gather3A, %add3A_425 : vector<16xi32>
      %gather3A_427 = tpu.vector_load_idx %arg7[%add3A_426] masked %lt3A_21 : memref<65536xf32, #tpu.memory_space<vmem>>[vector<16xi32>], vector<16xf32>, vector<16xi1>
      %mul3A_428 = arith.constant 16 : i32
      %mul3A_429 = arith.muli %scan3A_60, %mul3A_428 : i32
      %swap3A_430 = arith.constant 36 : i32
      %swap3A_431 = arith.index_cast %swap3A_430 : i32 to index
      %swap3A_432 = arith.index_cast %mul3A_429 : i32 to index
      %swap3A_433 = tpu.vector_load %arg9[%swap3A_431, %swap3A_432] {strides = array<i32>} : memref<64x576xf32, #tpu.memory_space<vmem>>, vector<16xf32>,
      tpu.vector_store %arg9[%swap3A_431, %swap3A_432], %gather3A_427 {strides = array<i32>} : memref<64x576xf32, #tpu.memory_space<vmem>>, vector<16xf32>,
      %add3A_434 = arith.constant 37888 : i32
      %add3A_435 = vector.broadcast %add3A_434 : i32 to vector<16xi32>
      %add3A_436 = arith.addi %gather3A, %add3A_435 : vector<16xi32>
      %gather3A_437 = tpu.vector_load_idx %arg7[%add3A_436] masked %lt3A_21 : memref<65536xf32, #tpu.memory_space<vmem>>[vector<16xi32>], vector<16xf32>, vector<16xi1>
      %mul3A_438 = arith.constant 16 : i32
      %mul3A_439 = arith.muli %scan3A_60, %mul3A_438 : i32
      %swap3A_440 = arith.constant 37 : i32
      %swap3A_441 = arith.index_cast %swap3A_440 : i32 to index
      %swap3A_442 = arith.index_cast %mul3A_439 : i32 to index
      %swap3A_443 = tpu.vector_load %arg9[%swap3A_441, %swap3A_442] {strides = array<i32>} : memref<64x576xf32, #tpu.memory_space<vmem>>, vector<16xf32>,
      tpu.vector_store %arg9[%swap3A_441, %swap3A_442], %gather3A_437 {strides = array<i32>} : memref<64x576xf32, #tpu.memory_space<vmem>>, vector<16xf32>,
      %add3A_444 = arith.constant 38912 : i32
      %add3A_445 = vector.broadcast %add3A_444 : i32 to vector<16xi32>
      %add3A_446 = arith.addi %gather3A, %add3A_445 : vector<16xi32>
      %gather3A_447 = tpu.vector_load_idx %arg7[%add3A_446] masked %lt3A_21 : memref<65536xf32, #tpu.memory_space<vmem>>[vector<16xi32>], vector<16xf32>, vector<16xi1>
      %mul3A_448 = arith.constant 16 : i32
      %mul3A_449 = arith.muli %scan3A_60, %mul3A_448 : i32
      %swap3A_450 = arith.constant 38 : i32
      %swap3A_451 = arith.index_cast %swap3A_450 : i32 to index
      %swap3A_452 = arith.index_cast %mul3A_449 : i32 to index
      %swap3A_453 = tpu.vector_load %arg9[%swap3A_451, %swap3A_452] {strides = array<i32>} : memref<64x576xf32, #tpu.memory_space<vmem>>, vector<16xf32>,
      tpu.vector_store %arg9[%swap3A_451, %swap3A_452], %gather3A_447 {strides = array<i32>} : memref<64x576xf32, #tpu.memory_space<vmem>>, vector<16xf32>,
      %add3A_454 = arith.constant 39936 : i32
      %add3A_455 = vector.broadcast %add3A_454 : i32 to vector<16xi32>
      %add3A_456 = arith.addi %gather3A, %add3A_455 : vector<16xi32>
      %gather3A_457 = tpu.vector_load_idx %arg7[%add3A_456] masked %lt3A_21 : memref<65536xf32, #tpu.memory_space<vmem>>[vector<16xi32>], vector<16xf32>, vector<16xi1>
      %mul3A_458 = arith.constant 16 : i32
      %mul3A_459 = arith.muli %scan3A_60, %mul3A_458 : i32
      %swap3A_460 = arith.constant 39 : i32
      %swap3A_461 = arith.index_cast %swap3A_460 : i32 to index
      %swap3A_462 = arith.index_cast %mul3A_459 : i32 to index
      %swap3A_463 = tpu.vector_load %arg9[%swap3A_461, %swap3A_462] {strides = array<i32>} : memref<64x576xf32, #tpu.memory_space<vmem>>, vector<16xf32>,
      tpu.vector_store %arg9[%swap3A_461, %swap3A_462], %gather3A_457 {strides = array<i32>} : memref<64x576xf32, #tpu.memory_space<vmem>>, vector<16xf32>,
      %add3A_464 = arith.constant 40960 : i32
      %add3A_465 = vector.broadcast %add3A_464 : i32 to vector<16xi32>
      %add3A_466 = arith.addi %gather3A, %add3A_465 : vector<16xi32>
      %gather3A_467 = tpu.vector_load_idx %arg7[%add3A_466] masked %lt3A_21 : memref<65536xf32, #tpu.memory_space<vmem>>[vector<16xi32>], vector<16xf32>, vector<16xi1>
      %mul3A_468 = arith.constant 16 : i32
      %mul3A_469 = arith.muli %scan3A_60, %mul3A_468 : i32
      %swap3A_470 = arith.constant 40 : i32
      %swap3A_471 = arith.index_cast %swap3A_470 : i32 to index
      %swap3A_472 = arith.index_cast %mul3A_469 : i32 to index
      %swap3A_473 = tpu.vector_load %arg9[%swap3A_471, %swap3A_472] {strides = array<i32>} : memref<64x576xf32, #tpu.memory_space<vmem>>, vector<16xf32>,
      tpu.vector_store %arg9[%swap3A_471, %swap3A_472], %gather3A_467 {strides = array<i32>} : memref<64x576xf32, #tpu.memory_space<vmem>>, vector<16xf32>,
      %add3A_474 = arith.constant 41984 : i32
      %add3A_475 = vector.broadcast %add3A_474 : i32 to vector<16xi32>
      %add3A_476 = arith.addi %gather3A, %add3A_475 : vector<16xi32>
      %gather3A_477 = tpu.vector_load_idx %arg7[%add3A_476] masked %lt3A_21 : memref<65536xf32, #tpu.memory_space<vmem>>[vector<16xi32>], vector<16xf32>, vector<16xi1>
      %mul3A_478 = arith.constant 16 : i32
      %mul3A_479 = arith.muli %scan3A_60, %mul3A_478 : i32
      %swap3A_480 = arith.constant 41 : i32
      %swap3A_481 = arith.index_cast %swap3A_480 : i32 to index
      %swap3A_482 = arith.index_cast %mul3A_479 : i32 to index
      %swap3A_483 = tpu.vector_load %arg9[%swap3A_481, %swap3A_482] {strides = array<i32>} : memref<64x576xf32, #tpu.memory_space<vmem>>, vector<16xf32>,
      tpu.vector_store %arg9[%swap3A_481, %swap3A_482], %gather3A_477 {strides = array<i32>} : memref<64x576xf32, #tpu.memory_space<vmem>>, vector<16xf32>,
      %add3A_484 = arith.constant 43008 : i32
      %add3A_485 = vector.broadcast %add3A_484 : i32 to vector<16xi32>
      %add3A_486 = arith.addi %gather3A, %add3A_485 : vector<16xi32>
      %gather3A_487 = tpu.vector_load_idx %arg7[%add3A_486] masked %lt3A_21 : memref<65536xf32, #tpu.memory_space<vmem>>[vector<16xi32>], vector<16xf32>, vector<16xi1>
      %mul3A_488 = arith.constant 16 : i32
      %mul3A_489 = arith.muli %scan3A_60, %mul3A_488 : i32
      %swap3A_490 = arith.constant 42 : i32
      %swap3A_491 = arith.index_cast %swap3A_490 : i32 to index
      %swap3A_492 = arith.index_cast %mul3A_489 : i32 to index
      %swap3A_493 = tpu.vector_load %arg9[%swap3A_491, %swap3A_492] {strides = array<i32>} : memref<64x576xf32, #tpu.memory_space<vmem>>, vector<16xf32>,
      tpu.vector_store %arg9[%swap3A_491, %swap3A_492], %gather3A_487 {strides = array<i32>} : memref<64x576xf32, #tpu.memory_space<vmem>>, vector<16xf32>,
      %add3A_494 = arith.constant 44032 : i32
      %add3A_495 = vector.broadcast %add3A_494 : i32 to vector<16xi32>
      %add3A_496 = arith.addi %gather3A, %add3A_495 : vector<16xi32>
      %gather3A_497 = tpu.vector_load_idx %arg7[%add3A_496] masked %lt3A_21 : memref<65536xf32, #tpu.memory_space<vmem>>[vector<16xi32>], vector<16xf32>, vector<16xi1>
      %mul3A_498 = arith.constant 16 : i32
      %mul3A_499 = arith.muli %scan3A_60, %mul3A_498 : i32
      %swap3A_500 = arith.constant 43 : i32
      %swap3A_501 = arith.index_cast %swap3A_500 : i32 to index
      %swap3A_502 = arith.index_cast %mul3A_499 : i32 to index
      %swap3A_503 = tpu.vector_load %arg9[%swap3A_501, %swap3A_502] {strides = array<i32>} : memref<64x576xf32, #tpu.memory_space<vmem>>, vector<16xf32>,
      tpu.vector_store %arg9[%swap3A_501, %swap3A_502], %gather3A_497 {strides = array<i32>} : memref<64x576xf32, #tpu.memory_space<vmem>>, vector<16xf32>,
      %add3A_504 = arith.constant 45056 : i32
      %add3A_505 = vector.broadcast %add3A_504 : i32 to vector<16xi32>
      %add3A_506 = arith.addi %gather3A, %add3A_505 : vector<16xi32>
      %gather3A_507 = tpu.vector_load_idx %arg7[%add3A_506] masked %lt3A_21 : memref<65536xf32, #tpu.memory_space<vmem>>[vector<16xi32>], vector<16xf32>, vector<16xi1>
      %mul3A_508 = arith.constant 16 : i32
      %mul3A_509 = arith.muli %scan3A_60, %mul3A_508 : i32
      %swap3A_510 = arith.constant 44 : i32
      %swap3A_511 = arith.index_cast %swap3A_510 : i32 to index
      %swap3A_512 = arith.index_cast %mul3A_509 : i32 to index
      %swap3A_513 = tpu.vector_load %arg9[%swap3A_511, %swap3A_512] {strides = array<i32>} : memref<64x576xf32, #tpu.memory_space<vmem>>, vector<16xf32>,
      tpu.vector_store %arg9[%swap3A_511, %swap3A_512], %gather3A_507 {strides = array<i32>} : memref<64x576xf32, #tpu.memory_space<vmem>>, vector<16xf32>,
      %add3A_514 = arith.constant 46080 : i32
      %add3A_515 = vector.broadcast %add3A_514 : i32 to vector<16xi32>
      %add3A_516 = arith.addi %gather3A, %add3A_515 : vector<16xi32>
      %gather3A_517 = tpu.vector_load_idx %arg7[%add3A_516] masked %lt3A_21 : memref<65536xf32, #tpu.memory_space<vmem>>[vector<16xi32>], vector<16xf32>, vector<16xi1>
      %mul3A_518 = arith.constant 16 : i32
      %mul3A_519 = arith.muli %scan3A_60, %mul3A_518 : i32
      %swap3A_520 = arith.constant 45 : i32
      %swap3A_521 = arith.index_cast %swap3A_520 : i32 to index
      %swap3A_522 = arith.index_cast %mul3A_519 : i32 to index
      %swap3A_523 = tpu.vector_load %arg9[%swap3A_521, %swap3A_522] {strides = array<i32>} : memref<64x576xf32, #tpu.memory_space<vmem>>, vector<16xf32>,
      tpu.vector_store %arg9[%swap3A_521, %swap3A_522], %gather3A_517 {strides = array<i32>} : memref<64x576xf32, #tpu.memory_space<vmem>>, vector<16xf32>,
      %add3A_524 = arith.constant 47104 : i32
      %add3A_525 = vector.broadcast %add3A_524 : i32 to vector<16xi32>
      %add3A_526 = arith.addi %gather3A, %add3A_525 : vector<16xi32>
      %gather3A_527 = tpu.vector_load_idx %arg7[%add3A_526] masked %lt3A_21 : memref<65536xf32, #tpu.memory_space<vmem>>[vector<16xi32>], vector<16xf32>, vector<16xi1>
      %mul3A_528 = arith.constant 16 : i32
      %mul3A_529 = arith.muli %scan3A_60, %mul3A_528 : i32
      %swap3A_530 = arith.constant 46 : i32
      %swap3A_531 = arith.index_cast %swap3A_530 : i32 to index
      %swap3A_532 = arith.index_cast %mul3A_529 : i32 to index
      %swap3A_533 = tpu.vector_load %arg9[%swap3A_531, %swap3A_532] {strides = array<i32>} : memref<64x576xf32, #tpu.memory_space<vmem>>, vector<16xf32>,
      tpu.vector_store %arg9[%swap3A_531, %swap3A_532], %gather3A_527 {strides = array<i32>} : memref<64x576xf32, #tpu.memory_space<vmem>>, vector<16xf32>,
      %add3A_534 = arith.constant 48128 : i32
      %add3A_535 = vector.broadcast %add3A_534 : i32 to vector<16xi32>
      %add3A_536 = arith.addi %gather3A, %add3A_535 : vector<16xi32>
      %gather3A_537 = tpu.vector_load_idx %arg7[%add3A_536] masked %lt3A_21 : memref<65536xf32, #tpu.memory_space<vmem>>[vector<16xi32>], vector<16xf32>, vector<16xi1>
      %mul3A_538 = arith.constant 16 : i32
      %mul3A_539 = arith.muli %scan3A_60, %mul3A_538 : i32
      %swap3A_540 = arith.constant 47 : i32
      %swap3A_541 = arith.index_cast %swap3A_540 : i32 to index
      %swap3A_542 = arith.index_cast %mul3A_539 : i32 to index
      %swap3A_543 = tpu.vector_load %arg9[%swap3A_541, %swap3A_542] {strides = array<i32>} : memref<64x576xf32, #tpu.memory_space<vmem>>, vector<16xf32>,
      tpu.vector_store %arg9[%swap3A_541, %swap3A_542], %gather3A_537 {strides = array<i32>} : memref<64x576xf32, #tpu.memory_space<vmem>>, vector<16xf32>,
      %add3A_544 = arith.constant 49152 : i32
      %add3A_545 = vector.broadcast %add3A_544 : i32 to vector<16xi32>
      %add3A_546 = arith.addi %gather3A, %add3A_545 : vector<16xi32>
      %gather3A_547 = tpu.vector_load_idx %arg7[%add3A_546] masked %lt3A_21 : memref<65536xf32, #tpu.memory_space<vmem>>[vector<16xi32>], vector<16xf32>, vector<16xi1>
      %mul3A_548 = arith.constant 16 : i32
      %mul3A_549 = arith.muli %scan3A_60, %mul3A_548 : i32
      %swap3A_550 = arith.constant 48 : i32
      %swap3A_551 = arith.index_cast %swap3A_550 : i32 to index
      %swap3A_552 = arith.index_cast %mul3A_549 : i32 to index
      %swap3A_553 = tpu.vector_load %arg9[%swap3A_551, %swap3A_552] {strides = array<i32>} : memref<64x576xf32, #tpu.memory_space<vmem>>, vector<16xf32>,
      tpu.vector_store %arg9[%swap3A_551, %swap3A_552], %gather3A_547 {strides = array<i32>} : memref<64x576xf32, #tpu.memory_space<vmem>>, vector<16xf32>,
      %add3A_554 = arith.constant 50176 : i32
      %add3A_555 = vector.broadcast %add3A_554 : i32 to vector<16xi32>
      %add3A_556 = arith.addi %gather3A, %add3A_555 : vector<16xi32>
      %gather3A_557 = tpu.vector_load_idx %arg7[%add3A_556] masked %lt3A_21 : memref<65536xf32, #tpu.memory_space<vmem>>[vector<16xi32>], vector<16xf32>, vector<16xi1>
      %mul3A_558 = arith.constant 16 : i32
      %mul3A_559 = arith.muli %scan3A_60, %mul3A_558 : i32
      %swap3A_560 = arith.constant 49 : i32
      %swap3A_561 = arith.index_cast %swap3A_560 : i32 to index
      %swap3A_562 = arith.index_cast %mul3A_559 : i32 to index
      %swap3A_563 = tpu.vector_load %arg9[%swap3A_561, %swap3A_562] {strides = array<i32>} : memref<64x576xf32, #tpu.memory_space<vmem>>, vector<16xf32>,
      tpu.vector_store %arg9[%swap3A_561, %swap3A_562], %gather3A_557 {strides = array<i32>} : memref<64x576xf32, #tpu.memory_space<vmem>>, vector<16xf32>,
      %add3A_564 = arith.constant 51200 : i32
      %add3A_565 = vector.broadcast %add3A_564 : i32 to vector<16xi32>
      %add3A_566 = arith.addi %gather3A, %add3A_565 : vector<16xi32>
      %gather3A_567 = tpu.vector_load_idx %arg7[%add3A_566] masked %lt3A_21 : memref<65536xf32, #tpu.memory_space<vmem>>[vector<16xi32>], vector<16xf32>, vector<16xi1>
      %mul3A_568 = arith.constant 16 : i32
      %mul3A_569 = arith.muli %scan3A_60, %mul3A_568 : i32
      %swap3A_570 = arith.constant 50 : i32
      %swap3A_571 = arith.index_cast %swap3A_570 : i32 to index
      %swap3A_572 = arith.index_cast %mul3A_569 : i32 to index
      %swap3A_573 = tpu.vector_load %arg9[%swap3A_571, %swap3A_572] {strides = array<i32>} : memref<64x576xf32, #tpu.memory_space<vmem>>, vector<16xf32>,
      tpu.vector_store %arg9[%swap3A_571, %swap3A_572], %gather3A_567 {strides = array<i32>} : memref<64x576xf32, #tpu.memory_space<vmem>>, vector<16xf32>,
      %add3A_574 = arith.constant 52224 : i32
      %add3A_575 = vector.broadcast %add3A_574 : i32 to vector<16xi32>
      %add3A_576 = arith.addi %gather3A, %add3A_575 : vector<16xi32>
      %gather3A_577 = tpu.vector_load_idx %arg7[%add3A_576] masked %lt3A_21 : memref<65536xf32, #tpu.memory_space<vmem>>[vector<16xi32>], vector<16xf32>, vector<16xi1>
      %mul3A_578 = arith.constant 16 : i32
      %mul3A_579 = arith.muli %scan3A_60, %mul3A_578 : i32
      %swap3A_580 = arith.constant 51 : i32
      %swap3A_581 = arith.index_cast %swap3A_580 : i32 to index
      %swap3A_582 = arith.index_cast %mul3A_579 : i32 to index
      %swap3A_583 = tpu.vector_load %arg9[%swap3A_581, %swap3A_582] {strides = array<i32>} : memref<64x576xf32, #tpu.memory_space<vmem>>, vector<16xf32>,
      tpu.vector_store %arg9[%swap3A_581, %swap3A_582], %gather3A_577 {strides = array<i32>} : memref<64x576xf32, #tpu.memory_space<vmem>>, vector<16xf32>,
      %add3A_584 = arith.constant 53248 : i32
      %add3A_585 = vector.broadcast %add3A_584 : i32 to vector<16xi32>
      %add3A_586 = arith.addi %gather3A, %add3A_585 : vector<16xi32>
      %gather3A_587 = tpu.vector_load_idx %arg7[%add3A_586] masked %lt3A_21 : memref<65536xf32, #tpu.memory_space<vmem>>[vector<16xi32>], vector<16xf32>, vector<16xi1>
      %mul3A_588 = arith.constant 16 : i32
      %mul3A_589 = arith.muli %scan3A_60, %mul3A_588 : i32
      %swap3A_590 = arith.constant 52 : i32
      %swap3A_591 = arith.index_cast %swap3A_590 : i32 to index
      %swap3A_592 = arith.index_cast %mul3A_589 : i32 to index
      %swap3A_593 = tpu.vector_load %arg9[%swap3A_591, %swap3A_592] {strides = array<i32>} : memref<64x576xf32, #tpu.memory_space<vmem>>, vector<16xf32>,
      tpu.vector_store %arg9[%swap3A_591, %swap3A_592], %gather3A_587 {strides = array<i32>} : memref<64x576xf32, #tpu.memory_space<vmem>>, vector<16xf32>,
      %add3A_594 = arith.constant 54272 : i32
      %add3A_595 = vector.broadcast %add3A_594 : i32 to vector<16xi32>
      %add3A_596 = arith.addi %gather3A, %add3A_595 : vector<16xi32>
      %gather3A_597 = tpu.vector_load_idx %arg7[%add3A_596] masked %lt3A_21 : memref<65536xf32, #tpu.memory_space<vmem>>[vector<16xi32>], vector<16xf32>, vector<16xi1>
      %mul3A_598 = arith.constant 16 : i32
      %mul3A_599 = arith.muli %scan3A_60, %mul3A_598 : i32
      %swap3A_600 = arith.constant 53 : i32
      %swap3A_601 = arith.index_cast %swap3A_600 : i32 to index
      %swap3A_602 = arith.index_cast %mul3A_599 : i32 to index
      %swap3A_603 = tpu.vector_load %arg9[%swap3A_601, %swap3A_602] {strides = array<i32>} : memref<64x576xf32, #tpu.memory_space<vmem>>, vector<16xf32>,
      tpu.vector_store %arg9[%swap3A_601, %swap3A_602], %gather3A_597 {strides = array<i32>} : memref<64x576xf32, #tpu.memory_space<vmem>>, vector<16xf32>,
      %add3A_604 = arith.constant 55296 : i32
      %add3A_605 = vector.broadcast %add3A_604 : i32 to vector<16xi32>
      %add3A_606 = arith.addi %gather3A, %add3A_605 : vector<16xi32>
      %gather3A_607 = tpu.vector_load_idx %arg7[%add3A_606] masked %lt3A_21 : memref<65536xf32, #tpu.memory_space<vmem>>[vector<16xi32>], vector<16xf32>, vector<16xi1>
      %mul3A_608 = arith.constant 16 : i32
      %mul3A_609 = arith.muli %scan3A_60, %mul3A_608 : i32
      %swap3A_610 = arith.constant 54 : i32
      %swap3A_611 = arith.index_cast %swap3A_610 : i32 to index
      %swap3A_612 = arith.index_cast %mul3A_609 : i32 to index
      %swap3A_613 = tpu.vector_load %arg9[%swap3A_611, %swap3A_612] {strides = array<i32>} : memref<64x576xf32, #tpu.memory_space<vmem>>, vector<16xf32>,
      tpu.vector_store %arg9[%swap3A_611, %swap3A_612], %gather3A_607 {strides = array<i32>} : memref<64x576xf32, #tpu.memory_space<vmem>>, vector<16xf32>,
      %add3A_614 = arith.constant 56320 : i32
      %add3A_615 = vector.broadcast %add3A_614 : i32 to vector<16xi32>
      %add3A_616 = arith.addi %gather3A, %add3A_615 : vector<16xi32>
      %gather3A_617 = tpu.vector_load_idx %arg7[%add3A_616] masked %lt3A_21 : memref<65536xf32, #tpu.memory_space<vmem>>[vector<16xi32>], vector<16xf32>, vector<16xi1>
      %mul3A_618 = arith.constant 16 : i32
      %mul3A_619 = arith.muli %scan3A_60, %mul3A_618 : i32
      %swap3A_620 = arith.constant 55 : i32
      %swap3A_621 = arith.index_cast %swap3A_620 : i32 to index
      %swap3A_622 = arith.index_cast %mul3A_619 : i32 to index
      %swap3A_623 = tpu.vector_load %arg9[%swap3A_621, %swap3A_622] {strides = array<i32>} : memref<64x576xf32, #tpu.memory_space<vmem>>, vector<16xf32>,
      tpu.vector_store %arg9[%swap3A_621, %swap3A_622], %gather3A_617 {strides = array<i32>} : memref<64x576xf32, #tpu.memory_space<vmem>>, vector<16xf32>,
      %add3A_624 = arith.constant 57344 : i32
      %add3A_625 = vector.broadcast %add3A_624 : i32 to vector<16xi32>
      %add3A_626 = arith.addi %gather3A, %add3A_625 : vector<16xi32>
      %gather3A_627 = tpu.vector_load_idx %arg7[%add3A_626] masked %lt3A_21 : memref<65536xf32, #tpu.memory_space<vmem>>[vector<16xi32>], vector<16xf32>, vector<16xi1>
      %mul3A_628 = arith.constant 16 : i32
      %mul3A_629 = arith.muli %scan3A_60, %mul3A_628 : i32
      %swap3A_630 = arith.constant 56 : i32
      %swap3A_631 = arith.index_cast %swap3A_630 : i32 to index
      %swap3A_632 = arith.index_cast %mul3A_629 : i32 to index
      %swap3A_633 = tpu.vector_load %arg9[%swap3A_631, %swap3A_632] {strides = array<i32>} : memref<64x576xf32, #tpu.memory_space<vmem>>, vector<16xf32>,
      tpu.vector_store %arg9[%swap3A_631, %swap3A_632], %gather3A_627 {strides = array<i32>} : memref<64x576xf32, #tpu.memory_space<vmem>>, vector<16xf32>,
      %add3A_634 = arith.constant 58368 : i32
      %add3A_635 = vector.broadcast %add3A_634 : i32 to vector<16xi32>
      %add3A_636 = arith.addi %gather3A, %add3A_635 : vector<16xi32>
      %gather3A_637 = tpu.vector_load_idx %arg7[%add3A_636] masked %lt3A_21 : memref<65536xf32, #tpu.memory_space<vmem>>[vector<16xi32>], vector<16xf32>, vector<16xi1>
      %mul3A_638 = arith.constant 16 : i32
      %mul3A_639 = arith.muli %scan3A_60, %mul3A_638 : i32
      %swap3A_640 = arith.constant 57 : i32
      %swap3A_641 = arith.index_cast %swap3A_640 : i32 to index
      %swap3A_642 = arith.index_cast %mul3A_639 : i32 to index
      %swap3A_643 = tpu.vector_load %arg9[%swap3A_641, %swap3A_642] {strides = array<i32>} : memref<64x576xf32, #tpu.memory_space<vmem>>, vector<16xf32>,
      tpu.vector_store %arg9[%swap3A_641, %swap3A_642], %gather3A_637 {strides = array<i32>} : memref<64x576xf32, #tpu.memory_space<vmem>>, vector<16xf32>,
      %add3A_644 = arith.constant 59392 : i32
      %add3A_645 = vector.broadcast %add3A_644 : i32 to vector<16xi32>
      %add3A_646 = arith.addi %gather3A, %add3A_645 : vector<16xi32>
      %gather3A_647 = tpu.vector_load_idx %arg7[%add3A_646] masked %lt3A_21 : memref<65536xf32, #tpu.memory_space<vmem>>[vector<16xi32>], vector<16xf32>, vector<16xi1>
      %mul3A_648 = arith.constant 16 : i32
      %mul3A_649 = arith.muli %scan3A_60, %mul3A_648 : i32
      %swap3A_650 = arith.constant 58 : i32
      %swap3A_651 = arith.index_cast %swap3A_650 : i32 to index
      %swap3A_652 = arith.index_cast %mul3A_649 : i32 to index
      %swap3A_653 = tpu.vector_load %arg9[%swap3A_651, %swap3A_652] {strides = array<i32>} : memref<64x576xf32, #tpu.memory_space<vmem>>, vector<16xf32>,
      tpu.vector_store %arg9[%swap3A_651, %swap3A_652], %gather3A_647 {strides = array<i32>} : memref<64x576xf32, #tpu.memory_space<vmem>>, vector<16xf32>,
      %add3A_654 = arith.constant 60416 : i32
      %add3A_655 = vector.broadcast %add3A_654 : i32 to vector<16xi32>
      %add3A_656 = arith.addi %gather3A, %add3A_655 : vector<16xi32>
      %gather3A_657 = tpu.vector_load_idx %arg7[%add3A_656] masked %lt3A_21 : memref<65536xf32, #tpu.memory_space<vmem>>[vector<16xi32>], vector<16xf32>, vector<16xi1>
      %mul3A_658 = arith.constant 16 : i32
      %mul3A_659 = arith.muli %scan3A_60, %mul3A_658 : i32
      %swap3A_660 = arith.constant 59 : i32
      %swap3A_661 = arith.index_cast %swap3A_660 : i32 to index
      %swap3A_662 = arith.index_cast %mul3A_659 : i32 to index
      %swap3A_663 = tpu.vector_load %arg9[%swap3A_661, %swap3A_662] {strides = array<i32>} : memref<64x576xf32, #tpu.memory_space<vmem>>, vector<16xf32>,
      tpu.vector_store %arg9[%swap3A_661, %swap3A_662], %gather3A_657 {strides = array<i32>} : memref<64x576xf32, #tpu.memory_space<vmem>>, vector<16xf32>,
      %add3A_664 = arith.constant 61440 : i32
      %add3A_665 = vector.broadcast %add3A_664 : i32 to vector<16xi32>
      %add3A_666 = arith.addi %gather3A, %add3A_665 : vector<16xi32>
      %gather3A_667 = tpu.vector_load_idx %arg7[%add3A_666] masked %lt3A_21 : memref<65536xf32, #tpu.memory_space<vmem>>[vector<16xi32>], vector<16xf32>, vector<16xi1>
      %mul3A_668 = arith.constant 16 : i32
      %mul3A_669 = arith.muli %scan3A_60, %mul3A_668 : i32
      %swap3A_670 = arith.constant 60 : i32
      %swap3A_671 = arith.index_cast %swap3A_670 : i32 to index
      %swap3A_672 = arith.index_cast %mul3A_669 : i32 to index
      %swap3A_673 = tpu.vector_load %arg9[%swap3A_671, %swap3A_672] {strides = array<i32>} : memref<64x576xf32, #tpu.memory_space<vmem>>, vector<16xf32>,
      tpu.vector_store %arg9[%swap3A_671, %swap3A_672], %gather3A_667 {strides = array<i32>} : memref<64x576xf32, #tpu.memory_space<vmem>>, vector<16xf32>,
      %add3A_674 = arith.constant 62464 : i32
      %add3A_675 = vector.broadcast %add3A_674 : i32 to vector<16xi32>
      %add3A_676 = arith.addi %gather3A, %add3A_675 : vector<16xi32>
      %gather3A_677 = tpu.vector_load_idx %arg7[%add3A_676] masked %lt3A_21 : memref<65536xf32, #tpu.memory_space<vmem>>[vector<16xi32>], vector<16xf32>, vector<16xi1>
      %mul3A_678 = arith.constant 16 : i32
      %mul3A_679 = arith.muli %scan3A_60, %mul3A_678 : i32
      %swap3A_680 = arith.constant 61 : i32
      %swap3A_681 = arith.index_cast %swap3A_680 : i32 to index
      %swap3A_682 = arith.index_cast %mul3A_679 : i32 to index
      %swap3A_683 = tpu.vector_load %arg9[%swap3A_681, %swap3A_682] {strides = array<i32>} : memref<64x576xf32, #tpu.memory_space<vmem>>, vector<16xf32>,
      tpu.vector_store %arg9[%swap3A_681, %swap3A_682], %gather3A_677 {strides = array<i32>} : memref<64x576xf32, #tpu.memory_space<vmem>>, vector<16xf32>,
      %add3A_684 = arith.constant 63488 : i32
      %add3A_685 = vector.broadcast %add3A_684 : i32 to vector<16xi32>
      %add3A_686 = arith.addi %gather3A, %add3A_685 : vector<16xi32>
      %gather3A_687 = tpu.vector_load_idx %arg7[%add3A_686] masked %lt3A_21 : memref<65536xf32, #tpu.memory_space<vmem>>[vector<16xi32>], vector<16xf32>, vector<16xi1>
      %mul3A_688 = arith.constant 16 : i32
      %mul3A_689 = arith.muli %scan3A_60, %mul3A_688 : i32
      %swap3A_690 = arith.constant 62 : i32
      %swap3A_691 = arith.index_cast %swap3A_690 : i32 to index
      %swap3A_692 = arith.index_cast %mul3A_689 : i32 to index
      %swap3A_693 = tpu.vector_load %arg9[%swap3A_691, %swap3A_692] {strides = array<i32>} : memref<64x576xf32, #tpu.memory_space<vmem>>, vector<16xf32>,
      tpu.vector_store %arg9[%swap3A_691, %swap3A_692], %gather3A_687 {strides = array<i32>} : memref<64x576xf32, #tpu.memory_space<vmem>>, vector<16xf32>,
      %add3A_694 = arith.constant 64512 : i32
      %add3A_695 = vector.broadcast %add3A_694 : i32 to vector<16xi32>
      %add3A_696 = arith.addi %gather3A, %add3A_695 : vector<16xi32>
      %gather3A_697 = tpu.vector_load_idx %arg7[%add3A_696] masked %lt3A_21 : memref<65536xf32, #tpu.memory_space<vmem>>[vector<16xi32>], vector<16xf32>, vector<16xi1>
      %mul3A_698 = arith.constant 16 : i32
      %mul3A_699 = arith.muli %scan3A_60, %mul3A_698 : i32
      %swap3A_700 = arith.constant 63 : i32
      %swap3A_701 = arith.index_cast %swap3A_700 : i32 to index
      %swap3A_702 = arith.index_cast %mul3A_699 : i32 to index
      %swap3A_703 = tpu.vector_load %arg9[%swap3A_701, %swap3A_702] {strides = array<i32>} : memref<64x576xf32, #tpu.memory_space<vmem>>, vector<16xf32>,
      tpu.vector_store %arg9[%swap3A_701, %swap3A_702], %gather3A_697 {strides = array<i32>} : memref<64x576xf32, #tpu.memory_space<vmem>>, vector<16xf32>,
      tpu.vector_store_idx %arg10[%gather3A], %broadcast_in_dim3A_19 masked %lt3A_21 {add = true} : memref<1024xf32, #tpu.memory_space<vmem>>[vector<16xi32>], vector<16xf32>, vector<16xi1>
    }
    %scan3A_45 = arith.constant 36 : i32
    "tpu.region"() ({
      %run_scoped3A = tpu.sem_alloc : memref<!tpu.dma_semaphore, #tpu.memory_space<semaphore_mem>>
      %dma_start3A = arith.constant 0 : i32
      %dma_start3A_60 = arith.constant 0 : i32
      %dma_start3A_61 = tpu.memref_slice %arg4[%add3A_39, %dma_start3A, %add3A, %dma_start3A_60] : memref<16x64x4x576xf32, #tpu.memory_space<hbm>> -> memref<1x64x1x576xf32, #tpu.memory_space<hbm>>
      %dma_start3A_62 = tpu.memref_squeeze %dma_start3A_61 : memref<1x64x1x576xf32, #tpu.memory_space<hbm>> -> memref<64x576xf32, #tpu.memory_space<hbm>>
      %dma_start3A_63 = arith.constant 0 : i32
      %dma_start3A_64 = arith.constant 0 : i32
      %dma_start3A_65 = tpu.memref_slice %arg4[%add3A_39, %dma_start3A_63, %add3A, %dma_start3A_64] : memref<16x64x4x576xf32, #tpu.memory_space<hbm>> -> memref<1x64x1x576xf32, #tpu.memory_space<hbm>>
      %dma_start3A_66 = tpu.memref_squeeze %dma_start3A_65 : memref<1x64x1x576xf32, #tpu.memory_space<hbm>> -> memref<64x576xf32, #tpu.memory_space<hbm>>
      tpu.enqueue_dma source(%arg9 : memref<64x576xf32, #tpu.memory_space<vmem>>) target(%dma_start3A_66 : memref<64x576xf32, #tpu.memory_space<hbm>>) target_semaphore(%run_scoped3A : memref<!tpu.dma_semaphore, #tpu.memory_space<semaphore_mem>>)
      %dma_wait3A = arith.constant 0 : i32
      %dma_wait3A_67 = arith.constant 0 : i32
      %dma_wait3A_68 = tpu.memref_slice %arg4[%add3A_39, %dma_wait3A, %add3A, %dma_wait3A_67] : memref<16x64x4x576xf32, #tpu.memory_space<hbm>> -> memref<1x64x1x576xf32, #tpu.memory_space<hbm>>
      %dma_wait3A_69 = tpu.memref_squeeze %dma_wait3A_68 : memref<1x64x1x576xf32, #tpu.memory_space<hbm>> -> memref<64x576xf32, #tpu.memory_space<hbm>>
      %dma_wait3A_70 = arith.constant 0 : i32
      %dma_wait3A_71 = arith.constant 0 : i32
      %dma_wait3A_72 = tpu.memref_slice %arg4[%add3A_39, %dma_wait3A_70, %add3A, %dma_wait3A_71] : memref<16x64x4x576xf32, #tpu.memory_space<hbm>> -> memref<1x64x1x576xf32, #tpu.memory_space<hbm>>
      %dma_wait3A_73 = tpu.memref_squeeze %dma_wait3A_72 : memref<1x64x1x576xf32, #tpu.memory_space<hbm>> -> memref<64x576xf32, #tpu.memory_space<hbm>>
      tpu.wait_dma2 semaphore(%run_scoped3A : memref<!tpu.dma_semaphore, #tpu.memory_space<semaphore_mem>>) src(%arg9 : memref<64x576xf32, #tpu.memory_space<vmem>>) dst(%dma_wait3A_73 : memref<64x576xf32, #tpu.memory_space<hbm>>)
      tpu.yield
    }) : () -> ()
    %mul3A_46 = arith.constant 2 : i32
    %mul3A_47 = arith.muli %rem3A_18, %mul3A_46 : i32
    %add3A_48 = arith.constant 1 : i32
    %add3A_49 = arith.addi %mul3A_47, %add3A_48 : i32
    "tpu.region"() ({
      %run_scoped3A = tpu.sem_alloc : memref<!tpu.dma_semaphore, #tpu.memory_space<semaphore_mem>>
      %dma_start3A = arith.constant 0 : i32
      %dma_start3A_60 = tpu.memref_slice %arg3[%add3A_49, %dma_start3A] : memref<16x2304xi32, #tpu.memory_space<hbm>> -> memref<1x2304xi32, #tpu.memory_space<hbm>>
      %dma_start3A_61 = tpu.memref_squeeze %dma_start3A_60 : memref<1x2304xi32, #tpu.memory_space<hbm>> -> memref<2304xi32, #tpu.memory_space<hbm>>
      %dma_start3A_62 = arith.constant 0 : i32
      %dma_start3A_63 = tpu.memref_slice %arg3[%add3A_49, %dma_start3A_62] : memref<16x2304xi32, #tpu.memory_space<hbm>> -> memref<1x2304xi32, #tpu.memory_space<hbm>>
      %dma_start3A_64 = tpu.memref_squeeze %dma_start3A_63 : memref<1x2304xi32, #tpu.memory_space<hbm>> -> memref<2304xi32, #tpu.memory_space<hbm>>
      tpu.enqueue_dma source(%dma_start3A_64 : memref<2304xi32, #tpu.memory_space<hbm>>) target(%arg8 : memref<2304xi32, #tpu.memory_space<vmem>>) target_semaphore(%run_scoped3A : memref<!tpu.dma_semaphore, #tpu.memory_space<semaphore_mem>>)
      %dma_wait3A = arith.constant 0 : i32
      %dma_wait3A_65 = tpu.memref_slice %arg3[%add3A_49, %dma_wait3A] : memref<16x2304xi32, #tpu.memory_space<hbm>> -> memref<1x2304xi32, #tpu.memory_space<hbm>>
      %dma_wait3A_66 = tpu.memref_squeeze %dma_wait3A_65 : memref<1x2304xi32, #tpu.memory_space<hbm>> -> memref<2304xi32, #tpu.memory_space<hbm>>
      %dma_wait3A_67 = arith.constant 0 : i32
      %dma_wait3A_68 = tpu.memref_slice %arg3[%add3A_49, %dma_wait3A_67] : memref<16x2304xi32, #tpu.memory_space<hbm>> -> memref<1x2304xi32, #tpu.memory_space<hbm>>
      %dma_wait3A_69 = tpu.memref_squeeze %dma_wait3A_68 : memref<1x2304xi32, #tpu.memory_space<hbm>> -> memref<2304xi32, #tpu.memory_space<hbm>>
      tpu.wait_dma2 semaphore(%run_scoped3A : memref<!tpu.dma_semaphore, #tpu.memory_space<semaphore_mem>>) src(%dma_wait3A_69 : memref<2304xi32, #tpu.memory_space<hbm>>) dst(%arg8 : memref<2304xi32, #tpu.memory_space<vmem>>)
      tpu.yield
    }) : () -> ()
    %scan3A_50 = arith.constant 0 : i32
    %scan3A_51 = arith.constant 0 : i32
    %scan3A_52 = arith.constant 36 : i32
    %scan3A_53 = arith.addi %scan3A_51, %scan3A_52 : i32
    %scan3A_54 = arith.constant 1 : i32
    scf.for %scan3A_60 = %scan3A_51 to %scan3A_53 step %scan3A_54  : i32 {
      %mul3A_61 = arith.constant 64 : i32
      %mul3A_62 = arith.muli %scan3A_60, %mul3A_61 : i32
      %add3A_63 = vector.broadcast %mul3A_62 : i32 to vector<16xi32>
      %add3A_64 = arith.addi %add3A_35, %add3A_63 : vector<16xi32>
      %gather3A = tpu.vector_load_idx %arg8[%add3A_64] masked %lt3A_21 : memref<2304xi32, #tpu.memory_space<vmem>>[vector<16xi32>], vector<16xi32>, vector<16xi1>
      %add3A_65 = arith.constant 0 : i32
      %add3A_66 = vector.broadcast %add3A_65 : i32 to vector<16xi32>
      %add3A_67 = arith.addi %gather3A, %add3A_66 : vector<16xi32>
      %gather3A_68 = tpu.vector_load_idx %arg7[%add3A_67] masked %lt3A_21 : memref<65536xf32, #tpu.memory_space<vmem>>[vector<16xi32>], vector<16xf32>, vector<16xi1>
      %mul3A_69 = arith.constant 16 : i32
      %mul3A_70 = arith.muli %scan3A_60, %mul3A_69 : i32
      %swap3A = arith.constant 0 : i32
      %swap3A_71 = arith.index_cast %swap3A : i32 to index
      %swap3A_72 = arith.index_cast %mul3A_70 : i32 to index
      %swap3A_73 = tpu.vector_load %arg9[%swap3A_71, %swap3A_72] {strides = array<i32>} : memref<64x576xf32, #tpu.memory_space<vmem>>, vector<16xf32>,
      tpu.vector_store %arg9[%swap3A_71, %swap3A_72], %gather3A_68 {strides = array<i32>} : memref<64x576xf32, #tpu.memory_space<vmem>>, vector<16xf32>,
      %add3A_74 = arith.constant 1024 : i32
      %add3A_75 = vector.broadcast %add3A_74 : i32 to vector<16xi32>
      %add3A_76 = arith.addi %gather3A, %add3A_75 : vector<16xi32>
      %gather3A_77 = tpu.vector_load_idx %arg7[%add3A_76] masked %lt3A_21 : memref<65536xf32, #tpu.memory_space<vmem>>[vector<16xi32>], vector<16xf32>, vector<16xi1>
      %mul3A_78 = arith.constant 16 : i32
      %mul3A_79 = arith.muli %scan3A_60, %mul3A_78 : i32
      %swap3A_80 = arith.constant 1 : i32
      %swap3A_81 = arith.index_cast %swap3A_80 : i32 to index
      %swap3A_82 = arith.index_cast %mul3A_79 : i32 to index
      %swap3A_83 = tpu.vector_load %arg9[%swap3A_81, %swap3A_82] {strides = array<i32>} : memref<64x576xf32, #tpu.memory_space<vmem>>, vector<16xf32>,
      tpu.vector_store %arg9[%swap3A_81, %swap3A_82], %gather3A_77 {strides = array<i32>} : memref<64x576xf32, #tpu.memory_space<vmem>>, vector<16xf32>,
      %add3A_84 = arith.constant 2048 : i32
      %add3A_85 = vector.broadcast %add3A_84 : i32 to vector<16xi32>
      %add3A_86 = arith.addi %gather3A, %add3A_85 : vector<16xi32>
      %gather3A_87 = tpu.vector_load_idx %arg7[%add3A_86] masked %lt3A_21 : memref<65536xf32, #tpu.memory_space<vmem>>[vector<16xi32>], vector<16xf32>, vector<16xi1>
      %mul3A_88 = arith.constant 16 : i32
      %mul3A_89 = arith.muli %scan3A_60, %mul3A_88 : i32
      %swap3A_90 = arith.constant 2 : i32
      %swap3A_91 = arith.index_cast %swap3A_90 : i32 to index
      %swap3A_92 = arith.index_cast %mul3A_89 : i32 to index
      %swap3A_93 = tpu.vector_load %arg9[%swap3A_91, %swap3A_92] {strides = array<i32>} : memref<64x576xf32, #tpu.memory_space<vmem>>, vector<16xf32>,
      tpu.vector_store %arg9[%swap3A_91, %swap3A_92], %gather3A_87 {strides = array<i32>} : memref<64x576xf32, #tpu.memory_space<vmem>>, vector<16xf32>,
      %add3A_94 = arith.constant 3072 : i32
      %add3A_95 = vector.broadcast %add3A_94 : i32 to vector<16xi32>
      %add3A_96 = arith.addi %gather3A, %add3A_95 : vector<16xi32>
      %gather3A_97 = tpu.vector_load_idx %arg7[%add3A_96] masked %lt3A_21 : memref<65536xf32, #tpu.memory_space<vmem>>[vector<16xi32>], vector<16xf32>, vector<16xi1>
      %mul3A_98 = arith.constant 16 : i32
      %mul3A_99 = arith.muli %scan3A_60, %mul3A_98 : i32
      %swap3A_100 = arith.constant 3 : i32
      %swap3A_101 = arith.index_cast %swap3A_100 : i32 to index
      %swap3A_102 = arith.index_cast %mul3A_99 : i32 to index
      %swap3A_103 = tpu.vector_load %arg9[%swap3A_101, %swap3A_102] {strides = array<i32>} : memref<64x576xf32, #tpu.memory_space<vmem>>, vector<16xf32>,
      tpu.vector_store %arg9[%swap3A_101, %swap3A_102], %gather3A_97 {strides = array<i32>} : memref<64x576xf32, #tpu.memory_space<vmem>>, vector<16xf32>,
      %add3A_104 = arith.constant 4096 : i32
      %add3A_105 = vector.broadcast %add3A_104 : i32 to vector<16xi32>
      %add3A_106 = arith.addi %gather3A, %add3A_105 : vector<16xi32>
      %gather3A_107 = tpu.vector_load_idx %arg7[%add3A_106] masked %lt3A_21 : memref<65536xf32, #tpu.memory_space<vmem>>[vector<16xi32>], vector<16xf32>, vector<16xi1>
      %mul3A_108 = arith.constant 16 : i32
      %mul3A_109 = arith.muli %scan3A_60, %mul3A_108 : i32
      %swap3A_110 = arith.constant 4 : i32
      %swap3A_111 = arith.index_cast %swap3A_110 : i32 to index
      %swap3A_112 = arith.index_cast %mul3A_109 : i32 to index
      %swap3A_113 = tpu.vector_load %arg9[%swap3A_111, %swap3A_112] {strides = array<i32>} : memref<64x576xf32, #tpu.memory_space<vmem>>, vector<16xf32>,
      tpu.vector_store %arg9[%swap3A_111, %swap3A_112], %gather3A_107 {strides = array<i32>} : memref<64x576xf32, #tpu.memory_space<vmem>>, vector<16xf32>,
      %add3A_114 = arith.constant 5120 : i32
      %add3A_115 = vector.broadcast %add3A_114 : i32 to vector<16xi32>
      %add3A_116 = arith.addi %gather3A, %add3A_115 : vector<16xi32>
      %gather3A_117 = tpu.vector_load_idx %arg7[%add3A_116] masked %lt3A_21 : memref<65536xf32, #tpu.memory_space<vmem>>[vector<16xi32>], vector<16xf32>, vector<16xi1>
      %mul3A_118 = arith.constant 16 : i32
      %mul3A_119 = arith.muli %scan3A_60, %mul3A_118 : i32
      %swap3A_120 = arith.constant 5 : i32
      %swap3A_121 = arith.index_cast %swap3A_120 : i32 to index
      %swap3A_122 = arith.index_cast %mul3A_119 : i32 to index
      %swap3A_123 = tpu.vector_load %arg9[%swap3A_121, %swap3A_122] {strides = array<i32>} : memref<64x576xf32, #tpu.memory_space<vmem>>, vector<16xf32>,
      tpu.vector_store %arg9[%swap3A_121, %swap3A_122], %gather3A_117 {strides = array<i32>} : memref<64x576xf32, #tpu.memory_space<vmem>>, vector<16xf32>,
      %add3A_124 = arith.constant 6144 : i32
      %add3A_125 = vector.broadcast %add3A_124 : i32 to vector<16xi32>
      %add3A_126 = arith.addi %gather3A, %add3A_125 : vector<16xi32>
      %gather3A_127 = tpu.vector_load_idx %arg7[%add3A_126] masked %lt3A_21 : memref<65536xf32, #tpu.memory_space<vmem>>[vector<16xi32>], vector<16xf32>, vector<16xi1>
      %mul3A_128 = arith.constant 16 : i32
      %mul3A_129 = arith.muli %scan3A_60, %mul3A_128 : i32
      %swap3A_130 = arith.constant 6 : i32
      %swap3A_131 = arith.index_cast %swap3A_130 : i32 to index
      %swap3A_132 = arith.index_cast %mul3A_129 : i32 to index
      %swap3A_133 = tpu.vector_load %arg9[%swap3A_131, %swap3A_132] {strides = array<i32>} : memref<64x576xf32, #tpu.memory_space<vmem>>, vector<16xf32>,
      tpu.vector_store %arg9[%swap3A_131, %swap3A_132], %gather3A_127 {strides = array<i32>} : memref<64x576xf32, #tpu.memory_space<vmem>>, vector<16xf32>,
      %add3A_134 = arith.constant 7168 : i32
      %add3A_135 = vector.broadcast %add3A_134 : i32 to vector<16xi32>
      %add3A_136 = arith.addi %gather3A, %add3A_135 : vector<16xi32>
      %gather3A_137 = tpu.vector_load_idx %arg7[%add3A_136] masked %lt3A_21 : memref<65536xf32, #tpu.memory_space<vmem>>[vector<16xi32>], vector<16xf32>, vector<16xi1>
      %mul3A_138 = arith.constant 16 : i32
      %mul3A_139 = arith.muli %scan3A_60, %mul3A_138 : i32
      %swap3A_140 = arith.constant 7 : i32
      %swap3A_141 = arith.index_cast %swap3A_140 : i32 to index
      %swap3A_142 = arith.index_cast %mul3A_139 : i32 to index
      %swap3A_143 = tpu.vector_load %arg9[%swap3A_141, %swap3A_142] {strides = array<i32>} : memref<64x576xf32, #tpu.memory_space<vmem>>, vector<16xf32>,
      tpu.vector_store %arg9[%swap3A_141, %swap3A_142], %gather3A_137 {strides = array<i32>} : memref<64x576xf32, #tpu.memory_space<vmem>>, vector<16xf32>,
      %add3A_144 = arith.constant 8192 : i32
      %add3A_145 = vector.broadcast %add3A_144 : i32 to vector<16xi32>
      %add3A_146 = arith.addi %gather3A, %add3A_145 : vector<16xi32>
      %gather3A_147 = tpu.vector_load_idx %arg7[%add3A_146] masked %lt3A_21 : memref<65536xf32, #tpu.memory_space<vmem>>[vector<16xi32>], vector<16xf32>, vector<16xi1>
      %mul3A_148 = arith.constant 16 : i32
      %mul3A_149 = arith.muli %scan3A_60, %mul3A_148 : i32
      %swap3A_150 = arith.constant 8 : i32
      %swap3A_151 = arith.index_cast %swap3A_150 : i32 to index
      %swap3A_152 = arith.index_cast %mul3A_149 : i32 to index
      %swap3A_153 = tpu.vector_load %arg9[%swap3A_151, %swap3A_152] {strides = array<i32>} : memref<64x576xf32, #tpu.memory_space<vmem>>, vector<16xf32>,
      tpu.vector_store %arg9[%swap3A_151, %swap3A_152], %gather3A_147 {strides = array<i32>} : memref<64x576xf32, #tpu.memory_space<vmem>>, vector<16xf32>,
      %add3A_154 = arith.constant 9216 : i32
      %add3A_155 = vector.broadcast %add3A_154 : i32 to vector<16xi32>
      %add3A_156 = arith.addi %gather3A, %add3A_155 : vector<16xi32>
      %gather3A_157 = tpu.vector_load_idx %arg7[%add3A_156] masked %lt3A_21 : memref<65536xf32, #tpu.memory_space<vmem>>[vector<16xi32>], vector<16xf32>, vector<16xi1>
      %mul3A_158 = arith.constant 16 : i32
      %mul3A_159 = arith.muli %scan3A_60, %mul3A_158 : i32
      %swap3A_160 = arith.constant 9 : i32
      %swap3A_161 = arith.index_cast %swap3A_160 : i32 to index
      %swap3A_162 = arith.index_cast %mul3A_159 : i32 to index
      %swap3A_163 = tpu.vector_load %arg9[%swap3A_161, %swap3A_162] {strides = array<i32>} : memref<64x576xf32, #tpu.memory_space<vmem>>, vector<16xf32>,
      tpu.vector_store %arg9[%swap3A_161, %swap3A_162], %gather3A_157 {strides = array<i32>} : memref<64x576xf32, #tpu.memory_space<vmem>>, vector<16xf32>,
      %add3A_164 = arith.constant 10240 : i32
      %add3A_165 = vector.broadcast %add3A_164 : i32 to vector<16xi32>
      %add3A_166 = arith.addi %gather3A, %add3A_165 : vector<16xi32>
      %gather3A_167 = tpu.vector_load_idx %arg7[%add3A_166] masked %lt3A_21 : memref<65536xf32, #tpu.memory_space<vmem>>[vector<16xi32>], vector<16xf32>, vector<16xi1>
      %mul3A_168 = arith.constant 16 : i32
      %mul3A_169 = arith.muli %scan3A_60, %mul3A_168 : i32
      %swap3A_170 = arith.constant 10 : i32
      %swap3A_171 = arith.index_cast %swap3A_170 : i32 to index
      %swap3A_172 = arith.index_cast %mul3A_169 : i32 to index
      %swap3A_173 = tpu.vector_load %arg9[%swap3A_171, %swap3A_172] {strides = array<i32>} : memref<64x576xf32, #tpu.memory_space<vmem>>, vector<16xf32>,
      tpu.vector_store %arg9[%swap3A_171, %swap3A_172], %gather3A_167 {strides = array<i32>} : memref<64x576xf32, #tpu.memory_space<vmem>>, vector<16xf32>,
      %add3A_174 = arith.constant 11264 : i32
      %add3A_175 = vector.broadcast %add3A_174 : i32 to vector<16xi32>
      %add3A_176 = arith.addi %gather3A, %add3A_175 : vector<16xi32>
      %gather3A_177 = tpu.vector_load_idx %arg7[%add3A_176] masked %lt3A_21 : memref<65536xf32, #tpu.memory_space<vmem>>[vector<16xi32>], vector<16xf32>, vector<16xi1>
      %mul3A_178 = arith.constant 16 : i32
      %mul3A_179 = arith.muli %scan3A_60, %mul3A_178 : i32
      %swap3A_180 = arith.constant 11 : i32
      %swap3A_181 = arith.index_cast %swap3A_180 : i32 to index
      %swap3A_182 = arith.index_cast %mul3A_179 : i32 to index
      %swap3A_183 = tpu.vector_load %arg9[%swap3A_181, %swap3A_182] {strides = array<i32>} : memref<64x576xf32, #tpu.memory_space<vmem>>, vector<16xf32>,
      tpu.vector_store %arg9[%swap3A_181, %swap3A_182], %gather3A_177 {strides = array<i32>} : memref<64x576xf32, #tpu.memory_space<vmem>>, vector<16xf32>,
      %add3A_184 = arith.constant 12288 : i32
      %add3A_185 = vector.broadcast %add3A_184 : i32 to vector<16xi32>
      %add3A_186 = arith.addi %gather3A, %add3A_185 : vector<16xi32>
      %gather3A_187 = tpu.vector_load_idx %arg7[%add3A_186] masked %lt3A_21 : memref<65536xf32, #tpu.memory_space<vmem>>[vector<16xi32>], vector<16xf32>, vector<16xi1>
      %mul3A_188 = arith.constant 16 : i32
      %mul3A_189 = arith.muli %scan3A_60, %mul3A_188 : i32
      %swap3A_190 = arith.constant 12 : i32
      %swap3A_191 = arith.index_cast %swap3A_190 : i32 to index
      %swap3A_192 = arith.index_cast %mul3A_189 : i32 to index
      %swap3A_193 = tpu.vector_load %arg9[%swap3A_191, %swap3A_192] {strides = array<i32>} : memref<64x576xf32, #tpu.memory_space<vmem>>, vector<16xf32>,
      tpu.vector_store %arg9[%swap3A_191, %swap3A_192], %gather3A_187 {strides = array<i32>} : memref<64x576xf32, #tpu.memory_space<vmem>>, vector<16xf32>,
      %add3A_194 = arith.constant 13312 : i32
      %add3A_195 = vector.broadcast %add3A_194 : i32 to vector<16xi32>
      %add3A_196 = arith.addi %gather3A, %add3A_195 : vector<16xi32>
      %gather3A_197 = tpu.vector_load_idx %arg7[%add3A_196] masked %lt3A_21 : memref<65536xf32, #tpu.memory_space<vmem>>[vector<16xi32>], vector<16xf32>, vector<16xi1>
      %mul3A_198 = arith.constant 16 : i32
      %mul3A_199 = arith.muli %scan3A_60, %mul3A_198 : i32
      %swap3A_200 = arith.constant 13 : i32
      %swap3A_201 = arith.index_cast %swap3A_200 : i32 to index
      %swap3A_202 = arith.index_cast %mul3A_199 : i32 to index
      %swap3A_203 = tpu.vector_load %arg9[%swap3A_201, %swap3A_202] {strides = array<i32>} : memref<64x576xf32, #tpu.memory_space<vmem>>, vector<16xf32>,
      tpu.vector_store %arg9[%swap3A_201, %swap3A_202], %gather3A_197 {strides = array<i32>} : memref<64x576xf32, #tpu.memory_space<vmem>>, vector<16xf32>,
      %add3A_204 = arith.constant 14336 : i32
      %add3A_205 = vector.broadcast %add3A_204 : i32 to vector<16xi32>
      %add3A_206 = arith.addi %gather3A, %add3A_205 : vector<16xi32>
      %gather3A_207 = tpu.vector_load_idx %arg7[%add3A_206] masked %lt3A_21 : memref<65536xf32, #tpu.memory_space<vmem>>[vector<16xi32>], vector<16xf32>, vector<16xi1>
      %mul3A_208 = arith.constant 16 : i32
      %mul3A_209 = arith.muli %scan3A_60, %mul3A_208 : i32
      %swap3A_210 = arith.constant 14 : i32
      %swap3A_211 = arith.index_cast %swap3A_210 : i32 to index
      %swap3A_212 = arith.index_cast %mul3A_209 : i32 to index
      %swap3A_213 = tpu.vector_load %arg9[%swap3A_211, %swap3A_212] {strides = array<i32>} : memref<64x576xf32, #tpu.memory_space<vmem>>, vector<16xf32>,
      tpu.vector_store %arg9[%swap3A_211, %swap3A_212], %gather3A_207 {strides = array<i32>} : memref<64x576xf32, #tpu.memory_space<vmem>>, vector<16xf32>,
      %add3A_214 = arith.constant 15360 : i32
      %add3A_215 = vector.broadcast %add3A_214 : i32 to vector<16xi32>
      %add3A_216 = arith.addi %gather3A, %add3A_215 : vector<16xi32>
      %gather3A_217 = tpu.vector_load_idx %arg7[%add3A_216] masked %lt3A_21 : memref<65536xf32, #tpu.memory_space<vmem>>[vector<16xi32>], vector<16xf32>, vector<16xi1>
      %mul3A_218 = arith.constant 16 : i32
      %mul3A_219 = arith.muli %scan3A_60, %mul3A_218 : i32
      %swap3A_220 = arith.constant 15 : i32
      %swap3A_221 = arith.index_cast %swap3A_220 : i32 to index
      %swap3A_222 = arith.index_cast %mul3A_219 : i32 to index
      %swap3A_223 = tpu.vector_load %arg9[%swap3A_221, %swap3A_222] {strides = array<i32>} : memref<64x576xf32, #tpu.memory_space<vmem>>, vector<16xf32>,
      tpu.vector_store %arg9[%swap3A_221, %swap3A_222], %gather3A_217 {strides = array<i32>} : memref<64x576xf32, #tpu.memory_space<vmem>>, vector<16xf32>,
      %add3A_224 = arith.constant 16384 : i32
      %add3A_225 = vector.broadcast %add3A_224 : i32 to vector<16xi32>
      %add3A_226 = arith.addi %gather3A, %add3A_225 : vector<16xi32>
      %gather3A_227 = tpu.vector_load_idx %arg7[%add3A_226] masked %lt3A_21 : memref<65536xf32, #tpu.memory_space<vmem>>[vector<16xi32>], vector<16xf32>, vector<16xi1>
      %mul3A_228 = arith.constant 16 : i32
      %mul3A_229 = arith.muli %scan3A_60, %mul3A_228 : i32
      %swap3A_230 = arith.constant 16 : i32
      %swap3A_231 = arith.index_cast %swap3A_230 : i32 to index
      %swap3A_232 = arith.index_cast %mul3A_229 : i32 to index
      %swap3A_233 = tpu.vector_load %arg9[%swap3A_231, %swap3A_232] {strides = array<i32>} : memref<64x576xf32, #tpu.memory_space<vmem>>, vector<16xf32>,
      tpu.vector_store %arg9[%swap3A_231, %swap3A_232], %gather3A_227 {strides = array<i32>} : memref<64x576xf32, #tpu.memory_space<vmem>>, vector<16xf32>,
      %add3A_234 = arith.constant 17408 : i32
      %add3A_235 = vector.broadcast %add3A_234 : i32 to vector<16xi32>
      %add3A_236 = arith.addi %gather3A, %add3A_235 : vector<16xi32>
      %gather3A_237 = tpu.vector_load_idx %arg7[%add3A_236] masked %lt3A_21 : memref<65536xf32, #tpu.memory_space<vmem>>[vector<16xi32>], vector<16xf32>, vector<16xi1>
      %mul3A_238 = arith.constant 16 : i32
      %mul3A_239 = arith.muli %scan3A_60, %mul3A_238 : i32
      %swap3A_240 = arith.constant 17 : i32
      %swap3A_241 = arith.index_cast %swap3A_240 : i32 to index
      %swap3A_242 = arith.index_cast %mul3A_239 : i32 to index
      %swap3A_243 = tpu.vector_load %arg9[%swap3A_241, %swap3A_242] {strides = array<i32>} : memref<64x576xf32, #tpu.memory_space<vmem>>, vector<16xf32>,
      tpu.vector_store %arg9[%swap3A_241, %swap3A_242], %gather3A_237 {strides = array<i32>} : memref<64x576xf32, #tpu.memory_space<vmem>>, vector<16xf32>,
      %add3A_244 = arith.constant 18432 : i32
      %add3A_245 = vector.broadcast %add3A_244 : i32 to vector<16xi32>
      %add3A_246 = arith.addi %gather3A, %add3A_245 : vector<16xi32>
      %gather3A_247 = tpu.vector_load_idx %arg7[%add3A_246] masked %lt3A_21 : memref<65536xf32, #tpu.memory_space<vmem>>[vector<16xi32>], vector<16xf32>, vector<16xi1>
      %mul3A_248 = arith.constant 16 : i32
      %mul3A_249 = arith.muli %scan3A_60, %mul3A_248 : i32
      %swap3A_250 = arith.constant 18 : i32
      %swap3A_251 = arith.index_cast %swap3A_250 : i32 to index
      %swap3A_252 = arith.index_cast %mul3A_249 : i32 to index
      %swap3A_253 = tpu.vector_load %arg9[%swap3A_251, %swap3A_252] {strides = array<i32>} : memref<64x576xf32, #tpu.memory_space<vmem>>, vector<16xf32>,
      tpu.vector_store %arg9[%swap3A_251, %swap3A_252], %gather3A_247 {strides = array<i32>} : memref<64x576xf32, #tpu.memory_space<vmem>>, vector<16xf32>,
      %add3A_254 = arith.constant 19456 : i32
      %add3A_255 = vector.broadcast %add3A_254 : i32 to vector<16xi32>
      %add3A_256 = arith.addi %gather3A, %add3A_255 : vector<16xi32>
      %gather3A_257 = tpu.vector_load_idx %arg7[%add3A_256] masked %lt3A_21 : memref<65536xf32, #tpu.memory_space<vmem>>[vector<16xi32>], vector<16xf32>, vector<16xi1>
      %mul3A_258 = arith.constant 16 : i32
      %mul3A_259 = arith.muli %scan3A_60, %mul3A_258 : i32
      %swap3A_260 = arith.constant 19 : i32
      %swap3A_261 = arith.index_cast %swap3A_260 : i32 to index
      %swap3A_262 = arith.index_cast %mul3A_259 : i32 to index
      %swap3A_263 = tpu.vector_load %arg9[%swap3A_261, %swap3A_262] {strides = array<i32>} : memref<64x576xf32, #tpu.memory_space<vmem>>, vector<16xf32>,
      tpu.vector_store %arg9[%swap3A_261, %swap3A_262], %gather3A_257 {strides = array<i32>} : memref<64x576xf32, #tpu.memory_space<vmem>>, vector<16xf32>,
      %add3A_264 = arith.constant 20480 : i32
      %add3A_265 = vector.broadcast %add3A_264 : i32 to vector<16xi32>
      %add3A_266 = arith.addi %gather3A, %add3A_265 : vector<16xi32>
      %gather3A_267 = tpu.vector_load_idx %arg7[%add3A_266] masked %lt3A_21 : memref<65536xf32, #tpu.memory_space<vmem>>[vector<16xi32>], vector<16xf32>, vector<16xi1>
      %mul3A_268 = arith.constant 16 : i32
      %mul3A_269 = arith.muli %scan3A_60, %mul3A_268 : i32
      %swap3A_270 = arith.constant 20 : i32
      %swap3A_271 = arith.index_cast %swap3A_270 : i32 to index
      %swap3A_272 = arith.index_cast %mul3A_269 : i32 to index
      %swap3A_273 = tpu.vector_load %arg9[%swap3A_271, %swap3A_272] {strides = array<i32>} : memref<64x576xf32, #tpu.memory_space<vmem>>, vector<16xf32>,
      tpu.vector_store %arg9[%swap3A_271, %swap3A_272], %gather3A_267 {strides = array<i32>} : memref<64x576xf32, #tpu.memory_space<vmem>>, vector<16xf32>,
      %add3A_274 = arith.constant 21504 : i32
      %add3A_275 = vector.broadcast %add3A_274 : i32 to vector<16xi32>
      %add3A_276 = arith.addi %gather3A, %add3A_275 : vector<16xi32>
      %gather3A_277 = tpu.vector_load_idx %arg7[%add3A_276] masked %lt3A_21 : memref<65536xf32, #tpu.memory_space<vmem>>[vector<16xi32>], vector<16xf32>, vector<16xi1>
      %mul3A_278 = arith.constant 16 : i32
      %mul3A_279 = arith.muli %scan3A_60, %mul3A_278 : i32
      %swap3A_280 = arith.constant 21 : i32
      %swap3A_281 = arith.index_cast %swap3A_280 : i32 to index
      %swap3A_282 = arith.index_cast %mul3A_279 : i32 to index
      %swap3A_283 = tpu.vector_load %arg9[%swap3A_281, %swap3A_282] {strides = array<i32>} : memref<64x576xf32, #tpu.memory_space<vmem>>, vector<16xf32>,
      tpu.vector_store %arg9[%swap3A_281, %swap3A_282], %gather3A_277 {strides = array<i32>} : memref<64x576xf32, #tpu.memory_space<vmem>>, vector<16xf32>,
      %add3A_284 = arith.constant 22528 : i32
      %add3A_285 = vector.broadcast %add3A_284 : i32 to vector<16xi32>
      %add3A_286 = arith.addi %gather3A, %add3A_285 : vector<16xi32>
      %gather3A_287 = tpu.vector_load_idx %arg7[%add3A_286] masked %lt3A_21 : memref<65536xf32, #tpu.memory_space<vmem>>[vector<16xi32>], vector<16xf32>, vector<16xi1>
      %mul3A_288 = arith.constant 16 : i32
      %mul3A_289 = arith.muli %scan3A_60, %mul3A_288 : i32
      %swap3A_290 = arith.constant 22 : i32
      %swap3A_291 = arith.index_cast %swap3A_290 : i32 to index
      %swap3A_292 = arith.index_cast %mul3A_289 : i32 to index
      %swap3A_293 = tpu.vector_load %arg9[%swap3A_291, %swap3A_292] {strides = array<i32>} : memref<64x576xf32, #tpu.memory_space<vmem>>, vector<16xf32>,
      tpu.vector_store %arg9[%swap3A_291, %swap3A_292], %gather3A_287 {strides = array<i32>} : memref<64x576xf32, #tpu.memory_space<vmem>>, vector<16xf32>,
      %add3A_294 = arith.constant 23552 : i32
      %add3A_295 = vector.broadcast %add3A_294 : i32 to vector<16xi32>
      %add3A_296 = arith.addi %gather3A, %add3A_295 : vector<16xi32>
      %gather3A_297 = tpu.vector_load_idx %arg7[%add3A_296] masked %lt3A_21 : memref<65536xf32, #tpu.memory_space<vmem>>[vector<16xi32>], vector<16xf32>, vector<16xi1>
      %mul3A_298 = arith.constant 16 : i32
      %mul3A_299 = arith.muli %scan3A_60, %mul3A_298 : i32
      %swap3A_300 = arith.constant 23 : i32
      %swap3A_301 = arith.index_cast %swap3A_300 : i32 to index
      %swap3A_302 = arith.index_cast %mul3A_299 : i32 to index
      %swap3A_303 = tpu.vector_load %arg9[%swap3A_301, %swap3A_302] {strides = array<i32>} : memref<64x576xf32, #tpu.memory_space<vmem>>, vector<16xf32>,
      tpu.vector_store %arg9[%swap3A_301, %swap3A_302], %gather3A_297 {strides = array<i32>} : memref<64x576xf32, #tpu.memory_space<vmem>>, vector<16xf32>,
      %add3A_304 = arith.constant 24576 : i32
      %add3A_305 = vector.broadcast %add3A_304 : i32 to vector<16xi32>
      %add3A_306 = arith.addi %gather3A, %add3A_305 : vector<16xi32>
      %gather3A_307 = tpu.vector_load_idx %arg7[%add3A_306] masked %lt3A_21 : memref<65536xf32, #tpu.memory_space<vmem>>[vector<16xi32>], vector<16xf32>, vector<16xi1>
      %mul3A_308 = arith.constant 16 : i32
      %mul3A_309 = arith.muli %scan3A_60, %mul3A_308 : i32
      %swap3A_310 = arith.constant 24 : i32
      %swap3A_311 = arith.index_cast %swap3A_310 : i32 to index
      %swap3A_312 = arith.index_cast %mul3A_309 : i32 to index
      %swap3A_313 = tpu.vector_load %arg9[%swap3A_311, %swap3A_312] {strides = array<i32>} : memref<64x576xf32, #tpu.memory_space<vmem>>, vector<16xf32>,
      tpu.vector_store %arg9[%swap3A_311, %swap3A_312], %gather3A_307 {strides = array<i32>} : memref<64x576xf32, #tpu.memory_space<vmem>>, vector<16xf32>,
      %add3A_314 = arith.constant 25600 : i32
      %add3A_315 = vector.broadcast %add3A_314 : i32 to vector<16xi32>
      %add3A_316 = arith.addi %gather3A, %add3A_315 : vector<16xi32>
      %gather3A_317 = tpu.vector_load_idx %arg7[%add3A_316] masked %lt3A_21 : memref<65536xf32, #tpu.memory_space<vmem>>[vector<16xi32>], vector<16xf32>, vector<16xi1>
      %mul3A_318 = arith.constant 16 : i32
      %mul3A_319 = arith.muli %scan3A_60, %mul3A_318 : i32
      %swap3A_320 = arith.constant 25 : i32
      %swap3A_321 = arith.index_cast %swap3A_320 : i32 to index
      %swap3A_322 = arith.index_cast %mul3A_319 : i32 to index
      %swap3A_323 = tpu.vector_load %arg9[%swap3A_321, %swap3A_322] {strides = array<i32>} : memref<64x576xf32, #tpu.memory_space<vmem>>, vector<16xf32>,
      tpu.vector_store %arg9[%swap3A_321, %swap3A_322], %gather3A_317 {strides = array<i32>} : memref<64x576xf32, #tpu.memory_space<vmem>>, vector<16xf32>,
      %add3A_324 = arith.constant 26624 : i32
      %add3A_325 = vector.broadcast %add3A_324 : i32 to vector<16xi32>
      %add3A_326 = arith.addi %gather3A, %add3A_325 : vector<16xi32>
      %gather3A_327 = tpu.vector_load_idx %arg7[%add3A_326] masked %lt3A_21 : memref<65536xf32, #tpu.memory_space<vmem>>[vector<16xi32>], vector<16xf32>, vector<16xi1>
      %mul3A_328 = arith.constant 16 : i32
      %mul3A_329 = arith.muli %scan3A_60, %mul3A_328 : i32
      %swap3A_330 = arith.constant 26 : i32
      %swap3A_331 = arith.index_cast %swap3A_330 : i32 to index
      %swap3A_332 = arith.index_cast %mul3A_329 : i32 to index
      %swap3A_333 = tpu.vector_load %arg9[%swap3A_331, %swap3A_332] {strides = array<i32>} : memref<64x576xf32, #tpu.memory_space<vmem>>, vector<16xf32>,
      tpu.vector_store %arg9[%swap3A_331, %swap3A_332], %gather3A_327 {strides = array<i32>} : memref<64x576xf32, #tpu.memory_space<vmem>>, vector<16xf32>,
      %add3A_334 = arith.constant 27648 : i32
      %add3A_335 = vector.broadcast %add3A_334 : i32 to vector<16xi32>
      %add3A_336 = arith.addi %gather3A, %add3A_335 : vector<16xi32>
      %gather3A_337 = tpu.vector_load_idx %arg7[%add3A_336] masked %lt3A_21 : memref<65536xf32, #tpu.memory_space<vmem>>[vector<16xi32>], vector<16xf32>, vector<16xi1>
      %mul3A_338 = arith.constant 16 : i32
      %mul3A_339 = arith.muli %scan3A_60, %mul3A_338 : i32
      %swap3A_340 = arith.constant 27 : i32
      %swap3A_341 = arith.index_cast %swap3A_340 : i32 to index
      %swap3A_342 = arith.index_cast %mul3A_339 : i32 to index
      %swap3A_343 = tpu.vector_load %arg9[%swap3A_341, %swap3A_342] {strides = array<i32>} : memref<64x576xf32, #tpu.memory_space<vmem>>, vector<16xf32>,
      tpu.vector_store %arg9[%swap3A_341, %swap3A_342], %gather3A_337 {strides = array<i32>} : memref<64x576xf32, #tpu.memory_space<vmem>>, vector<16xf32>,
      %add3A_344 = arith.constant 28672 : i32
      %add3A_345 = vector.broadcast %add3A_344 : i32 to vector<16xi32>
      %add3A_346 = arith.addi %gather3A, %add3A_345 : vector<16xi32>
      %gather3A_347 = tpu.vector_load_idx %arg7[%add3A_346] masked %lt3A_21 : memref<65536xf32, #tpu.memory_space<vmem>>[vector<16xi32>], vector<16xf32>, vector<16xi1>
      %mul3A_348 = arith.constant 16 : i32
      %mul3A_349 = arith.muli %scan3A_60, %mul3A_348 : i32
      %swap3A_350 = arith.constant 28 : i32
      %swap3A_351 = arith.index_cast %swap3A_350 : i32 to index
      %swap3A_352 = arith.index_cast %mul3A_349 : i32 to index
      %swap3A_353 = tpu.vector_load %arg9[%swap3A_351, %swap3A_352] {strides = array<i32>} : memref<64x576xf32, #tpu.memory_space<vmem>>, vector<16xf32>,
      tpu.vector_store %arg9[%swap3A_351, %swap3A_352], %gather3A_347 {strides = array<i32>} : memref<64x576xf32, #tpu.memory_space<vmem>>, vector<16xf32>,
      %add3A_354 = arith.constant 29696 : i32
      %add3A_355 = vector.broadcast %add3A_354 : i32 to vector<16xi32>
      %add3A_356 = arith.addi %gather3A, %add3A_355 : vector<16xi32>
      %gather3A_357 = tpu.vector_load_idx %arg7[%add3A_356] masked %lt3A_21 : memref<65536xf32, #tpu.memory_space<vmem>>[vector<16xi32>], vector<16xf32>, vector<16xi1>
      %mul3A_358 = arith.constant 16 : i32
      %mul3A_359 = arith.muli %scan3A_60, %mul3A_358 : i32
      %swap3A_360 = arith.constant 29 : i32
      %swap3A_361 = arith.index_cast %swap3A_360 : i32 to index
      %swap3A_362 = arith.index_cast %mul3A_359 : i32 to index
      %swap3A_363 = tpu.vector_load %arg9[%swap3A_361, %swap3A_362] {strides = array<i32>} : memref<64x576xf32, #tpu.memory_space<vmem>>, vector<16xf32>,
      tpu.vector_store %arg9[%swap3A_361, %swap3A_362], %gather3A_357 {strides = array<i32>} : memref<64x576xf32, #tpu.memory_space<vmem>>, vector<16xf32>,
      %add3A_364 = arith.constant 30720 : i32
      %add3A_365 = vector.broadcast %add3A_364 : i32 to vector<16xi32>
      %add3A_366 = arith.addi %gather3A, %add3A_365 : vector<16xi32>
      %gather3A_367 = tpu.vector_load_idx %arg7[%add3A_366] masked %lt3A_21 : memref<65536xf32, #tpu.memory_space<vmem>>[vector<16xi32>], vector<16xf32>, vector<16xi1>
      %mul3A_368 = arith.constant 16 : i32
      %mul3A_369 = arith.muli %scan3A_60, %mul3A_368 : i32
      %swap3A_370 = arith.constant 30 : i32
      %swap3A_371 = arith.index_cast %swap3A_370 : i32 to index
      %swap3A_372 = arith.index_cast %mul3A_369 : i32 to index
      %swap3A_373 = tpu.vector_load %arg9[%swap3A_371, %swap3A_372] {strides = array<i32>} : memref<64x576xf32, #tpu.memory_space<vmem>>, vector<16xf32>,
      tpu.vector_store %arg9[%swap3A_371, %swap3A_372], %gather3A_367 {strides = array<i32>} : memref<64x576xf32, #tpu.memory_space<vmem>>, vector<16xf32>,
      %add3A_374 = arith.constant 31744 : i32
      %add3A_375 = vector.broadcast %add3A_374 : i32 to vector<16xi32>
      %add3A_376 = arith.addi %gather3A, %add3A_375 : vector<16xi32>
      %gather3A_377 = tpu.vector_load_idx %arg7[%add3A_376] masked %lt3A_21 : memref<65536xf32, #tpu.memory_space<vmem>>[vector<16xi32>], vector<16xf32>, vector<16xi1>
      %mul3A_378 = arith.constant 16 : i32
      %mul3A_379 = arith.muli %scan3A_60, %mul3A_378 : i32
      %swap3A_380 = arith.constant 31 : i32
      %swap3A_381 = arith.index_cast %swap3A_380 : i32 to index
      %swap3A_382 = arith.index_cast %mul3A_379 : i32 to index
      %swap3A_383 = tpu.vector_load %arg9[%swap3A_381, %swap3A_382] {strides = array<i32>} : memref<64x576xf32, #tpu.memory_space<vmem>>, vector<16xf32>,
      tpu.vector_store %arg9[%swap3A_381, %swap3A_382], %gather3A_377 {strides = array<i32>} : memref<64x576xf32, #tpu.memory_space<vmem>>, vector<16xf32>,
      %add3A_384 = arith.constant 32768 : i32
      %add3A_385 = vector.broadcast %add3A_384 : i32 to vector<16xi32>
      %add3A_386 = arith.addi %gather3A, %add3A_385 : vector<16xi32>
      %gather3A_387 = tpu.vector_load_idx %arg7[%add3A_386] masked %lt3A_21 : memref<65536xf32, #tpu.memory_space<vmem>>[vector<16xi32>], vector<16xf32>, vector<16xi1>
      %mul3A_388 = arith.constant 16 : i32
      %mul3A_389 = arith.muli %scan3A_60, %mul3A_388 : i32
      %swap3A_390 = arith.constant 32 : i32
      %swap3A_391 = arith.index_cast %swap3A_390 : i32 to index
      %swap3A_392 = arith.index_cast %mul3A_389 : i32 to index
      %swap3A_393 = tpu.vector_load %arg9[%swap3A_391, %swap3A_392] {strides = array<i32>} : memref<64x576xf32, #tpu.memory_space<vmem>>, vector<16xf32>,
      tpu.vector_store %arg9[%swap3A_391, %swap3A_392], %gather3A_387 {strides = array<i32>} : memref<64x576xf32, #tpu.memory_space<vmem>>, vector<16xf32>,
      %add3A_394 = arith.constant 33792 : i32
      %add3A_395 = vector.broadcast %add3A_394 : i32 to vector<16xi32>
      %add3A_396 = arith.addi %gather3A, %add3A_395 : vector<16xi32>
      %gather3A_397 = tpu.vector_load_idx %arg7[%add3A_396] masked %lt3A_21 : memref<65536xf32, #tpu.memory_space<vmem>>[vector<16xi32>], vector<16xf32>, vector<16xi1>
      %mul3A_398 = arith.constant 16 : i32
      %mul3A_399 = arith.muli %scan3A_60, %mul3A_398 : i32
      %swap3A_400 = arith.constant 33 : i32
      %swap3A_401 = arith.index_cast %swap3A_400 : i32 to index
      %swap3A_402 = arith.index_cast %mul3A_399 : i32 to index
      %swap3A_403 = tpu.vector_load %arg9[%swap3A_401, %swap3A_402] {strides = array<i32>} : memref<64x576xf32, #tpu.memory_space<vmem>>, vector<16xf32>,
      tpu.vector_store %arg9[%swap3A_401, %swap3A_402], %gather3A_397 {strides = array<i32>} : memref<64x576xf32, #tpu.memory_space<vmem>>, vector<16xf32>,
      %add3A_404 = arith.constant 34816 : i32
      %add3A_405 = vector.broadcast %add3A_404 : i32 to vector<16xi32>
      %add3A_406 = arith.addi %gather3A, %add3A_405 : vector<16xi32>
      %gather3A_407 = tpu.vector_load_idx %arg7[%add3A_406] masked %lt3A_21 : memref<65536xf32, #tpu.memory_space<vmem>>[vector<16xi32>], vector<16xf32>, vector<16xi1>
      %mul3A_408 = arith.constant 16 : i32
      %mul3A_409 = arith.muli %scan3A_60, %mul3A_408 : i32
      %swap3A_410 = arith.constant 34 : i32
      %swap3A_411 = arith.index_cast %swap3A_410 : i32 to index
      %swap3A_412 = arith.index_cast %mul3A_409 : i32 to index
      %swap3A_413 = tpu.vector_load %arg9[%swap3A_411, %swap3A_412] {strides = array<i32>} : memref<64x576xf32, #tpu.memory_space<vmem>>, vector<16xf32>,
      tpu.vector_store %arg9[%swap3A_411, %swap3A_412], %gather3A_407 {strides = array<i32>} : memref<64x576xf32, #tpu.memory_space<vmem>>, vector<16xf32>,
      %add3A_414 = arith.constant 35840 : i32
      %add3A_415 = vector.broadcast %add3A_414 : i32 to vector<16xi32>
      %add3A_416 = arith.addi %gather3A, %add3A_415 : vector<16xi32>
      %gather3A_417 = tpu.vector_load_idx %arg7[%add3A_416] masked %lt3A_21 : memref<65536xf32, #tpu.memory_space<vmem>>[vector<16xi32>], vector<16xf32>, vector<16xi1>
      %mul3A_418 = arith.constant 16 : i32
      %mul3A_419 = arith.muli %scan3A_60, %mul3A_418 : i32
      %swap3A_420 = arith.constant 35 : i32
      %swap3A_421 = arith.index_cast %swap3A_420 : i32 to index
      %swap3A_422 = arith.index_cast %mul3A_419 : i32 to index
      %swap3A_423 = tpu.vector_load %arg9[%swap3A_421, %swap3A_422] {strides = array<i32>} : memref<64x576xf32, #tpu.memory_space<vmem>>, vector<16xf32>,
      tpu.vector_store %arg9[%swap3A_421, %swap3A_422], %gather3A_417 {strides = array<i32>} : memref<64x576xf32, #tpu.memory_space<vmem>>, vector<16xf32>,
      %add3A_424 = arith.constant 36864 : i32
      %add3A_425 = vector.broadcast %add3A_424 : i32 to vector<16xi32>
      %add3A_426 = arith.addi %gather3A, %add3A_425 : vector<16xi32>
      %gather3A_427 = tpu.vector_load_idx %arg7[%add3A_426] masked %lt3A_21 : memref<65536xf32, #tpu.memory_space<vmem>>[vector<16xi32>], vector<16xf32>, vector<16xi1>
      %mul3A_428 = arith.constant 16 : i32
      %mul3A_429 = arith.muli %scan3A_60, %mul3A_428 : i32
      %swap3A_430 = arith.constant 36 : i32
      %swap3A_431 = arith.index_cast %swap3A_430 : i32 to index
      %swap3A_432 = arith.index_cast %mul3A_429 : i32 to index
      %swap3A_433 = tpu.vector_load %arg9[%swap3A_431, %swap3A_432] {strides = array<i32>} : memref<64x576xf32, #tpu.memory_space<vmem>>, vector<16xf32>,
      tpu.vector_store %arg9[%swap3A_431, %swap3A_432], %gather3A_427 {strides = array<i32>} : memref<64x576xf32, #tpu.memory_space<vmem>>, vector<16xf32>,
      %add3A_434 = arith.constant 37888 : i32
      %add3A_435 = vector.broadcast %add3A_434 : i32 to vector<16xi32>
      %add3A_436 = arith.addi %gather3A, %add3A_435 : vector<16xi32>
      %gather3A_437 = tpu.vector_load_idx %arg7[%add3A_436] masked %lt3A_21 : memref<65536xf32, #tpu.memory_space<vmem>>[vector<16xi32>], vector<16xf32>, vector<16xi1>
      %mul3A_438 = arith.constant 16 : i32
      %mul3A_439 = arith.muli %scan3A_60, %mul3A_438 : i32
      %swap3A_440 = arith.constant 37 : i32
      %swap3A_441 = arith.index_cast %swap3A_440 : i32 to index
      %swap3A_442 = arith.index_cast %mul3A_439 : i32 to index
      %swap3A_443 = tpu.vector_load %arg9[%swap3A_441, %swap3A_442] {strides = array<i32>} : memref<64x576xf32, #tpu.memory_space<vmem>>, vector<16xf32>,
      tpu.vector_store %arg9[%swap3A_441, %swap3A_442], %gather3A_437 {strides = array<i32>} : memref<64x576xf32, #tpu.memory_space<vmem>>, vector<16xf32>,
      %add3A_444 = arith.constant 38912 : i32
      %add3A_445 = vector.broadcast %add3A_444 : i32 to vector<16xi32>
      %add3A_446 = arith.addi %gather3A, %add3A_445 : vector<16xi32>
      %gather3A_447 = tpu.vector_load_idx %arg7[%add3A_446] masked %lt3A_21 : memref<65536xf32, #tpu.memory_space<vmem>>[vector<16xi32>], vector<16xf32>, vector<16xi1>
      %mul3A_448 = arith.constant 16 : i32
      %mul3A_449 = arith.muli %scan3A_60, %mul3A_448 : i32
      %swap3A_450 = arith.constant 38 : i32
      %swap3A_451 = arith.index_cast %swap3A_450 : i32 to index
      %swap3A_452 = arith.index_cast %mul3A_449 : i32 to index
      %swap3A_453 = tpu.vector_load %arg9[%swap3A_451, %swap3A_452] {strides = array<i32>} : memref<64x576xf32, #tpu.memory_space<vmem>>, vector<16xf32>,
      tpu.vector_store %arg9[%swap3A_451, %swap3A_452], %gather3A_447 {strides = array<i32>} : memref<64x576xf32, #tpu.memory_space<vmem>>, vector<16xf32>,
      %add3A_454 = arith.constant 39936 : i32
      %add3A_455 = vector.broadcast %add3A_454 : i32 to vector<16xi32>
      %add3A_456 = arith.addi %gather3A, %add3A_455 : vector<16xi32>
      %gather3A_457 = tpu.vector_load_idx %arg7[%add3A_456] masked %lt3A_21 : memref<65536xf32, #tpu.memory_space<vmem>>[vector<16xi32>], vector<16xf32>, vector<16xi1>
      %mul3A_458 = arith.constant 16 : i32
      %mul3A_459 = arith.muli %scan3A_60, %mul3A_458 : i32
      %swap3A_460 = arith.constant 39 : i32
      %swap3A_461 = arith.index_cast %swap3A_460 : i32 to index
      %swap3A_462 = arith.index_cast %mul3A_459 : i32 to index
      %swap3A_463 = tpu.vector_load %arg9[%swap3A_461, %swap3A_462] {strides = array<i32>} : memref<64x576xf32, #tpu.memory_space<vmem>>, vector<16xf32>,
      tpu.vector_store %arg9[%swap3A_461, %swap3A_462], %gather3A_457 {strides = array<i32>} : memref<64x576xf32, #tpu.memory_space<vmem>>, vector<16xf32>,
      %add3A_464 = arith.constant 40960 : i32
      %add3A_465 = vector.broadcast %add3A_464 : i32 to vector<16xi32>
      %add3A_466 = arith.addi %gather3A, %add3A_465 : vector<16xi32>
      %gather3A_467 = tpu.vector_load_idx %arg7[%add3A_466] masked %lt3A_21 : memref<65536xf32, #tpu.memory_space<vmem>>[vector<16xi32>], vector<16xf32>, vector<16xi1>
      %mul3A_468 = arith.constant 16 : i32
      %mul3A_469 = arith.muli %scan3A_60, %mul3A_468 : i32
      %swap3A_470 = arith.constant 40 : i32
      %swap3A_471 = arith.index_cast %swap3A_470 : i32 to index
      %swap3A_472 = arith.index_cast %mul3A_469 : i32 to index
      %swap3A_473 = tpu.vector_load %arg9[%swap3A_471, %swap3A_472] {strides = array<i32>} : memref<64x576xf32, #tpu.memory_space<vmem>>, vector<16xf32>,
      tpu.vector_store %arg9[%swap3A_471, %swap3A_472], %gather3A_467 {strides = array<i32>} : memref<64x576xf32, #tpu.memory_space<vmem>>, vector<16xf32>,
      %add3A_474 = arith.constant 41984 : i32
      %add3A_475 = vector.broadcast %add3A_474 : i32 to vector<16xi32>
      %add3A_476 = arith.addi %gather3A, %add3A_475 : vector<16xi32>
      %gather3A_477 = tpu.vector_load_idx %arg7[%add3A_476] masked %lt3A_21 : memref<65536xf32, #tpu.memory_space<vmem>>[vector<16xi32>], vector<16xf32>, vector<16xi1>
      %mul3A_478 = arith.constant 16 : i32
      %mul3A_479 = arith.muli %scan3A_60, %mul3A_478 : i32
      %swap3A_480 = arith.constant 41 : i32
      %swap3A_481 = arith.index_cast %swap3A_480 : i32 to index
      %swap3A_482 = arith.index_cast %mul3A_479 : i32 to index
      %swap3A_483 = tpu.vector_load %arg9[%swap3A_481, %swap3A_482] {strides = array<i32>} : memref<64x576xf32, #tpu.memory_space<vmem>>, vector<16xf32>,
      tpu.vector_store %arg9[%swap3A_481, %swap3A_482], %gather3A_477 {strides = array<i32>} : memref<64x576xf32, #tpu.memory_space<vmem>>, vector<16xf32>,
      %add3A_484 = arith.constant 43008 : i32
      %add3A_485 = vector.broadcast %add3A_484 : i32 to vector<16xi32>
      %add3A_486 = arith.addi %gather3A, %add3A_485 : vector<16xi32>
      %gather3A_487 = tpu.vector_load_idx %arg7[%add3A_486] masked %lt3A_21 : memref<65536xf32, #tpu.memory_space<vmem>>[vector<16xi32>], vector<16xf32>, vector<16xi1>
      %mul3A_488 = arith.constant 16 : i32
      %mul3A_489 = arith.muli %scan3A_60, %mul3A_488 : i32
      %swap3A_490 = arith.constant 42 : i32
      %swap3A_491 = arith.index_cast %swap3A_490 : i32 to index
      %swap3A_492 = arith.index_cast %mul3A_489 : i32 to index
      %swap3A_493 = tpu.vector_load %arg9[%swap3A_491, %swap3A_492] {strides = array<i32>} : memref<64x576xf32, #tpu.memory_space<vmem>>, vector<16xf32>,
      tpu.vector_store %arg9[%swap3A_491, %swap3A_492], %gather3A_487 {strides = array<i32>} : memref<64x576xf32, #tpu.memory_space<vmem>>, vector<16xf32>,
      %add3A_494 = arith.constant 44032 : i32
      %add3A_495 = vector.broadcast %add3A_494 : i32 to vector<16xi32>
      %add3A_496 = arith.addi %gather3A, %add3A_495 : vector<16xi32>
      %gather3A_497 = tpu.vector_load_idx %arg7[%add3A_496] masked %lt3A_21 : memref<65536xf32, #tpu.memory_space<vmem>>[vector<16xi32>], vector<16xf32>, vector<16xi1>
      %mul3A_498 = arith.constant 16 : i32
      %mul3A_499 = arith.muli %scan3A_60, %mul3A_498 : i32
      %swap3A_500 = arith.constant 43 : i32
      %swap3A_501 = arith.index_cast %swap3A_500 : i32 to index
      %swap3A_502 = arith.index_cast %mul3A_499 : i32 to index
      %swap3A_503 = tpu.vector_load %arg9[%swap3A_501, %swap3A_502] {strides = array<i32>} : memref<64x576xf32, #tpu.memory_space<vmem>>, vector<16xf32>,
      tpu.vector_store %arg9[%swap3A_501, %swap3A_502], %gather3A_497 {strides = array<i32>} : memref<64x576xf32, #tpu.memory_space<vmem>>, vector<16xf32>,
      %add3A_504 = arith.constant 45056 : i32
      %add3A_505 = vector.broadcast %add3A_504 : i32 to vector<16xi32>
      %add3A_506 = arith.addi %gather3A, %add3A_505 : vector<16xi32>
      %gather3A_507 = tpu.vector_load_idx %arg7[%add3A_506] masked %lt3A_21 : memref<65536xf32, #tpu.memory_space<vmem>>[vector<16xi32>], vector<16xf32>, vector<16xi1>
      %mul3A_508 = arith.constant 16 : i32
      %mul3A_509 = arith.muli %scan3A_60, %mul3A_508 : i32
      %swap3A_510 = arith.constant 44 : i32
      %swap3A_511 = arith.index_cast %swap3A_510 : i32 to index
      %swap3A_512 = arith.index_cast %mul3A_509 : i32 to index
      %swap3A_513 = tpu.vector_load %arg9[%swap3A_511, %swap3A_512] {strides = array<i32>} : memref<64x576xf32, #tpu.memory_space<vmem>>, vector<16xf32>,
      tpu.vector_store %arg9[%swap3A_511, %swap3A_512], %gather3A_507 {strides = array<i32>} : memref<64x576xf32, #tpu.memory_space<vmem>>, vector<16xf32>,
      %add3A_514 = arith.constant 46080 : i32
      %add3A_515 = vector.broadcast %add3A_514 : i32 to vector<16xi32>
      %add3A_516 = arith.addi %gather3A, %add3A_515 : vector<16xi32>
      %gather3A_517 = tpu.vector_load_idx %arg7[%add3A_516] masked %lt3A_21 : memref<65536xf32, #tpu.memory_space<vmem>>[vector<16xi32>], vector<16xf32>, vector<16xi1>
      %mul3A_518 = arith.constant 16 : i32
      %mul3A_519 = arith.muli %scan3A_60, %mul3A_518 : i32
      %swap3A_520 = arith.constant 45 : i32
      %swap3A_521 = arith.index_cast %swap3A_520 : i32 to index
      %swap3A_522 = arith.index_cast %mul3A_519 : i32 to index
      %swap3A_523 = tpu.vector_load %arg9[%swap3A_521, %swap3A_522] {strides = array<i32>} : memref<64x576xf32, #tpu.memory_space<vmem>>, vector<16xf32>,
      tpu.vector_store %arg9[%swap3A_521, %swap3A_522], %gather3A_517 {strides = array<i32>} : memref<64x576xf32, #tpu.memory_space<vmem>>, vector<16xf32>,
      %add3A_524 = arith.constant 47104 : i32
      %add3A_525 = vector.broadcast %add3A_524 : i32 to vector<16xi32>
      %add3A_526 = arith.addi %gather3A, %add3A_525 : vector<16xi32>
      %gather3A_527 = tpu.vector_load_idx %arg7[%add3A_526] masked %lt3A_21 : memref<65536xf32, #tpu.memory_space<vmem>>[vector<16xi32>], vector<16xf32>, vector<16xi1>
      %mul3A_528 = arith.constant 16 : i32
      %mul3A_529 = arith.muli %scan3A_60, %mul3A_528 : i32
      %swap3A_530 = arith.constant 46 : i32
      %swap3A_531 = arith.index_cast %swap3A_530 : i32 to index
      %swap3A_532 = arith.index_cast %mul3A_529 : i32 to index
      %swap3A_533 = tpu.vector_load %arg9[%swap3A_531, %swap3A_532] {strides = array<i32>} : memref<64x576xf32, #tpu.memory_space<vmem>>, vector<16xf32>,
      tpu.vector_store %arg9[%swap3A_531, %swap3A_532], %gather3A_527 {strides = array<i32>} : memref<64x576xf32, #tpu.memory_space<vmem>>, vector<16xf32>,
      %add3A_534 = arith.constant 48128 : i32
      %add3A_535 = vector.broadcast %add3A_534 : i32 to vector<16xi32>
      %add3A_536 = arith.addi %gather3A, %add3A_535 : vector<16xi32>
      %gather3A_537 = tpu.vector_load_idx %arg7[%add3A_536] masked %lt3A_21 : memref<65536xf32, #tpu.memory_space<vmem>>[vector<16xi32>], vector<16xf32>, vector<16xi1>
      %mul3A_538 = arith.constant 16 : i32
      %mul3A_539 = arith.muli %scan3A_60, %mul3A_538 : i32
      %swap3A_540 = arith.constant 47 : i32
      %swap3A_541 = arith.index_cast %swap3A_540 : i32 to index
      %swap3A_542 = arith.index_cast %mul3A_539 : i32 to index
      %swap3A_543 = tpu.vector_load %arg9[%swap3A_541, %swap3A_542] {strides = array<i32>} : memref<64x576xf32, #tpu.memory_space<vmem>>, vector<16xf32>,
      tpu.vector_store %arg9[%swap3A_541, %swap3A_542], %gather3A_537 {strides = array<i32>} : memref<64x576xf32, #tpu.memory_space<vmem>>, vector<16xf32>,
      %add3A_544 = arith.constant 49152 : i32
      %add3A_545 = vector.broadcast %add3A_544 : i32 to vector<16xi32>
      %add3A_546 = arith.addi %gather3A, %add3A_545 : vector<16xi32>
      %gather3A_547 = tpu.vector_load_idx %arg7[%add3A_546] masked %lt3A_21 : memref<65536xf32, #tpu.memory_space<vmem>>[vector<16xi32>], vector<16xf32>, vector<16xi1>
      %mul3A_548 = arith.constant 16 : i32
      %mul3A_549 = arith.muli %scan3A_60, %mul3A_548 : i32
      %swap3A_550 = arith.constant 48 : i32
      %swap3A_551 = arith.index_cast %swap3A_550 : i32 to index
      %swap3A_552 = arith.index_cast %mul3A_549 : i32 to index
      %swap3A_553 = tpu.vector_load %arg9[%swap3A_551, %swap3A_552] {strides = array<i32>} : memref<64x576xf32, #tpu.memory_space<vmem>>, vector<16xf32>,
      tpu.vector_store %arg9[%swap3A_551, %swap3A_552], %gather3A_547 {strides = array<i32>} : memref<64x576xf32, #tpu.memory_space<vmem>>, vector<16xf32>,
      %add3A_554 = arith.constant 50176 : i32
      %add3A_555 = vector.broadcast %add3A_554 : i32 to vector<16xi32>
      %add3A_556 = arith.addi %gather3A, %add3A_555 : vector<16xi32>
      %gather3A_557 = tpu.vector_load_idx %arg7[%add3A_556] masked %lt3A_21 : memref<65536xf32, #tpu.memory_space<vmem>>[vector<16xi32>], vector<16xf32>, vector<16xi1>
      %mul3A_558 = arith.constant 16 : i32
      %mul3A_559 = arith.muli %scan3A_60, %mul3A_558 : i32
      %swap3A_560 = arith.constant 49 : i32
      %swap3A_561 = arith.index_cast %swap3A_560 : i32 to index
      %swap3A_562 = arith.index_cast %mul3A_559 : i32 to index
      %swap3A_563 = tpu.vector_load %arg9[%swap3A_561, %swap3A_562] {strides = array<i32>} : memref<64x576xf32, #tpu.memory_space<vmem>>, vector<16xf32>,
      tpu.vector_store %arg9[%swap3A_561, %swap3A_562], %gather3A_557 {strides = array<i32>} : memref<64x576xf32, #tpu.memory_space<vmem>>, vector<16xf32>,
      %add3A_564 = arith.constant 51200 : i32
      %add3A_565 = vector.broadcast %add3A_564 : i32 to vector<16xi32>
      %add3A_566 = arith.addi %gather3A, %add3A_565 : vector<16xi32>
      %gather3A_567 = tpu.vector_load_idx %arg7[%add3A_566] masked %lt3A_21 : memref<65536xf32, #tpu.memory_space<vmem>>[vector<16xi32>], vector<16xf32>, vector<16xi1>
      %mul3A_568 = arith.constant 16 : i32
      %mul3A_569 = arith.muli %scan3A_60, %mul3A_568 : i32
      %swap3A_570 = arith.constant 50 : i32
      %swap3A_571 = arith.index_cast %swap3A_570 : i32 to index
      %swap3A_572 = arith.index_cast %mul3A_569 : i32 to index
      %swap3A_573 = tpu.vector_load %arg9[%swap3A_571, %swap3A_572] {strides = array<i32>} : memref<64x576xf32, #tpu.memory_space<vmem>>, vector<16xf32>,
      tpu.vector_store %arg9[%swap3A_571, %swap3A_572], %gather3A_567 {strides = array<i32>} : memref<64x576xf32, #tpu.memory_space<vmem>>, vector<16xf32>,
      %add3A_574 = arith.constant 52224 : i32
      %add3A_575 = vector.broadcast %add3A_574 : i32 to vector<16xi32>
      %add3A_576 = arith.addi %gather3A, %add3A_575 : vector<16xi32>
      %gather3A_577 = tpu.vector_load_idx %arg7[%add3A_576] masked %lt3A_21 : memref<65536xf32, #tpu.memory_space<vmem>>[vector<16xi32>], vector<16xf32>, vector<16xi1>
      %mul3A_578 = arith.constant 16 : i32
      %mul3A_579 = arith.muli %scan3A_60, %mul3A_578 : i32
      %swap3A_580 = arith.constant 51 : i32
      %swap3A_581 = arith.index_cast %swap3A_580 : i32 to index
      %swap3A_582 = arith.index_cast %mul3A_579 : i32 to index
      %swap3A_583 = tpu.vector_load %arg9[%swap3A_581, %swap3A_582] {strides = array<i32>} : memref<64x576xf32, #tpu.memory_space<vmem>>, vector<16xf32>,
      tpu.vector_store %arg9[%swap3A_581, %swap3A_582], %gather3A_577 {strides = array<i32>} : memref<64x576xf32, #tpu.memory_space<vmem>>, vector<16xf32>,
      %add3A_584 = arith.constant 53248 : i32
      %add3A_585 = vector.broadcast %add3A_584 : i32 to vector<16xi32>
      %add3A_586 = arith.addi %gather3A, %add3A_585 : vector<16xi32>
      %gather3A_587 = tpu.vector_load_idx %arg7[%add3A_586] masked %lt3A_21 : memref<65536xf32, #tpu.memory_space<vmem>>[vector<16xi32>], vector<16xf32>, vector<16xi1>
      %mul3A_588 = arith.constant 16 : i32
      %mul3A_589 = arith.muli %scan3A_60, %mul3A_588 : i32
      %swap3A_590 = arith.constant 52 : i32
      %swap3A_591 = arith.index_cast %swap3A_590 : i32 to index
      %swap3A_592 = arith.index_cast %mul3A_589 : i32 to index
      %swap3A_593 = tpu.vector_load %arg9[%swap3A_591, %swap3A_592] {strides = array<i32>} : memref<64x576xf32, #tpu.memory_space<vmem>>, vector<16xf32>,
      tpu.vector_store %arg9[%swap3A_591, %swap3A_592], %gather3A_587 {strides = array<i32>} : memref<64x576xf32, #tpu.memory_space<vmem>>, vector<16xf32>,
      %add3A_594 = arith.constant 54272 : i32
      %add3A_595 = vector.broadcast %add3A_594 : i32 to vector<16xi32>
      %add3A_596 = arith.addi %gather3A, %add3A_595 : vector<16xi32>
      %gather3A_597 = tpu.vector_load_idx %arg7[%add3A_596] masked %lt3A_21 : memref<65536xf32, #tpu.memory_space<vmem>>[vector<16xi32>], vector<16xf32>, vector<16xi1>
      %mul3A_598 = arith.constant 16 : i32
      %mul3A_599 = arith.muli %scan3A_60, %mul3A_598 : i32
      %swap3A_600 = arith.constant 53 : i32
      %swap3A_601 = arith.index_cast %swap3A_600 : i32 to index
      %swap3A_602 = arith.index_cast %mul3A_599 : i32 to index
      %swap3A_603 = tpu.vector_load %arg9[%swap3A_601, %swap3A_602] {strides = array<i32>} : memref<64x576xf32, #tpu.memory_space<vmem>>, vector<16xf32>,
      tpu.vector_store %arg9[%swap3A_601, %swap3A_602], %gather3A_597 {strides = array<i32>} : memref<64x576xf32, #tpu.memory_space<vmem>>, vector<16xf32>,
      %add3A_604 = arith.constant 55296 : i32
      %add3A_605 = vector.broadcast %add3A_604 : i32 to vector<16xi32>
      %add3A_606 = arith.addi %gather3A, %add3A_605 : vector<16xi32>
      %gather3A_607 = tpu.vector_load_idx %arg7[%add3A_606] masked %lt3A_21 : memref<65536xf32, #tpu.memory_space<vmem>>[vector<16xi32>], vector<16xf32>, vector<16xi1>
      %mul3A_608 = arith.constant 16 : i32
      %mul3A_609 = arith.muli %scan3A_60, %mul3A_608 : i32
      %swap3A_610 = arith.constant 54 : i32
      %swap3A_611 = arith.index_cast %swap3A_610 : i32 to index
      %swap3A_612 = arith.index_cast %mul3A_609 : i32 to index
      %swap3A_613 = tpu.vector_load %arg9[%swap3A_611, %swap3A_612] {strides = array<i32>} : memref<64x576xf32, #tpu.memory_space<vmem>>, vector<16xf32>,
      tpu.vector_store %arg9[%swap3A_611, %swap3A_612], %gather3A_607 {strides = array<i32>} : memref<64x576xf32, #tpu.memory_space<vmem>>, vector<16xf32>,
      %add3A_614 = arith.constant 56320 : i32
      %add3A_615 = vector.broadcast %add3A_614 : i32 to vector<16xi32>
      %add3A_616 = arith.addi %gather3A, %add3A_615 : vector<16xi32>
      %gather3A_617 = tpu.vector_load_idx %arg7[%add3A_616] masked %lt3A_21 : memref<65536xf32, #tpu.memory_space<vmem>>[vector<16xi32>], vector<16xf32>, vector<16xi1>
      %mul3A_618 = arith.constant 16 : i32
      %mul3A_619 = arith.muli %scan3A_60, %mul3A_618 : i32
      %swap3A_620 = arith.constant 55 : i32
      %swap3A_621 = arith.index_cast %swap3A_620 : i32 to index
      %swap3A_622 = arith.index_cast %mul3A_619 : i32 to index
      %swap3A_623 = tpu.vector_load %arg9[%swap3A_621, %swap3A_622] {strides = array<i32>} : memref<64x576xf32, #tpu.memory_space<vmem>>, vector<16xf32>,
      tpu.vector_store %arg9[%swap3A_621, %swap3A_622], %gather3A_617 {strides = array<i32>} : memref<64x576xf32, #tpu.memory_space<vmem>>, vector<16xf32>,
      %add3A_624 = arith.constant 57344 : i32
      %add3A_625 = vector.broadcast %add3A_624 : i32 to vector<16xi32>
      %add3A_626 = arith.addi %gather3A, %add3A_625 : vector<16xi32>
      %gather3A_627 = tpu.vector_load_idx %arg7[%add3A_626] masked %lt3A_21 : memref<65536xf32, #tpu.memory_space<vmem>>[vector<16xi32>], vector<16xf32>, vector<16xi1>
      %mul3A_628 = arith.constant 16 : i32
      %mul3A_629 = arith.muli %scan3A_60, %mul3A_628 : i32
      %swap3A_630 = arith.constant 56 : i32
      %swap3A_631 = arith.index_cast %swap3A_630 : i32 to index
      %swap3A_632 = arith.index_cast %mul3A_629 : i32 to index
      %swap3A_633 = tpu.vector_load %arg9[%swap3A_631, %swap3A_632] {strides = array<i32>} : memref<64x576xf32, #tpu.memory_space<vmem>>, vector<16xf32>,
      tpu.vector_store %arg9[%swap3A_631, %swap3A_632], %gather3A_627 {strides = array<i32>} : memref<64x576xf32, #tpu.memory_space<vmem>>, vector<16xf32>,
      %add3A_634 = arith.constant 58368 : i32
      %add3A_635 = vector.broadcast %add3A_634 : i32 to vector<16xi32>
      %add3A_636 = arith.addi %gather3A, %add3A_635 : vector<16xi32>
      %gather3A_637 = tpu.vector_load_idx %arg7[%add3A_636] masked %lt3A_21 : memref<65536xf32, #tpu.memory_space<vmem>>[vector<16xi32>], vector<16xf32>, vector<16xi1>
      %mul3A_638 = arith.constant 16 : i32
      %mul3A_639 = arith.muli %scan3A_60, %mul3A_638 : i32
      %swap3A_640 = arith.constant 57 : i32
      %swap3A_641 = arith.index_cast %swap3A_640 : i32 to index
      %swap3A_642 = arith.index_cast %mul3A_639 : i32 to index
      %swap3A_643 = tpu.vector_load %arg9[%swap3A_641, %swap3A_642] {strides = array<i32>} : memref<64x576xf32, #tpu.memory_space<vmem>>, vector<16xf32>,
      tpu.vector_store %arg9[%swap3A_641, %swap3A_642], %gather3A_637 {strides = array<i32>} : memref<64x576xf32, #tpu.memory_space<vmem>>, vector<16xf32>,
      %add3A_644 = arith.constant 59392 : i32
      %add3A_645 = vector.broadcast %add3A_644 : i32 to vector<16xi32>
      %add3A_646 = arith.addi %gather3A, %add3A_645 : vector<16xi32>
      %gather3A_647 = tpu.vector_load_idx %arg7[%add3A_646] masked %lt3A_21 : memref<65536xf32, #tpu.memory_space<vmem>>[vector<16xi32>], vector<16xf32>, vector<16xi1>
      %mul3A_648 = arith.constant 16 : i32
      %mul3A_649 = arith.muli %scan3A_60, %mul3A_648 : i32
      %swap3A_650 = arith.constant 58 : i32
      %swap3A_651 = arith.index_cast %swap3A_650 : i32 to index
      %swap3A_652 = arith.index_cast %mul3A_649 : i32 to index
      %swap3A_653 = tpu.vector_load %arg9[%swap3A_651, %swap3A_652] {strides = array<i32>} : memref<64x576xf32, #tpu.memory_space<vmem>>, vector<16xf32>,
      tpu.vector_store %arg9[%swap3A_651, %swap3A_652], %gather3A_647 {strides = array<i32>} : memref<64x576xf32, #tpu.memory_space<vmem>>, vector<16xf32>,
      %add3A_654 = arith.constant 60416 : i32
      %add3A_655 = vector.broadcast %add3A_654 : i32 to vector<16xi32>
      %add3A_656 = arith.addi %gather3A, %add3A_655 : vector<16xi32>
      %gather3A_657 = tpu.vector_load_idx %arg7[%add3A_656] masked %lt3A_21 : memref<65536xf32, #tpu.memory_space<vmem>>[vector<16xi32>], vector<16xf32>, vector<16xi1>
      %mul3A_658 = arith.constant 16 : i32
      %mul3A_659 = arith.muli %scan3A_60, %mul3A_658 : i32
      %swap3A_660 = arith.constant 59 : i32
      %swap3A_661 = arith.index_cast %swap3A_660 : i32 to index
      %swap3A_662 = arith.index_cast %mul3A_659 : i32 to index
      %swap3A_663 = tpu.vector_load %arg9[%swap3A_661, %swap3A_662] {strides = array<i32>} : memref<64x576xf32, #tpu.memory_space<vmem>>, vector<16xf32>,
      tpu.vector_store %arg9[%swap3A_661, %swap3A_662], %gather3A_657 {strides = array<i32>} : memref<64x576xf32, #tpu.memory_space<vmem>>, vector<16xf32>,
      %add3A_664 = arith.constant 61440 : i32
      %add3A_665 = vector.broadcast %add3A_664 : i32 to vector<16xi32>
      %add3A_666 = arith.addi %gather3A, %add3A_665 : vector<16xi32>
      %gather3A_667 = tpu.vector_load_idx %arg7[%add3A_666] masked %lt3A_21 : memref<65536xf32, #tpu.memory_space<vmem>>[vector<16xi32>], vector<16xf32>, vector<16xi1>
      %mul3A_668 = arith.constant 16 : i32
      %mul3A_669 = arith.muli %scan3A_60, %mul3A_668 : i32
      %swap3A_670 = arith.constant 60 : i32
      %swap3A_671 = arith.index_cast %swap3A_670 : i32 to index
      %swap3A_672 = arith.index_cast %mul3A_669 : i32 to index
      %swap3A_673 = tpu.vector_load %arg9[%swap3A_671, %swap3A_672] {strides = array<i32>} : memref<64x576xf32, #tpu.memory_space<vmem>>, vector<16xf32>,
      tpu.vector_store %arg9[%swap3A_671, %swap3A_672], %gather3A_667 {strides = array<i32>} : memref<64x576xf32, #tpu.memory_space<vmem>>, vector<16xf32>,
      %add3A_674 = arith.constant 62464 : i32
      %add3A_675 = vector.broadcast %add3A_674 : i32 to vector<16xi32>
      %add3A_676 = arith.addi %gather3A, %add3A_675 : vector<16xi32>
      %gather3A_677 = tpu.vector_load_idx %arg7[%add3A_676] masked %lt3A_21 : memref<65536xf32, #tpu.memory_space<vmem>>[vector<16xi32>], vector<16xf32>, vector<16xi1>
      %mul3A_678 = arith.constant 16 : i32
      %mul3A_679 = arith.muli %scan3A_60, %mul3A_678 : i32
      %swap3A_680 = arith.constant 61 : i32
      %swap3A_681 = arith.index_cast %swap3A_680 : i32 to index
      %swap3A_682 = arith.index_cast %mul3A_679 : i32 to index
      %swap3A_683 = tpu.vector_load %arg9[%swap3A_681, %swap3A_682] {strides = array<i32>} : memref<64x576xf32, #tpu.memory_space<vmem>>, vector<16xf32>,
      tpu.vector_store %arg9[%swap3A_681, %swap3A_682], %gather3A_677 {strides = array<i32>} : memref<64x576xf32, #tpu.memory_space<vmem>>, vector<16xf32>,
      %add3A_684 = arith.constant 63488 : i32
      %add3A_685 = vector.broadcast %add3A_684 : i32 to vector<16xi32>
      %add3A_686 = arith.addi %gather3A, %add3A_685 : vector<16xi32>
      %gather3A_687 = tpu.vector_load_idx %arg7[%add3A_686] masked %lt3A_21 : memref<65536xf32, #tpu.memory_space<vmem>>[vector<16xi32>], vector<16xf32>, vector<16xi1>
      %mul3A_688 = arith.constant 16 : i32
      %mul3A_689 = arith.muli %scan3A_60, %mul3A_688 : i32
      %swap3A_690 = arith.constant 62 : i32
      %swap3A_691 = arith.index_cast %swap3A_690 : i32 to index
      %swap3A_692 = arith.index_cast %mul3A_689 : i32 to index
      %swap3A_693 = tpu.vector_load %arg9[%swap3A_691, %swap3A_692] {strides = array<i32>} : memref<64x576xf32, #tpu.memory_space<vmem>>, vector<16xf32>,
      tpu.vector_store %arg9[%swap3A_691, %swap3A_692], %gather3A_687 {strides = array<i32>} : memref<64x576xf32, #tpu.memory_space<vmem>>, vector<16xf32>,
      %add3A_694 = arith.constant 64512 : i32
      %add3A_695 = vector.broadcast %add3A_694 : i32 to vector<16xi32>
      %add3A_696 = arith.addi %gather3A, %add3A_695 : vector<16xi32>
      %gather3A_697 = tpu.vector_load_idx %arg7[%add3A_696] masked %lt3A_21 : memref<65536xf32, #tpu.memory_space<vmem>>[vector<16xi32>], vector<16xf32>, vector<16xi1>
      %mul3A_698 = arith.constant 16 : i32
      %mul3A_699 = arith.muli %scan3A_60, %mul3A_698 : i32
      %swap3A_700 = arith.constant 63 : i32
      %swap3A_701 = arith.index_cast %swap3A_700 : i32 to index
      %swap3A_702 = arith.index_cast %mul3A_699 : i32 to index
      %swap3A_703 = tpu.vector_load %arg9[%swap3A_701, %swap3A_702] {strides = array<i32>} : memref<64x576xf32, #tpu.memory_space<vmem>>, vector<16xf32>,
      tpu.vector_store %arg9[%swap3A_701, %swap3A_702], %gather3A_697 {strides = array<i32>} : memref<64x576xf32, #tpu.memory_space<vmem>>, vector<16xf32>,
      tpu.vector_store_idx %arg10[%gather3A], %broadcast_in_dim3A_19 masked %lt3A_21 {add = true} : memref<1024xf32, #tpu.memory_space<vmem>>[vector<16xi32>], vector<16xf32>, vector<16xi1>
    }
    %scan3A_55 = arith.constant 36 : i32
    "tpu.region"() ({
      %run_scoped3A = tpu.sem_alloc : memref<!tpu.dma_semaphore, #tpu.memory_space<semaphore_mem>>
      %dma_start3A = arith.constant 0 : i32
      %dma_start3A_60 = arith.constant 0 : i32
      %dma_start3A_61 = tpu.memref_slice %arg4[%add3A_49, %dma_start3A, %add3A, %dma_start3A_60] : memref<16x64x4x576xf32, #tpu.memory_space<hbm>> -> memref<1x64x1x576xf32, #tpu.memory_space<hbm>>
      %dma_start3A_62 = tpu.memref_squeeze %dma_start3A_61 : memref<1x64x1x576xf32, #tpu.memory_space<hbm>> -> memref<64x576xf32, #tpu.memory_space<hbm>>
      %dma_start3A_63 = arith.constant 0 : i32
      %dma_start3A_64 = arith.constant 0 : i32
      %dma_start3A_65 = tpu.memref_slice %arg4[%add3A_49, %dma_start3A_63, %add3A, %dma_start3A_64] : memref<16x64x4x576xf32, #tpu.memory_space<hbm>> -> memref<1x64x1x576xf32, #tpu.memory_space<hbm>>
      %dma_start3A_66 = tpu.memref_squeeze %dma_start3A_65 : memref<1x64x1x576xf32, #tpu.memory_space<hbm>> -> memref<64x576xf32, #tpu.memory_space<hbm>>
      tpu.enqueue_dma source(%arg9 : memref<64x576xf32, #tpu.memory_space<vmem>>) target(%dma_start3A_66 : memref<64x576xf32, #tpu.memory_space<hbm>>) target_semaphore(%run_scoped3A : memref<!tpu.dma_semaphore, #tpu.memory_space<semaphore_mem>>)
      %dma_wait3A = arith.constant 0 : i32
      %dma_wait3A_67 = arith.constant 0 : i32
      %dma_wait3A_68 = tpu.memref_slice %arg4[%add3A_49, %dma_wait3A, %add3A, %dma_wait3A_67] : memref<16x64x4x576xf32, #tpu.memory_space<hbm>> -> memref<1x64x1x576xf32, #tpu.memory_space<hbm>>
      %dma_wait3A_69 = tpu.memref_squeeze %dma_wait3A_68 : memref<1x64x1x576xf32, #tpu.memory_space<hbm>> -> memref<64x576xf32, #tpu.memory_space<hbm>>
      %dma_wait3A_70 = arith.constant 0 : i32
      %dma_wait3A_71 = arith.constant 0 : i32
      %dma_wait3A_72 = tpu.memref_slice %arg4[%add3A_49, %dma_wait3A_70, %add3A, %dma_wait3A_71] : memref<16x64x4x576xf32, #tpu.memory_space<hbm>> -> memref<1x64x1x576xf32, #tpu.memory_space<hbm>>
      %dma_wait3A_73 = tpu.memref_squeeze %dma_wait3A_72 : memref<1x64x1x576xf32, #tpu.memory_space<hbm>> -> memref<64x576xf32, #tpu.memory_space<hbm>>
      tpu.wait_dma2 semaphore(%run_scoped3A : memref<!tpu.dma_semaphore, #tpu.memory_space<semaphore_mem>>) src(%arg9 : memref<64x576xf32, #tpu.memory_space<vmem>>) dst(%dma_wait3A_73 : memref<64x576xf32, #tpu.memory_space<hbm>>)
      tpu.yield
    }) : () -> ()
    %mul3A_56 = arith.constant 1024 : i32
    %mul3A_57 = arith.muli %rem3A_18, %mul3A_56 : i32
    "tpu.region"() ({
      %run_scoped3A = tpu.sem_alloc : memref<!tpu.dma_semaphore, #tpu.memory_space<semaphore_mem>>
      %dma_start3A = tpu.memref_slice %arg5[%add3A, %mul3A_57] : memref<4x8192xf32, #tpu.memory_space<hbm>> -> memref<1x1024xf32, #tpu.memory_space<hbm>>
      %dma_start3A_60 = tpu.memref_squeeze %dma_start3A : memref<1x1024xf32, #tpu.memory_space<hbm>> -> memref<1024xf32, #tpu.memory_space<hbm>>
      %dma_start3A_61 = tpu.memref_slice %arg5[%add3A, %mul3A_57] : memref<4x8192xf32, #tpu.memory_space<hbm>> -> memref<1x1024xf32, #tpu.memory_space<hbm>>
      %dma_start3A_62 = tpu.memref_squeeze %dma_start3A_61 : memref<1x1024xf32, #tpu.memory_space<hbm>> -> memref<1024xf32, #tpu.memory_space<hbm>>
      tpu.enqueue_dma source(%arg10 : memref<1024xf32, #tpu.memory_space<vmem>>) target(%dma_start3A_62 : memref<1024xf32, #tpu.memory_space<hbm>>) target_semaphore(%run_scoped3A : memref<!tpu.dma_semaphore, #tpu.memory_space<semaphore_mem>>)
      %dma_wait3A = tpu.memref_slice %arg5[%add3A, %mul3A_57] : memref<4x8192xf32, #tpu.memory_space<hbm>> -> memref<1x1024xf32, #tpu.memory_space<hbm>>
      %dma_wait3A_63 = tpu.memref_squeeze %dma_wait3A : memref<1x1024xf32, #tpu.memory_space<hbm>> -> memref<1024xf32, #tpu.memory_space<hbm>>
      %dma_wait3A_64 = tpu.memref_slice %arg5[%add3A, %mul3A_57] : memref<4x8192xf32, #tpu.memory_space<hbm>> -> memref<1x1024xf32, #tpu.memory_space<hbm>>
      %dma_wait3A_65 = tpu.memref_squeeze %dma_wait3A_64 : memref<1x1024xf32, #tpu.memory_space<hbm>> -> memref<1024xf32, #tpu.memory_space<hbm>>
      tpu.wait_dma2 semaphore(%run_scoped3A : memref<!tpu.dma_semaphore, #tpu.memory_space<semaphore_mem>>) src(%arg10 : memref<1024xf32, #tpu.memory_space<vmem>>) dst(%dma_wait3A_65 : memref<1024xf32, #tpu.memory_space<hbm>>)
      tpu.yield
    }) : () -> ()
    %barrier3A = arith.constant 0 : index
    tpu.barrier barrier_id(%barrier3A)
    %eq3A = arith.constant 0 : i32
    %eq3A_58 = arith.cmpi eq, %rem3A_18, %eq3A : i32
    %convert_element_type3A = arith.extui %eq3A_58 : i1 to i32
    %cond3A = arith.constant 0 : i32
    %cond3A_59 = arith.cmpi ne, %convert_element_type3A, %cond3A : i32
    scf.if %cond3A_59 {
      "tpu.region"() ({
        %run_scoped3A = tpu.sem_alloc : memref<!tpu.dma_semaphore, #tpu.memory_space<semaphore_mem>>
        %dma_start3A = arith.constant 0 : i32
        %dma_start3A_66 = tpu.memref_slice %arg5[%add3A, %dma_start3A] : memref<4x8192xf32, #tpu.memory_space<hbm>> -> memref<1x8192xf32, #tpu.memory_space<hbm>>
        %dma_start3A_67 = tpu.memref_squeeze %dma_start3A_66 : memref<1x8192xf32, #tpu.memory_space<hbm>> -> memref<8192xf32, #tpu.memory_space<hbm>>
        %dma_start3A_68 = arith.constant 0 : i32
        %dma_start3A_69 = tpu.memref_slice %arg5[%add3A, %dma_start3A_68] : memref<4x8192xf32, #tpu.memory_space<hbm>> -> memref<1x8192xf32, #tpu.memory_space<hbm>>
        %dma_start3A_70 = tpu.memref_squeeze %dma_start3A_69 : memref<1x8192xf32, #tpu.memory_space<hbm>> -> memref<8192xf32, #tpu.memory_space<hbm>>
        tpu.enqueue_dma source(%dma_start3A_70 : memref<8192xf32, #tpu.memory_space<hbm>>) target(%arg11 : memref<8192xf32, #tpu.memory_space<vmem>>) target_semaphore(%run_scoped3A : memref<!tpu.dma_semaphore, #tpu.memory_space<semaphore_mem>>)
        %dma_wait3A = arith.constant 0 : i32
        %dma_wait3A_71 = tpu.memref_slice %arg5[%add3A, %dma_wait3A] : memref<4x8192xf32, #tpu.memory_space<hbm>> -> memref<1x8192xf32, #tpu.memory_space<hbm>>
        %dma_wait3A_72 = tpu.memref_squeeze %dma_wait3A_71 : memref<1x8192xf32, #tpu.memory_space<hbm>> -> memref<8192xf32, #tpu.memory_space<hbm>>
        %dma_wait3A_73 = arith.constant 0 : i32
        %dma_wait3A_74 = tpu.memref_slice %arg5[%add3A, %dma_wait3A_73] : memref<4x8192xf32, #tpu.memory_space<hbm>> -> memref<1x8192xf32, #tpu.memory_space<hbm>>
        %dma_wait3A_75 = tpu.memref_squeeze %dma_wait3A_74 : memref<1x8192xf32, #tpu.memory_space<hbm>> -> memref<8192xf32, #tpu.memory_space<hbm>>
        tpu.wait_dma2 semaphore(%run_scoped3A : memref<!tpu.dma_semaphore, #tpu.memory_space<semaphore_mem>>) src(%dma_wait3A_75 : memref<8192xf32, #tpu.memory_space<hbm>>) dst(%arg11 : memref<8192xf32, #tpu.memory_space<vmem>>)
        tpu.yield
      }) : () -> ()
      %scan3A_60 = arith.constant 0 : i32
      %scan3A_61 = arith.constant 0 : i32
      %scan3A_62 = arith.constant 64 : i32
      %scan3A_63 = arith.addi %scan3A_61, %scan3A_62 : i32
      %scan3A_64 = arith.constant 1 : i32
      scf.for %scan3A_66 = %scan3A_61 to %scan3A_63 step %scan3A_64  : i32 {
        %mul3A_67 = arith.constant 16 : i32
        %mul3A_68 = arith.muli %scan3A_66, %mul3A_67 : i32
        %get3A = arith.index_cast %mul3A_68 : i32 to index
        %get3A_69 = tpu.vector_load %arg11[%get3A] {strides = array<i32>} : memref<8192xf32, #tpu.memory_space<vmem>>, vector<16xf32>,
        %mul3A_70 = arith.constant 16 : i32
        %mul3A_71 = arith.muli %scan3A_66, %mul3A_70 : i32
        %add3A_72 = arith.constant 1024 : i32
        %add3A_73 = arith.addi %add3A_72, %mul3A_71 : i32
        %get3A_74 = arith.index_cast %add3A_73 : i32 to index
        %get3A_75 = tpu.vector_load %arg11[%get3A_74] {strides = array<i32>} : memref<8192xf32, #tpu.memory_space<vmem>>, vector<16xf32>,
        %add3A_76 = arith.addf %get3A_69, %get3A_75 : vector<16xf32>
        %mul3A_77 = arith.constant 16 : i32
        %mul3A_78 = arith.muli %scan3A_66, %mul3A_77 : i32
        %add3A_79 = arith.constant 2048 : i32
        %add3A_80 = arith.addi %add3A_79, %mul3A_78 : i32
        %get3A_81 = arith.index_cast %add3A_80 : i32 to index
        %get3A_82 = tpu.vector_load %arg11[%get3A_81] {strides = array<i32>} : memref<8192xf32, #tpu.memory_space<vmem>>, vector<16xf32>,
        %add3A_83 = arith.addf %add3A_76, %get3A_82 : vector<16xf32>
        %mul3A_84 = arith.constant 16 : i32
        %mul3A_85 = arith.muli %scan3A_66, %mul3A_84 : i32
        %add3A_86 = arith.constant 3072 : i32
        %add3A_87 = arith.addi %add3A_86, %mul3A_85 : i32
        %get3A_88 = arith.index_cast %add3A_87 : i32 to index
        %get3A_89 = tpu.vector_load %arg11[%get3A_88] {strides = array<i32>} : memref<8192xf32, #tpu.memory_space<vmem>>, vector<16xf32>,
        %add3A_90 = arith.addf %add3A_83, %get3A_89 : vector<16xf32>
        %mul3A_91 = arith.constant 16 : i32
        %mul3A_92 = arith.muli %scan3A_66, %mul3A_91 : i32
        %add3A_93 = arith.constant 4096 : i32
        %add3A_94 = arith.addi %add3A_93, %mul3A_92 : i32
        %get3A_95 = arith.index_cast %add3A_94 : i32 to index
        %get3A_96 = tpu.vector_load %arg11[%get3A_95] {strides = array<i32>} : memref<8192xf32, #tpu.memory_space<vmem>>, vector<16xf32>,
        %add3A_97 = arith.addf %add3A_90, %get3A_96 : vector<16xf32>
        %mul3A_98 = arith.constant 16 : i32
        %mul3A_99 = arith.muli %scan3A_66, %mul3A_98 : i32
        %add3A_100 = arith.constant 5120 : i32
        %add3A_101 = arith.addi %add3A_100, %mul3A_99 : i32
        %get3A_102 = arith.index_cast %add3A_101 : i32 to index
        %get3A_103 = tpu.vector_load %arg11[%get3A_102] {strides = array<i32>} : memref<8192xf32, #tpu.memory_space<vmem>>, vector<16xf32>,
        %add3A_104 = arith.addf %add3A_97, %get3A_103 : vector<16xf32>
        %mul3A_105 = arith.constant 16 : i32
        %mul3A_106 = arith.muli %scan3A_66, %mul3A_105 : i32
        %add3A_107 = arith.constant 6144 : i32
        %add3A_108 = arith.addi %add3A_107, %mul3A_106 : i32
        %get3A_109 = arith.index_cast %add3A_108 : i32 to index
        %get3A_110 = tpu.vector_load %arg11[%get3A_109] {strides = array<i32>} : memref<8192xf32, #tpu.memory_space<vmem>>, vector<16xf32>,
        %add3A_111 = arith.addf %add3A_104, %get3A_110 : vector<16xf32>
        %mul3A_112 = arith.constant 16 : i32
        %mul3A_113 = arith.muli %scan3A_66, %mul3A_112 : i32
        %add3A_114 = arith.constant 7168 : i32
        %add3A_115 = arith.addi %add3A_114, %mul3A_113 : i32
        %get3A_116 = arith.index_cast %add3A_115 : i32 to index
        %get3A_117 = tpu.vector_load %arg11[%get3A_116] {strides = array<i32>} : memref<8192xf32, #tpu.memory_space<vmem>>, vector<16xf32>,
        %add3A_118 = arith.addf %add3A_111, %get3A_117 : vector<16xf32>
        %mul3A_119 = arith.constant 16 : i32
        %mul3A_120 = arith.muli %scan3A_66, %mul3A_119 : i32
        %swap3A = arith.index_cast %mul3A_120 : i32 to index
        %swap3A_121 = tpu.vector_load %arg10[%swap3A] {strides = array<i32>} : memref<1024xf32, #tpu.memory_space<vmem>>, vector<16xf32>,
        tpu.vector_store %arg10[%swap3A], %add3A_118 {strides = array<i32>} : memref<1024xf32, #tpu.memory_space<vmem>>, vector<16xf32>,
      }
      %scan3A_65 = arith.constant 64 : i32
      "tpu.region"() ({
        %run_scoped3A = tpu.sem_alloc : memref<!tpu.dma_semaphore, #tpu.memory_space<semaphore_mem>>
        %dma_start3A = arith.constant 0 : i32
        %dma_start3A_66 = tpu.memref_slice %arg6[%add3A, %dma_start3A] : memref<4x1024xf32, #tpu.memory_space<hbm>> -> memref<1x1024xf32, #tpu.memory_space<hbm>>
        %dma_start3A_67 = tpu.memref_squeeze %dma_start3A_66 : memref<1x1024xf32, #tpu.memory_space<hbm>> -> memref<1024xf32, #tpu.memory_space<hbm>>
        %dma_start3A_68 = arith.constant 0 : i32
        %dma_start3A_69 = tpu.memref_slice %arg6[%add3A, %dma_start3A_68] : memref<4x1024xf32, #tpu.memory_space<hbm>> -> memref<1x1024xf32, #tpu.memory_space<hbm>>
        %dma_start3A_70 = tpu.memref_squeeze %dma_start3A_69 : memref<1x1024xf32, #tpu.memory_space<hbm>> -> memref<1024xf32, #tpu.memory_space<hbm>>
        tpu.enqueue_dma source(%arg10 : memref<1024xf32, #tpu.memory_space<vmem>>) target(%dma_start3A_70 : memref<1024xf32, #tpu.memory_space<hbm>>) target_semaphore(%run_scoped3A : memref<!tpu.dma_semaphore, #tpu.memory_space<semaphore_mem>>)
        %dma_wait3A = arith.constant 0 : i32
        %dma_wait3A_71 = tpu.memref_slice %arg6[%add3A, %dma_wait3A] : memref<4x1024xf32, #tpu.memory_space<hbm>> -> memref<1x1024xf32, #tpu.memory_space<hbm>>
        %dma_wait3A_72 = tpu.memref_squeeze %dma_wait3A_71 : memref<1x1024xf32, #tpu.memory_space<hbm>> -> memref<1024xf32, #tpu.memory_space<hbm>>
        %dma_wait3A_73 = arith.constant 0 : i32
        %dma_wait3A_74 = tpu.memref_slice %arg6[%add3A, %dma_wait3A_73] : memref<4x1024xf32, #tpu.memory_space<hbm>> -> memref<1x1024xf32, #tpu.memory_space<hbm>>
        %dma_wait3A_75 = tpu.memref_squeeze %dma_wait3A_74 : memref<1x1024xf32, #tpu.memory_space<hbm>> -> memref<1024xf32, #tpu.memory_space<hbm>>
        tpu.wait_dma2 semaphore(%run_scoped3A : memref<!tpu.dma_semaphore, #tpu.memory_space<semaphore_mem>>) src(%arg10 : memref<1024xf32, #tpu.memory_space<vmem>>) dst(%dma_wait3A_75 : memref<1024xf32, #tpu.memory_space<hbm>>)
        tpu.yield
      }) : () -> ()
    } else {
    }
    return
  }
}

module attributes {stable_mosaic.version = 14 : i64} {
  func.func @_tc_body(%arg0: i32, %arg1: memref<1x64x2304xf32, #tpu.memory_space<vmem>>, %arg2: memref<4x1024x64xf32, #tpu.memory_space<vmem>>, %arg3: memref<1x576x4xi32, #tpu.memory_space<vmem>>, %arg4: memref<4xf32, #tpu.memory_space<smem>>, %arg5: memref<4x1024xf32, #tpu.memory_space<vmem>>) attributes {dimension_semantics = [#tpu.dimension_semantics<arbitrary>], iteration_bounds = array<i64: 16>, scalar_prefetch = 0 : i64, scratch_operands = 1 : i64, tpu.core_type = #tpu.core_type<tc>, window_params = [{transform_indices = @transform_0, window_bounds = array<i64: 1, 64, 2304>}, {pipeline_mode = #tpu.pipeline_mode<synchronous>, transform_indices = @transform_1, window_bounds = array<i64: 4, 1024, 64>}, {transform_indices = @transform_2, window_bounds = array<i64: 1, 576, 4>}, {transform_indices = @transform_3, window_bounds = array<i64: 4>}]} {
    %eq3A = arith.constant 0 : i32
    %eq3A_0 = arith.cmpi eq, %arg0, %eq3A : i32
    %convert_element_type3A = arith.extui %eq3A_0 : i1 to i32
    %cond3A = arith.constant 0 : i32
    %cond3A_1 = arith.cmpi ne, %convert_element_type3A, %cond3A : i32
    scf.if %cond3A_1 {
      %swap3A_209 = arith.constant 0.000000e+00 : f32
      %swap3A_210 = arith.constant 0 : index
      %swap3A_211 = memref.load %arg4[%swap3A_210] : memref<4xf32, #tpu.memory_space<smem>>
      memref.store %swap3A_209, %arg4[%swap3A_210] : memref<4xf32, #tpu.memory_space<smem>>
      %get3A_212 = arith.constant 0 : index
      %get3A_213 = arith.constant 0 : index
      %get3A_214 = arith.constant 0 : index
      %get3A_215 = vector.load %arg2[%get3A_212, %get3A_213, %get3A_214] : memref<4x1024x64xf32, #tpu.memory_space<vmem>>, vector<1x1024x64xf32>
      %get3A_216 = vector.shape_cast %get3A_215 : vector<1x1024x64xf32> to vector<1024x64xf32>
      %mul3A_217 = arith.mulf %get3A_216, %get3A_216 : vector<1024x64xf32>
      %reduce_sum3A_218 = arith.constant dense<0.000000e+00> : vector<1024xf32>
      %reduce_sum3A_219 = vector.multi_reduction <add>, %mul3A_217, %reduce_sum3A_218 [1] : vector<1024x64xf32> to vector<1024xf32>
      %broadcast_in_dim3A_220 = vector.shape_cast %reduce_sum3A_219 : vector<1024xf32> to vector<1x1024xf32>
      %swap3A_221 = arith.constant 0 : index
      %swap3A_222 = arith.constant 0 : index
      %swap3A_223 = vector.load %arg5[%swap3A_221, %swap3A_222] : memref<4x1024xf32, #tpu.memory_space<vmem>>, vector<1x1024xf32>
      tpu.vector_store %arg5[%swap3A_221, %swap3A_222], %broadcast_in_dim3A_220 {strides = array<i32>} : memref<4x1024xf32, #tpu.memory_space<vmem>>, vector<1x1024xf32>,
      %swap3A_224 = arith.constant 0.000000e+00 : f32
      %swap3A_225 = arith.constant 1 : index
      %swap3A_226 = memref.load %arg4[%swap3A_225] : memref<4xf32, #tpu.memory_space<smem>>
      memref.store %swap3A_224, %arg4[%swap3A_225] : memref<4xf32, #tpu.memory_space<smem>>
      %get3A_227 = arith.constant 1 : index
      %get3A_228 = arith.constant 0 : index
      %get3A_229 = arith.constant 0 : index
      %get3A_230 = vector.load %arg2[%get3A_227, %get3A_228, %get3A_229] : memref<4x1024x64xf32, #tpu.memory_space<vmem>>, vector<1x1024x64xf32>
      %get3A_231 = vector.shape_cast %get3A_230 : vector<1x1024x64xf32> to vector<1024x64xf32>
      %mul3A_232 = arith.mulf %get3A_231, %get3A_231 : vector<1024x64xf32>
      %reduce_sum3A_233 = arith.constant dense<0.000000e+00> : vector<1024xf32>
      %reduce_sum3A_234 = vector.multi_reduction <add>, %mul3A_232, %reduce_sum3A_233 [1] : vector<1024x64xf32> to vector<1024xf32>
      %broadcast_in_dim3A_235 = vector.shape_cast %reduce_sum3A_234 : vector<1024xf32> to vector<1x1024xf32>
      %swap3A_236 = arith.constant 1 : index
      %swap3A_237 = arith.constant 0 : index
      %swap3A_238 = vector.load %arg5[%swap3A_236, %swap3A_237] : memref<4x1024xf32, #tpu.memory_space<vmem>>, vector<1x1024xf32>
      tpu.vector_store %arg5[%swap3A_236, %swap3A_237], %broadcast_in_dim3A_235 {strides = array<i32>} : memref<4x1024xf32, #tpu.memory_space<vmem>>, vector<1x1024xf32>,
      %swap3A_239 = arith.constant 0.000000e+00 : f32
      %swap3A_240 = arith.constant 2 : index
      %swap3A_241 = memref.load %arg4[%swap3A_240] : memref<4xf32, #tpu.memory_space<smem>>
      memref.store %swap3A_239, %arg4[%swap3A_240] : memref<4xf32, #tpu.memory_space<smem>>
      %get3A_242 = arith.constant 2 : index
      %get3A_243 = arith.constant 0 : index
      %get3A_244 = arith.constant 0 : index
      %get3A_245 = vector.load %arg2[%get3A_242, %get3A_243, %get3A_244] : memref<4x1024x64xf32, #tpu.memory_space<vmem>>, vector<1x1024x64xf32>
      %get3A_246 = vector.shape_cast %get3A_245 : vector<1x1024x64xf32> to vector<1024x64xf32>
      %mul3A_247 = arith.mulf %get3A_246, %get3A_246 : vector<1024x64xf32>
      %reduce_sum3A_248 = arith.constant dense<0.000000e+00> : vector<1024xf32>
      %reduce_sum3A_249 = vector.multi_reduction <add>, %mul3A_247, %reduce_sum3A_248 [1] : vector<1024x64xf32> to vector<1024xf32>
      %broadcast_in_dim3A_250 = vector.shape_cast %reduce_sum3A_249 : vector<1024xf32> to vector<1x1024xf32>
      %swap3A_251 = arith.constant 2 : index
      %swap3A_252 = arith.constant 0 : index
      %swap3A_253 = vector.load %arg5[%swap3A_251, %swap3A_252] : memref<4x1024xf32, #tpu.memory_space<vmem>>, vector<1x1024xf32>
      tpu.vector_store %arg5[%swap3A_251, %swap3A_252], %broadcast_in_dim3A_250 {strides = array<i32>} : memref<4x1024xf32, #tpu.memory_space<vmem>>, vector<1x1024xf32>,
      %swap3A_254 = arith.constant 0.000000e+00 : f32
      %swap3A_255 = arith.constant 3 : index
      %swap3A_256 = memref.load %arg4[%swap3A_255] : memref<4xf32, #tpu.memory_space<smem>>
      memref.store %swap3A_254, %arg4[%swap3A_255] : memref<4xf32, #tpu.memory_space<smem>>
      %get3A_257 = arith.constant 3 : index
      %get3A_258 = arith.constant 0 : index
      %get3A_259 = arith.constant 0 : index
      %get3A_260 = vector.load %arg2[%get3A_257, %get3A_258, %get3A_259] : memref<4x1024x64xf32, #tpu.memory_space<vmem>>, vector<1x1024x64xf32>
      %get3A_261 = vector.shape_cast %get3A_260 : vector<1x1024x64xf32> to vector<1024x64xf32>
      %mul3A_262 = arith.mulf %get3A_261, %get3A_261 : vector<1024x64xf32>
      %reduce_sum3A_263 = arith.constant dense<0.000000e+00> : vector<1024xf32>
      %reduce_sum3A_264 = vector.multi_reduction <add>, %mul3A_262, %reduce_sum3A_263 [1] : vector<1024x64xf32> to vector<1024xf32>
      %broadcast_in_dim3A_265 = vector.shape_cast %reduce_sum3A_264 : vector<1024xf32> to vector<1x1024xf32>
      %swap3A_266 = arith.constant 3 : index
      %swap3A_267 = arith.constant 0 : index
      %swap3A_268 = vector.load %arg5[%swap3A_266, %swap3A_267] : memref<4x1024xf32, #tpu.memory_space<vmem>>, vector<1x1024xf32>
      tpu.vector_store %arg5[%swap3A_266, %swap3A_267], %broadcast_in_dim3A_265 {strides = array<i32>} : memref<4x1024xf32, #tpu.memory_space<vmem>>, vector<1x1024xf32>,
    } else {
    }
    %get3A = arith.constant 0 : index
    %get3A_2 = arith.constant 0 : index
    %get3A_3 = arith.constant 0 : index
    %get3A_4 = vector.load %arg1[%get3A, %get3A_2, %get3A_3] : memref<1x64x2304xf32, #tpu.memory_space<vmem>>, vector<1x64x576xf32>
    %get3A_5 = vector.shape_cast %get3A_4 : vector<1x64x576xf32> to vector<64x576xf32>
    %get3A_6 = arith.constant 0 : index
    %get3A_7 = arith.constant 0 : index
    %get3A_8 = arith.constant 0 : index
    %get3A_9 = vector.load %arg2[%get3A_6, %get3A_7, %get3A_8] : memref<4x1024x64xf32, #tpu.memory_space<vmem>>, vector<1x1024x64xf32>
    %get3A_10 = vector.shape_cast %get3A_9 : vector<1x1024x64xf32> to vector<1024x64xf32>
    %transpose3A = tpu.transpose %get3A_5, [1, 0] : vector<64x576xf32> -> vector<576x64xf32>
    %add3A = arith.addf %transpose3A, %transpose3A : vector<576x64xf32>
    %dot_general3A = arith.constant dense<0.000000e+00> : vector<576x1024xf32>
    %dot_general3A_11 = tpu.matmul %add3A, %get3A_10, %dot_general3A {dimension_numbers = #tpu.dot_dimension_numbers<[1], [1], [0], [0], [0, 0, 1, 0], [], []>, transpose_lhs_hint = false} : vector<576x64xf32>, vector<1024x64xf32>, vector<576x1024xf32> -> vector<576x1024xf32>
    %mul3A = arith.mulf %transpose3A, %transpose3A : vector<576x64xf32>
    %reduce_sum3A = arith.constant dense<0.000000e+00> : vector<576xf32>
    %reduce_sum3A_12 = vector.multi_reduction <add>, %mul3A, %reduce_sum3A [1] : vector<576x64xf32> to vector<576xf32>
    %broadcast_in_dim3A = vector.shape_cast %reduce_sum3A_12 : vector<576xf32> to vector<576x1xf32>
    %get3A_13 = arith.constant 0 : index
    %get3A_14 = arith.constant 0 : index
    %get3A_15 = vector.load %arg5[%get3A_13, %get3A_14] : memref<4x1024xf32, #tpu.memory_space<vmem>>, vector<1x1024xf32>
    %add3A_16 = vector.broadcast %broadcast_in_dim3A : vector<576x1xf32> to vector<576x1024xf32>
    %add3A_17 = vector.broadcast %get3A_15 : vector<1x1024xf32> to vector<576x1024xf32>
    %add3A_18 = arith.addf %add3A_16, %add3A_17 : vector<576x1024xf32>
    %sub3A = arith.subf %add3A_18, %dot_general3A_11 : vector<576x1024xf32>
    %reduce_min3A = arith.constant dense<0x7F800000> : vector<576xf32>
    %reduce_min3A_19 = vector.multi_reduction <minimumf>, %sub3A, %reduce_min3A [1] : vector<576x1024xf32> to vector<576xf32>
    %broadcast_in_dim3A_20 = vector.shape_cast %reduce_min3A_19 : vector<576xf32> to vector<576x1xf32>
    %iota3A = tpu.iota {dimensions = array<i32: 1>} : vector<576x1024xi32>
    %convert_element_type3A_21 = arith.sitofp %iota3A : vector<576x1024xi32> to vector<576x1024xf32>
    %eq3A_22 = vector.broadcast %broadcast_in_dim3A_20 : vector<576x1xf32> to vector<576x1024xf32>
    %eq3A_23 = arith.cmpf oeq, %sub3A, %eq3A_22 : vector<576x1024xf32>
    %jit3A = arith.constant 1.024000e+03 : f32
    %broadcast_in_dim3A_24 = vector.broadcast %jit3A : f32 to vector<576x1024xf32>
    %select_n3A = arith.select %eq3A_23, %convert_element_type3A_21, %broadcast_in_dim3A_24 : vector<576x1024xi1>, vector<576x1024xf32>
    %reduce_min3A_25 = arith.constant dense<0x7F800000> : vector<576xf32>
    %reduce_min3A_26 = vector.multi_reduction <minimumf>, %select_n3A, %reduce_min3A_25 [1] : vector<576x1024xf32> to vector<576xf32>
    %broadcast_in_dim3A_27 = vector.shape_cast %reduce_min3A_26 : vector<576xf32> to vector<576x1xf32>
    %convert_element_type3A_28 = arith.fptosi %broadcast_in_dim3A_27 : vector<576x1xf32> to vector<576x1xi32>
    %swap3A = arith.constant 0 : index
    %swap3A_29 = arith.constant 0 : index
    %swap3A_30 = arith.constant 0 : index
    %swap3A_31 = vector.load %arg3[%swap3A, %swap3A_29, %swap3A_30] : memref<1x576x4xi32, #tpu.memory_space<vmem>>, vector<1x576x1xi32>
    %swap3A_32 = vector.shape_cast %swap3A_31 : vector<1x576x1xi32> to vector<576x1xi32>
    %swap3A_33 = vector.shape_cast %convert_element_type3A_28 : vector<576x1xi32> to vector<1x576x1xi32>
    tpu.vector_store %arg3[%swap3A, %swap3A_29, %swap3A_30], %swap3A_33 {strides = array<i32>} : memref<1x576x4xi32, #tpu.memory_space<vmem>>, vector<1x576x1xi32>,
    %get3A_34 = arith.constant 0 : index
    %get3A_35 = memref.load %arg4[%get3A_34] : memref<4xf32, #tpu.memory_space<smem>>
    %reduce_sum3A_36 = vector.shape_cast %broadcast_in_dim3A_20 : vector<576x1xf32> to vector<1x576x1xf32>
    %reduce_sum3A_37 = arith.constant dense<0.000000e+00> : vector<1xf32>
    %reduce_sum3A_38 = vector.multi_reduction <add>, %reduce_sum3A_36, %reduce_sum3A_37 [1, 2] : vector<1x576x1xf32> to vector<1xf32>
    %reduce_sum3A_39 = vector.shape_cast %reduce_sum3A_38 : vector<1xf32> to vector<1x1x1xf32>
    %reduce_sum3A_40 = vector.extract %reduce_sum3A_39[0, 0, 0] : f32 from vector<1x1x1xf32>
    %add3A_41 = arith.addf %get3A_35, %reduce_sum3A_40 : f32
    %swap3A_42 = arith.constant 0 : index
    %swap3A_43 = memref.load %arg4[%swap3A_42] : memref<4xf32, #tpu.memory_space<smem>>
    memref.store %add3A_41, %arg4[%swap3A_42] : memref<4xf32, #tpu.memory_space<smem>>
    %get3A_44 = arith.constant 0 : index
    %get3A_45 = arith.constant 0 : index
    %get3A_46 = arith.constant 576 : index
    %get3A_47 = vector.load %arg1[%get3A_44, %get3A_45, %get3A_46] : memref<1x64x2304xf32, #tpu.memory_space<vmem>>, vector<1x64x576xf32>
    %get3A_48 = vector.shape_cast %get3A_47 : vector<1x64x576xf32> to vector<64x576xf32>
    %get3A_49 = arith.constant 1 : index
    %get3A_50 = arith.constant 0 : index
    %get3A_51 = arith.constant 0 : index
    %get3A_52 = vector.load %arg2[%get3A_49, %get3A_50, %get3A_51] : memref<4x1024x64xf32, #tpu.memory_space<vmem>>, vector<1x1024x64xf32>
    %get3A_53 = vector.shape_cast %get3A_52 : vector<1x1024x64xf32> to vector<1024x64xf32>
    %transpose3A_54 = tpu.transpose %get3A_48, [1, 0] : vector<64x576xf32> -> vector<576x64xf32>
    %add3A_55 = arith.addf %transpose3A_54, %transpose3A_54 : vector<576x64xf32>
    %dot_general3A_56 = arith.constant dense<0.000000e+00> : vector<576x1024xf32>
    %dot_general3A_57 = tpu.matmul %add3A_55, %get3A_53, %dot_general3A_56 {dimension_numbers = #tpu.dot_dimension_numbers<[1], [1], [0], [0], [0, 0, 1, 0], [], []>, transpose_lhs_hint = false} : vector<576x64xf32>, vector<1024x64xf32>, vector<576x1024xf32> -> vector<576x1024xf32>
    %mul3A_58 = arith.mulf %transpose3A_54, %transpose3A_54 : vector<576x64xf32>
    %reduce_sum3A_59 = arith.constant dense<0.000000e+00> : vector<576xf32>
    %reduce_sum3A_60 = vector.multi_reduction <add>, %mul3A_58, %reduce_sum3A_59 [1] : vector<576x64xf32> to vector<576xf32>
    %broadcast_in_dim3A_61 = vector.shape_cast %reduce_sum3A_60 : vector<576xf32> to vector<576x1xf32>
    %get3A_62 = arith.constant 1 : index
    %get3A_63 = arith.constant 0 : index
    %get3A_64 = vector.load %arg5[%get3A_62, %get3A_63] : memref<4x1024xf32, #tpu.memory_space<vmem>>, vector<1x1024xf32>
    %add3A_65 = vector.broadcast %broadcast_in_dim3A_61 : vector<576x1xf32> to vector<576x1024xf32>
    %add3A_66 = vector.broadcast %get3A_64 : vector<1x1024xf32> to vector<576x1024xf32>
    %add3A_67 = arith.addf %add3A_65, %add3A_66 : vector<576x1024xf32>
    %sub3A_68 = arith.subf %add3A_67, %dot_general3A_57 : vector<576x1024xf32>
    %reduce_min3A_69 = arith.constant dense<0x7F800000> : vector<576xf32>
    %reduce_min3A_70 = vector.multi_reduction <minimumf>, %sub3A_68, %reduce_min3A_69 [1] : vector<576x1024xf32> to vector<576xf32>
    %broadcast_in_dim3A_71 = vector.shape_cast %reduce_min3A_70 : vector<576xf32> to vector<576x1xf32>
    %iota3A_72 = tpu.iota {dimensions = array<i32: 1>} : vector<576x1024xi32>
    %convert_element_type3A_73 = arith.sitofp %iota3A_72 : vector<576x1024xi32> to vector<576x1024xf32>
    %eq3A_74 = vector.broadcast %broadcast_in_dim3A_71 : vector<576x1xf32> to vector<576x1024xf32>
    %eq3A_75 = arith.cmpf oeq, %sub3A_68, %eq3A_74 : vector<576x1024xf32>
    %jit3A_76 = arith.constant 1.024000e+03 : f32
    %broadcast_in_dim3A_77 = vector.broadcast %jit3A_76 : f32 to vector<576x1024xf32>
    %select_n3A_78 = arith.select %eq3A_75, %convert_element_type3A_73, %broadcast_in_dim3A_77 : vector<576x1024xi1>, vector<576x1024xf32>
    %reduce_min3A_79 = arith.constant dense<0x7F800000> : vector<576xf32>
    %reduce_min3A_80 = vector.multi_reduction <minimumf>, %select_n3A_78, %reduce_min3A_79 [1] : vector<576x1024xf32> to vector<576xf32>
    %broadcast_in_dim3A_81 = vector.shape_cast %reduce_min3A_80 : vector<576xf32> to vector<576x1xf32>
    %convert_element_type3A_82 = arith.fptosi %broadcast_in_dim3A_81 : vector<576x1xf32> to vector<576x1xi32>
    %swap3A_83 = arith.constant 0 : index
    %swap3A_84 = arith.constant 0 : index
    %swap3A_85 = arith.constant 1 : index
    %swap3A_86 = vector.load %arg3[%swap3A_83, %swap3A_84, %swap3A_85] : memref<1x576x4xi32, #tpu.memory_space<vmem>>, vector<1x576x1xi32>
    %swap3A_87 = vector.shape_cast %swap3A_86 : vector<1x576x1xi32> to vector<576x1xi32>
    %swap3A_88 = vector.shape_cast %convert_element_type3A_82 : vector<576x1xi32> to vector<1x576x1xi32>
    tpu.vector_store %arg3[%swap3A_83, %swap3A_84, %swap3A_85], %swap3A_88 {strides = array<i32>} : memref<1x576x4xi32, #tpu.memory_space<vmem>>, vector<1x576x1xi32>,
    %get3A_89 = arith.constant 1 : index
    %get3A_90 = memref.load %arg4[%get3A_89] : memref<4xf32, #tpu.memory_space<smem>>
    %reduce_sum3A_91 = vector.shape_cast %broadcast_in_dim3A_71 : vector<576x1xf32> to vector<1x576x1xf32>
    %reduce_sum3A_92 = arith.constant dense<0.000000e+00> : vector<1xf32>
    %reduce_sum3A_93 = vector.multi_reduction <add>, %reduce_sum3A_91, %reduce_sum3A_92 [1, 2] : vector<1x576x1xf32> to vector<1xf32>
    %reduce_sum3A_94 = vector.shape_cast %reduce_sum3A_93 : vector<1xf32> to vector<1x1x1xf32>
    %reduce_sum3A_95 = vector.extract %reduce_sum3A_94[0, 0, 0] : f32 from vector<1x1x1xf32>
    %add3A_96 = arith.addf %get3A_90, %reduce_sum3A_95 : f32
    %swap3A_97 = arith.constant 1 : index
    %swap3A_98 = memref.load %arg4[%swap3A_97] : memref<4xf32, #tpu.memory_space<smem>>
    memref.store %add3A_96, %arg4[%swap3A_97] : memref<4xf32, #tpu.memory_space<smem>>
    %get3A_99 = arith.constant 0 : index
    %get3A_100 = arith.constant 0 : index
    %get3A_101 = arith.constant 1152 : index
    %get3A_102 = vector.load %arg1[%get3A_99, %get3A_100, %get3A_101] : memref<1x64x2304xf32, #tpu.memory_space<vmem>>, vector<1x64x576xf32>
    %get3A_103 = vector.shape_cast %get3A_102 : vector<1x64x576xf32> to vector<64x576xf32>
    %get3A_104 = arith.constant 2 : index
    %get3A_105 = arith.constant 0 : index
    %get3A_106 = arith.constant 0 : index
    %get3A_107 = vector.load %arg2[%get3A_104, %get3A_105, %get3A_106] : memref<4x1024x64xf32, #tpu.memory_space<vmem>>, vector<1x1024x64xf32>
    %get3A_108 = vector.shape_cast %get3A_107 : vector<1x1024x64xf32> to vector<1024x64xf32>
    %transpose3A_109 = tpu.transpose %get3A_103, [1, 0] : vector<64x576xf32> -> vector<576x64xf32>
    %add3A_110 = arith.addf %transpose3A_109, %transpose3A_109 : vector<576x64xf32>
    %dot_general3A_111 = arith.constant dense<0.000000e+00> : vector<576x1024xf32>
    %dot_general3A_112 = tpu.matmul %add3A_110, %get3A_108, %dot_general3A_111 {dimension_numbers = #tpu.dot_dimension_numbers<[1], [1], [0], [0], [0, 0, 1, 0], [], []>, transpose_lhs_hint = false} : vector<576x64xf32>, vector<1024x64xf32>, vector<576x1024xf32> -> vector<576x1024xf32>
    %mul3A_113 = arith.mulf %transpose3A_109, %transpose3A_109 : vector<576x64xf32>
    %reduce_sum3A_114 = arith.constant dense<0.000000e+00> : vector<576xf32>
    %reduce_sum3A_115 = vector.multi_reduction <add>, %mul3A_113, %reduce_sum3A_114 [1] : vector<576x64xf32> to vector<576xf32>
    %broadcast_in_dim3A_116 = vector.shape_cast %reduce_sum3A_115 : vector<576xf32> to vector<576x1xf32>
    %get3A_117 = arith.constant 2 : index
    %get3A_118 = arith.constant 0 : index
    %get3A_119 = vector.load %arg5[%get3A_117, %get3A_118] : memref<4x1024xf32, #tpu.memory_space<vmem>>, vector<1x1024xf32>
    %add3A_120 = vector.broadcast %broadcast_in_dim3A_116 : vector<576x1xf32> to vector<576x1024xf32>
    %add3A_121 = vector.broadcast %get3A_119 : vector<1x1024xf32> to vector<576x1024xf32>
    %add3A_122 = arith.addf %add3A_120, %add3A_121 : vector<576x1024xf32>
    %sub3A_123 = arith.subf %add3A_122, %dot_general3A_112 : vector<576x1024xf32>
    %reduce_min3A_124 = arith.constant dense<0x7F800000> : vector<576xf32>
    %reduce_min3A_125 = vector.multi_reduction <minimumf>, %sub3A_123, %reduce_min3A_124 [1] : vector<576x1024xf32> to vector<576xf32>
    %broadcast_in_dim3A_126 = vector.shape_cast %reduce_min3A_125 : vector<576xf32> to vector<576x1xf32>
    %iota3A_127 = tpu.iota {dimensions = array<i32: 1>} : vector<576x1024xi32>
    %convert_element_type3A_128 = arith.sitofp %iota3A_127 : vector<576x1024xi32> to vector<576x1024xf32>
    %eq3A_129 = vector.broadcast %broadcast_in_dim3A_126 : vector<576x1xf32> to vector<576x1024xf32>
    %eq3A_130 = arith.cmpf oeq, %sub3A_123, %eq3A_129 : vector<576x1024xf32>
    %jit3A_131 = arith.constant 1.024000e+03 : f32
    %broadcast_in_dim3A_132 = vector.broadcast %jit3A_131 : f32 to vector<576x1024xf32>
    %select_n3A_133 = arith.select %eq3A_130, %convert_element_type3A_128, %broadcast_in_dim3A_132 : vector<576x1024xi1>, vector<576x1024xf32>
    %reduce_min3A_134 = arith.constant dense<0x7F800000> : vector<576xf32>
    %reduce_min3A_135 = vector.multi_reduction <minimumf>, %select_n3A_133, %reduce_min3A_134 [1] : vector<576x1024xf32> to vector<576xf32>
    %broadcast_in_dim3A_136 = vector.shape_cast %reduce_min3A_135 : vector<576xf32> to vector<576x1xf32>
    %convert_element_type3A_137 = arith.fptosi %broadcast_in_dim3A_136 : vector<576x1xf32> to vector<576x1xi32>
    %swap3A_138 = arith.constant 0 : index
    %swap3A_139 = arith.constant 0 : index
    %swap3A_140 = arith.constant 2 : index
    %swap3A_141 = vector.load %arg3[%swap3A_138, %swap3A_139, %swap3A_140] : memref<1x576x4xi32, #tpu.memory_space<vmem>>, vector<1x576x1xi32>
    %swap3A_142 = vector.shape_cast %swap3A_141 : vector<1x576x1xi32> to vector<576x1xi32>
    %swap3A_143 = vector.shape_cast %convert_element_type3A_137 : vector<576x1xi32> to vector<1x576x1xi32>
    tpu.vector_store %arg3[%swap3A_138, %swap3A_139, %swap3A_140], %swap3A_143 {strides = array<i32>} : memref<1x576x4xi32, #tpu.memory_space<vmem>>, vector<1x576x1xi32>,
    %get3A_144 = arith.constant 2 : index
    %get3A_145 = memref.load %arg4[%get3A_144] : memref<4xf32, #tpu.memory_space<smem>>
    %reduce_sum3A_146 = vector.shape_cast %broadcast_in_dim3A_126 : vector<576x1xf32> to vector<1x576x1xf32>
    %reduce_sum3A_147 = arith.constant dense<0.000000e+00> : vector<1xf32>
    %reduce_sum3A_148 = vector.multi_reduction <add>, %reduce_sum3A_146, %reduce_sum3A_147 [1, 2] : vector<1x576x1xf32> to vector<1xf32>
    %reduce_sum3A_149 = vector.shape_cast %reduce_sum3A_148 : vector<1xf32> to vector<1x1x1xf32>
    %reduce_sum3A_150 = vector.extract %reduce_sum3A_149[0, 0, 0] : f32 from vector<1x1x1xf32>
    %add3A_151 = arith.addf %get3A_145, %reduce_sum3A_150 : f32
    %swap3A_152 = arith.constant 2 : index
    %swap3A_153 = memref.load %arg4[%swap3A_152] : memref<4xf32, #tpu.memory_space<smem>>
    memref.store %add3A_151, %arg4[%swap3A_152] : memref<4xf32, #tpu.memory_space<smem>>
    %get3A_154 = arith.constant 0 : index
    %get3A_155 = arith.constant 0 : index
    %get3A_156 = arith.constant 1728 : index
    %get3A_157 = vector.load %arg1[%get3A_154, %get3A_155, %get3A_156] : memref<1x64x2304xf32, #tpu.memory_space<vmem>>, vector<1x64x576xf32>
    %get3A_158 = vector.shape_cast %get3A_157 : vector<1x64x576xf32> to vector<64x576xf32>
    %get3A_159 = arith.constant 3 : index
    %get3A_160 = arith.constant 0 : index
    %get3A_161 = arith.constant 0 : index
    %get3A_162 = vector.load %arg2[%get3A_159, %get3A_160, %get3A_161] : memref<4x1024x64xf32, #tpu.memory_space<vmem>>, vector<1x1024x64xf32>
    %get3A_163 = vector.shape_cast %get3A_162 : vector<1x1024x64xf32> to vector<1024x64xf32>
    %transpose3A_164 = tpu.transpose %get3A_158, [1, 0] : vector<64x576xf32> -> vector<576x64xf32>
    %add3A_165 = arith.addf %transpose3A_164, %transpose3A_164 : vector<576x64xf32>
    %dot_general3A_166 = arith.constant dense<0.000000e+00> : vector<576x1024xf32>
    %dot_general3A_167 = tpu.matmul %add3A_165, %get3A_163, %dot_general3A_166 {dimension_numbers = #tpu.dot_dimension_numbers<[1], [1], [0], [0], [0, 0, 1, 0], [], []>, transpose_lhs_hint = false} : vector<576x64xf32>, vector<1024x64xf32>, vector<576x1024xf32> -> vector<576x1024xf32>
    %mul3A_168 = arith.mulf %transpose3A_164, %transpose3A_164 : vector<576x64xf32>
    %reduce_sum3A_169 = arith.constant dense<0.000000e+00> : vector<576xf32>
    %reduce_sum3A_170 = vector.multi_reduction <add>, %mul3A_168, %reduce_sum3A_169 [1] : vector<576x64xf32> to vector<576xf32>
    %broadcast_in_dim3A_171 = vector.shape_cast %reduce_sum3A_170 : vector<576xf32> to vector<576x1xf32>
    %get3A_172 = arith.constant 3 : index
    %get3A_173 = arith.constant 0 : index
    %get3A_174 = vector.load %arg5[%get3A_172, %get3A_173] : memref<4x1024xf32, #tpu.memory_space<vmem>>, vector<1x1024xf32>
    %add3A_175 = vector.broadcast %broadcast_in_dim3A_171 : vector<576x1xf32> to vector<576x1024xf32>
    %add3A_176 = vector.broadcast %get3A_174 : vector<1x1024xf32> to vector<576x1024xf32>
    %add3A_177 = arith.addf %add3A_175, %add3A_176 : vector<576x1024xf32>
    %sub3A_178 = arith.subf %add3A_177, %dot_general3A_167 : vector<576x1024xf32>
    %reduce_min3A_179 = arith.constant dense<0x7F800000> : vector<576xf32>
    %reduce_min3A_180 = vector.multi_reduction <minimumf>, %sub3A_178, %reduce_min3A_179 [1] : vector<576x1024xf32> to vector<576xf32>
    %broadcast_in_dim3A_181 = vector.shape_cast %reduce_min3A_180 : vector<576xf32> to vector<576x1xf32>
    %iota3A_182 = tpu.iota {dimensions = array<i32: 1>} : vector<576x1024xi32>
    %convert_element_type3A_183 = arith.sitofp %iota3A_182 : vector<576x1024xi32> to vector<576x1024xf32>
    %eq3A_184 = vector.broadcast %broadcast_in_dim3A_181 : vector<576x1xf32> to vector<576x1024xf32>
    %eq3A_185 = arith.cmpf oeq, %sub3A_178, %eq3A_184 : vector<576x1024xf32>
    %jit3A_186 = arith.constant 1.024000e+03 : f32
    %broadcast_in_dim3A_187 = vector.broadcast %jit3A_186 : f32 to vector<576x1024xf32>
    %select_n3A_188 = arith.select %eq3A_185, %convert_element_type3A_183, %broadcast_in_dim3A_187 : vector<576x1024xi1>, vector<576x1024xf32>
    %reduce_min3A_189 = arith.constant dense<0x7F800000> : vector<576xf32>
    %reduce_min3A_190 = vector.multi_reduction <minimumf>, %select_n3A_188, %reduce_min3A_189 [1] : vector<576x1024xf32> to vector<576xf32>
    %broadcast_in_dim3A_191 = vector.shape_cast %reduce_min3A_190 : vector<576xf32> to vector<576x1xf32>
    %convert_element_type3A_192 = arith.fptosi %broadcast_in_dim3A_191 : vector<576x1xf32> to vector<576x1xi32>
    %swap3A_193 = arith.constant 0 : index
    %swap3A_194 = arith.constant 0 : index
    %swap3A_195 = arith.constant 3 : index
    %swap3A_196 = vector.load %arg3[%swap3A_193, %swap3A_194, %swap3A_195] : memref<1x576x4xi32, #tpu.memory_space<vmem>>, vector<1x576x1xi32>
    %swap3A_197 = vector.shape_cast %swap3A_196 : vector<1x576x1xi32> to vector<576x1xi32>
    %swap3A_198 = vector.shape_cast %convert_element_type3A_192 : vector<576x1xi32> to vector<1x576x1xi32>
    tpu.vector_store %arg3[%swap3A_193, %swap3A_194, %swap3A_195], %swap3A_198 {strides = array<i32>} : memref<1x576x4xi32, #tpu.memory_space<vmem>>, vector<1x576x1xi32>,
    %get3A_199 = arith.constant 3 : index
    %get3A_200 = memref.load %arg4[%get3A_199] : memref<4xf32, #tpu.memory_space<smem>>
    %reduce_sum3A_201 = vector.shape_cast %broadcast_in_dim3A_181 : vector<576x1xf32> to vector<1x576x1xf32>
    %reduce_sum3A_202 = arith.constant dense<0.000000e+00> : vector<1xf32>
    %reduce_sum3A_203 = vector.multi_reduction <add>, %reduce_sum3A_201, %reduce_sum3A_202 [1, 2] : vector<1x576x1xf32> to vector<1xf32>
    %reduce_sum3A_204 = vector.shape_cast %reduce_sum3A_203 : vector<1xf32> to vector<1x1x1xf32>
    %reduce_sum3A_205 = vector.extract %reduce_sum3A_204[0, 0, 0] : f32 from vector<1x1x1xf32>
    %add3A_206 = arith.addf %get3A_200, %reduce_sum3A_205 : f32
    %swap3A_207 = arith.constant 3 : index
    %swap3A_208 = memref.load %arg4[%swap3A_207] : memref<4xf32, #tpu.memory_space<smem>>
    memref.store %add3A_206, %arg4[%swap3A_207] : memref<4xf32, #tpu.memory_space<smem>>
    return
  }
  func.func @transform_0(%arg0: i32) -> (i32, i32, i32) {
    %c0_i32 = arith.constant 0 : i32
    %c0_i32_0 = arith.constant 0 : i32
    %c0_i32_1 = arith.constant 0 : i32
    return %arg0, %c0_i32, %c0_i32_0 : i32, i32, i32
  }
  func.func @transform_1(%arg0: i32) -> (i32, i32, i32) {
    %c0_i32 = arith.constant 0 : i32
    %c0_i32_0 = arith.constant 0 : i32
    %c0_i32_1 = arith.constant 0 : i32
    %c0_i32_2 = arith.constant 0 : i32
    return %c0_i32, %c0_i32_0, %c0_i32_1 : i32, i32, i32
  }
  func.func @transform_2(%arg0: i32) -> (i32, i32, i32) {
    %c0_i32 = arith.constant 0 : i32
    %c0_i32_0 = arith.constant 0 : i32
    %c0_i32_1 = arith.constant 0 : i32
    return %arg0, %c0_i32, %c0_i32_0 : i32, i32, i32
  }
  func.func @transform_3(%arg0: i32) -> i32 {
    %c0_i32 = arith.constant 0 : i32
    %c0_i32_0 = arith.constant 0 : i32
    return %c0_i32 : i32
  }
}

</mosaic_0001>

<sc_bundles>
// kernel: kernel.4.cloned.1.call-start
scs
__scs_entry_jumppad:
0x0: {  	(pc) =	sbr.rel $0x88, $3  }
0x1: {  	(tag) =	ssettag $0x0;
	lr =	simm.s32 $0x1  }
0x2: {  	[smem:$0x3F9F] =	sst lr;
	_ =	strace $0xD0000000  }
0x3: {  	_ = 	snop  }
0x4: {  	_ = 	snop  }
0x5: {  	_ = 	snop  }
0x6: {  	_ = 	snop  }
0x7: {  	_ = 	snop  }
__scs_overlays_trampoline_lowered:
0x8: {  	[smem:$0x3FAE] =	sst s0  }
0x9: {  	[smem:$0x3FAF] =	sst s1  }
0xa: {  	[smem:$0x3FB0] =	sst s2  }
0xb: {  	[smem:$0x3FB1] =	sst s3  }
0xc: {  	[smem:$0x3FB2] =	sst s4  }
0xd: {  	[smem:$0x3FB3] =	sst s5  }
0xe: {  	[smem:$0x3FB4] =	sst s6  }
0xf: {  	[smem:$0x3FB5] =	sst s7  }
0x10: {  	[smem:$0x3FB6] =	sst s8  }
0x11: {  	[smem:$0x3FB7] =	sst s9;
	s0 =	simm.s32 @!p0 $0x0  }
0x12: {  	s1 =	sld [smem:$0x3F9D];
	s0 =	simm.s32 @p0 $0x1  }
0x13: {  	[smem:$0x3FB8] =	sst s0;
	s0 =	simm.s32 @!p1 $0x0  }
0x14: {  	s2 =	sld [smem:$0x3F9C];
	s0 =	simm.s32 @p1 $0x1  }
0x15: {  	[smem:$0x3FB9] =	sst s0;
	s0 =	simm.s32 @!p2 $0x0  }
0x16: {  	s3 =	sld [smem:$0x3FDB];
	s0 =	simm.s32 @p2 $0x1  }
0x17: {  	s4 =	simm.s32 $0x1BF5;
	[smem:$0x3FBB] =	sst s0  }
0x18: {  	s0 =	sld [smem:$0x3F9E];
	_ =	swait.ge [sflag:s4], $0x0  }
0x19: {  	s7 =	sld [smem:$0x3F9F]  }
0x1a: {  	s8 =	sadd.s32 $0xFFFFE003, lr  }
0x1b: {  	s9 =	sadd.s32 $0xFFFFFEF7, lr;
	s5 =	simm.s32 $0xFFFFFFFF;
	p2 =	slt.u32 s8, $0xFFFFF086  }
0x1c: {  	p1 =	slt.u32 s9, $0xF7A;
	s5 =	simm.s32 @!p2 $0x0  }
0x1d: {  	s5 =	simm.s32 @p1 $0x1;
	p0 =	seq.s32 s7, s2  }
0x1e: {  	s7 =	smul.u32 @!p0 $0xF7A, s2;
	p2 =	seq.s32 @!p0 s5, $0x0  }
0x1f: {  	s9 =	smul.u32 $0xF7A, s1;
	s8 =	simm.s32 @!p0 $0x1BF5;
	p2 =	por !p2, p0  }
0x20: {  	[sflag:s8] =	ssyncset.s32 @!p0 $0xFFFFF086;
	s6 =	sadd.s32 @!p0 s3, s7;
	s7 =	simm.s32 @!p0 $0x108  }
0x21: {  	s3 =	sadd.s32 s3, s9;
	s6 =	sadd.s32 @!p0 $0x88, s6;
	s7 =	simm.s32 @p2 $0x1082  }
0x22: {  	[simem:s7], [sflag:s8] =	dma.local @!p0 [hbm:s6], $0xF7A  }
0x23: {  	s9 =	sor.u32 $0xD0000000, s2;
	s6 =	simm.s32 $0x108;
	_ =	swait.ge @!p0 [sflag:s8], $0x0  }
0x24: {  	s3 =	sadd.s32 $0x88, s3;
	s6 =	simm.s32 @!p1 $0x1082;
	[sflag:s4] =	ssyncset.s32 $0xFFFFF086  }
0x25: {  	[simem:s6], [sflag:s4] =	dma.local [hbm:s3], $0xF7A  }
0x26: {  	[smem:$0x3F9F] =	sst s1;
	(tag) =	ssettag s2;
	_ =	strace s9  }
0x27: {  	s1 =	sld [smem:$0x3FAF]  }
0x28: {  	s2 =	sld [smem:$0x3FB0]  }
0x29: {  	s4 =	sld [smem:$0x3FB2]  }
0x2a: {  	p0 =	seq.s32 s5, $0x0;
	s5 =	sld [smem:$0x3FB3]  }
0x2b: {  	s6 =	sld [smem:$0x3FB4]  }
0x2c: {  	s7 =	sld [smem:$0x3FB5]  }
0x2d: {  	s3 =	simm.s32 $0x108;
	s8 =	sld [smem:$0x3FB6]  }
0x2e: {  	s3 =	simm.s32 @!p0 $0x1082;
	s9 =	sld [smem:$0x3FB7]  }
0x2f: {  	lr =	sadd.s32 s0, s3;
	s0 =	sld [smem:$0x3FAE]  }
0x30: {  	s3 =	sld [smem:$0x3FB1]  }
0x31: {  	[smem:$0x3FBA] =	sst s10  }
0x32: {  	s10 =	sld [smem:$0x3FB8];
	_ =	sdelay $0x3  }
0x33: {  	p0 =	seq.s32 s10, $0x1;
	s10 =	sld [smem:$0x3FBA];
	_ =	sdelay $0x3  }
0x34: {  	[smem:$0x3FBA] =	sst s10  }
0x35: {  	s10 =	sld [smem:$0x3FB9];
	_ =	sdelay $0x3  }
0x36: {  	p1 =	seq.s32 s10, $0x1;
	s10 =	sld [smem:$0x3FBA];
	_ =	sdelay $0x3  }
0x37: {  	[smem:$0x3FBA] =	sst s10  }
0x38: {  	s10 =	sld [smem:$0x3FBB]  }
0x39: {  	_ = 	snop;
	(pc) =	sbr.ind lr, $3  }
0x3a: {  	_ = 	snop  }
0x3b: {  	_ = 	snop  }
0x3c: {  	p2 =	seq.s32 s10, $0x1;
	s10 =	sld [smem:$0x3FBA]  }
0x3d: {  	_ =	shalt  }
0x3e: {  	_ =	shalt  }
0x3f: {  	_ =	shalt  }
0x40: {  	_ =	shalt  }
0x41: {  	_ =	shalt  }
0x42: {  	_ =	shalt  }
0x43: {  	_ =	shalt  }
0x44: {  	_ =	shalt  }
0x45: {  	_ =	shalt  }
0x46: {  	_ =	shalt  }
0x47: {  	_ =	shalt  }
0x48: {  	_ =	shalt  }
0x49: {  	_ =	shalt  }
0x4a: {  	_ =	shalt  }
0x4b: {  	_ =	shalt  }
0x4c: {  	_ =	shalt  }
0x4d: {  	_ =	shalt  }
0x4e: {  	_ =	shalt  }
0x4f: {  	_ =	shalt  }
0x50: {  	_ =	shalt  }
0x51: {  	_ =	shalt  }
0x52: {  	_ =	shalt  }
0x53: {  	_ =	shalt  }
0x54: {  	_ =	shalt  }
0x55: {  	_ =	shalt  }
0x56: {  	_ =	shalt  }
0x57: {  	_ =	shalt  }
0x58: {  	_ =	shalt  }
0x59: {  	_ =	shalt  }
0x5a: {  	_ =	shalt  }
0x5b: {  	_ =	shalt  }
0x5c: {  	_ =	shalt  }
0x5d: {  	_ =	shalt  }
0x5e: {  	_ =	shalt  }
0x5f: {  	_ =	shalt  }
0x60: {  	_ =	shalt  }
0x61: {  	_ =	shalt  }
0x62: {  	_ =	shalt  }
0x63: {  	_ =	shalt  }
0x64: {  	_ =	shalt  }
0x65: {  	_ =	shalt  }
0x66: {  	_ =	shalt  }
0x67: {  	_ =	shalt  }
0x68: {  	_ =	shalt  }
0x69: {  	_ =	shalt  }
0x6a: {  	_ =	shalt  }
0x6b: {  	_ =	shalt  }
0x6c: {  	_ =	shalt  }
0x6d: {  	_ =	shalt  }
0x6e: {  	_ =	shalt  }
0x6f: {  	_ =	shalt  }
0x70: {  	_ =	shalt  }
0x71: {  	_ =	shalt  }
0x72: {  	_ =	shalt  }
0x73: {  	_ =	shalt  }
0x74: {  	_ =	shalt  }
0x75: {  	_ =	shalt  }
0x76: {  	_ =	shalt  }
0x77: {  	_ =	shalt  }
0x78: {  	_ =	shalt  }
0x79: {  	_ =	shalt  }
0x7a: {  	_ =	shalt  }
0x7b: {  	_ =	shalt  }
0x7c: {  	_ =	shalt  }
0x7d: {  	_ =	shalt  }
0x7e: {  	_ =	shalt  }
0x7f: {  	_ =	shalt  }
0x80: {  	_ =	shalt  }
0x81: {  	_ =	shalt  }
0x82: {  	_ =	shalt  }
0x83: {  	_ =	shalt  }
0x84: {  	_ =	shalt  }
0x85: {  	_ =	shalt  }
0x86: {  	_ =	shalt  }
0x87: {  	_ =	shalt  }
.Lfunc_end0:
.L_simem_size_0:
called_computation_lowered:
.L_overlay_start_0:
0x88: {  	s2 =	sld [smem:$0x3FD9]  }
0x89: {  	s3 =	sld [smem:$0x3FFE];
	_ =	sdelay $0x1  }
0x8a: {  	s1 =	srdreg.scid  }
0x8b: {  	s0 =	sand.u32 $0x1, s1  }
0x8c: {  	s14 =	sshll.u32 s0, $0xA;
	s2 =	sadd.s32 s3, s2  }
0x8d: {  	s2 =	sadd.s32 s2, s14  }
0x8e: {  	[smem:$0x3FC6] =	sst s2  }
0x8f: {  	_ = 	snop  }
0x90: {  	s2 =	sld [smem:$0x3FD0];
	_ =	sdelay $0x2  }
0x91: {  	s15 =	simm.s32 $0xA;
	s4 =	simm.s32 $0x10  }
0x92: {  	[smem:s4], [sflag:s15] =	dma.local [hbm:s2], $0x1  }
0x93: {  	_ =	swait.eq [sflag:s15], $0x1  }
0x94: {  	[sflag:s15] =	ssyncset.done $0x0  }
0x95: {  	[sflag:s15] =	ssyncadd.s32 $0xFFFFFFFF  }
0x96: {  	s16 =	sld [smem:$0x12];
	(tm) =	ssettm $0x1  }
0x97: {  	s17 =	sld [smem:$0x3FFB];
	_ =	sdelay $0x3  }
0x98: {  	_ =	strace s17  }
0x99: {  	s3 =	sld [smem:$0x3FFC];
	_ =	sdelay $0x3  }
0x9a: {  	_ =	strace s3  }
0x9b: {  	s3 =	sld [smem:$0x3FFD];
	_ =	sdelay $0x3  }
0x9c: {  	_ =	strace s3  }
0x9d: {  	_ =	strace $0x8FFFFFFF  }
0x9e: {  	s18 =	sld [smem:$0x3FDB];
	_ =	sdelay $0x1  }
0x9f: {  	s19 =	simm.s32 $_scs_section_size  }
0xa0: {  	s5 =	simm.s32 $_size__tile_overlayer_lowered;
	s6 =	simm.s32 $_tile_overlayer_lowered  }
0xa1: {  	s22 =	simm.s32 $0x1BFF;
	s21 =	sshll.u32 s6, $0x1;
	s3 =	sadd.s32 s19, s18  }
0xa2: {  	s7 =	simm.s32 $0x0;
	s20 =	sshll.u32 s5, $0x1;
	s5 =	sadd.s32 s21, s3  }
0xa3: {  	[timem:s7], [sflag:s22] =	dma.local [hbm:s5], s20  }
0xa4: {  	_ =	swait.ge [sflag:s22], s20  }
0xa5: {  	s4 =	ssub.s32 $0x0, s20;
	[sflag:s22] =	ssyncset.done $0x0  }
0xa6: {  	[sflag:s22] =	ssyncadd.s32 s4;
	_ =	sdelay $0x1  }
0xa7: {  	s23 =	simm.s32 $0x1B8B  }
0xa8: {  	_ =	swait.ge [sflag:s23], $0x1  }
0xa9: {  	[sflag:s23] =	ssyncset.done $0x0  }
0xaa: {  	s25 =	simm.s32 $0x1B8E;
	s24 =	sld [smem:$0x3FFE];
	[sflag:s23] =	ssyncadd.s32 $0xFFFFFFFF  }
0xab: {  	s26 =	simm.s32 $execute0_lowered;
	[smem:$0x3FD2] =	sst s25  }
0xac: {  	s5 =	sshll.u32 s26, $0x1;
	_ =	strace $0x80000046;
	[dreg:$0x1] =	wrdreg $0xFFFFFFFF  }
0xad: {  	s28 =	simm.s32 $_size_execute0_lowered;
	s3 =	sadd.s32 s3, s5;
	[dreg:$0x0] =	wrdreg $0x0  }
0xae: {  	s5 =	sshll.u32 s28, $0x1;
	[dreg:$0x2] =	wrdreg s3  }
0xaf: {  	[dreg:$0x3] =	wrdreg s5  }
0xb0: {  	[dreg:$0x4] =	wrdreg $0xC0  }
0xb1: {  	_ =	task [dreg:s7], $0x5FFFF  }
0xb2: {  	[dreg:$0x1] =	wrdreg $0xFFFFFFFF  }
0xb3: {  	[dreg:$0x0] =	wrdreg $0x60  }
0xb4: {  	[dreg:$0x2] =	wrdreg s24  }
0xb5: {  	[dreg:$0x3] =	wrdreg s16  }
0xb6: {  	[dreg:$0x4] =	wrdreg $0x9  }
0xb7: {  	_ =	task.clear_ibuf [dreg:s7], $0x5FFFF;
	_ =	strace $0x90000046  }
0xb8: {  	s29 =	simm.s32 $0x9;
	_ =	strace $0x80000048  }
0xb9: {  	_ =	swait.ge [sflag:s29], $0x1  }
0xba: {  	[sflag:s29] =	ssyncadd.s32 $0xFFFFFFFF  }
0xbb: {  	_ =	strace $0x90000048  }
0xbc: {  	_ =	sfence  }
0xbd: {  	s30 =	sld [smem:$0x0];
	_ =	sdelay $0x2  }
0xbe: {  	s31 =	sshll.u32 s1, $0xD;
	s1 =	sshrl.u32 s1, $0x2  }
0xbf: {  	s3 =	sand.u32 $0x4000, s31;
	s1 =	sadd.s32 s1, s30  }
0xc0: {  	s0 =	sor.u32 s3, s0;
	s1 =	sshll.u32 s1, $0x11  }
0xc1: {  	s0 =	sor.u32 s1, s0  }
0xc2: {  	s0 =	sadd.s32 $0x8F2B, s0  }
0xc3: {  	[sflag:s0] =	ssyncadd.remote.s32 $0x1  }
0xc4: {  	_ =	sfence.sel $0xFFFF  }
0xc5: {  	[dreg:$0x0] =	wrdreg $0xFFFFFFFF;
	(pc) =	sbr.abs _section_cstart, $3  }
0xc6: {  	[dreg:$0x1] =	wrdreg $0xFFFFFFFF  }
0xc7: {  	_ =	task.clear_ibuf [dreg:s7], $0x2FFFF;
	_ =	strace $0x9FFFFFFF  }
0xc8: {  	(tm) =	ssettm $0x7FFFFFFF  }
0xc9: {  	_ =	shalt  }
tec
execute0_lowered:
.L_overlay_start_1:
0x0: {  	(tag) =	ssettag $0x1  }
0x1: {  	s1 =	srdreg.scid;
	s6 =	rddreg [dreg:$0x0]  }
0x2: {  	s0 =	stileid.u32;
	s7 =	rddreg [dreg:$0x1]  }
0x3: {  	s2 =	simm.s32 $0x0;
	s3 =	sand.u32 $0x1, s1;
	s1 =	rddreg [dreg:$0x2]  }
0x4: {  	s17 =	simm.s32 $0xA00;
	s5 =	sshrl.u32 s0, $0x3;
	[smem:$0x7FF] =	sst s2  }
0x5: {  	s19 =	sand.u32 $0x7, s0;
	s9 =	sadd.s32 $0x9200, s6;
	s28 =	sshll.u32 s0, $0x8  }
0x6: {  	s4 =	sshll.u32 s3, $0x1;
	_ =	strace $0x80000047;
	s26 =	sshrl.u32 s19, $0x2  }
0x7: {  	s3 =	ssub.s32 $0x2, s3;
	s13 =	smul.u32 $0x50000, s19;
	s31 =	sshllo.u32 s19, $0x1  }
0x8: {  	s16 =	sshll.u32 s19, $0xC;
	p0 =	sne.s32 s19, $0x0;
	s19 =	simm.s32 $0x0  }
0x9: {  	v0 =	vlaneseq.u32;
	s18 =	sor.u32 s5, s4;
	s8 =	smul.u32 $0x4800, s26;
	s12 =	sshrl.u32 s3, $0x1  }
0xa: {  	v0 =	vmul.u32 $0x4, v0;
	s5 =	sand.u32 $0x300, s28;
	s15 =	sshll.u32 s31, $0x7;
	s4 =	sshll.u32 s18, $0xD  }
0xb: {  	s10 =	sshll.u32 s18, $0x4;
	s12 =	ssub.s32 s3, s12;
	s14 =	sshll.u32 s18, $0x7  }
0xc: {  	s15 =	sand.u32 $0x380, s15;
	v0 =	vor.u32 s18, v0;
	s18 =	simm.s32 $0x200;
	s4 =	sadd.s32 s4, s6  }
0xd: {  	s11 =	sadd.s32 s10, s6;
	s5 =	sor.u32 s5, s8;
	s30 =	sor.u32 s13, s14  }
0xe: {  	s13 =	smul.u32 $0x28000, s31;
	s8 =	sor.u32 s8, s15;
	s15 =	simm.s32 $0x10000  }
0xf: {  	s3 =	sadd.s32 $0x1200, s4;
	s29 =	sshrl.u32 s5, $0x3;
	s5 =	sshrl.u32 s30, $0x3  }
0x10: {  	s8 =	sshrl.u32 s8, $0x3;
	s4 =	sadd.s32 s6, s29;
	s5 =	sadd.s32 s7, s5  }
.Ltmp0:
0x11: {  	s13 =	sor.u32 s14, s13;
	s14 =	sor.u32 s16, s14;
	(pc) =	sbr.rel .LBB2_1-.Ltmp0, $4  }
0x12: {  	s6 =	sadd.s32 s6, s8;
	s13 =	sshrl.u32 s13, $0x3;
	s14 =	sshrl.u32 s14, $0x3  }
0x13: {  	s16 =	simm.s32 $0x1A900;
	s7 =	sadd.s32 s7, s13;
	s8 =	sadd.s32 s9, s14  }
0x14: {  	s9 =	sadd.s32 s9, s10;
	s10 =	sadd.s32 $0xA200, s11;
	s11 =	smax.u32 s12, $0x1  }
0x15: {  	v1 =	vimm.f32 $0.0e+00;
	v2 =	vimm.f32 $1.000000000e+00;
	s12 =	simm.s32 $0x1;
	s13 =	simm.s32 $0x80;
	s14 =	simm.s32 $0x400  }
.LBB2_14:
0x16: {  	v4 =	vld [tilespmem:s22+$0x0];
	_ =	sdelay $0x1  }
0x17: {  	v5 =	vld [tilespmem:s21+$0x1B500];
	_ =	sdelay $0x1  }
0x18: {  	v6 =	vld [tilespmem:s21+$0x1B900]  }
0x19: {  	v3 =	vadd.f32 v3, v4  }
0x1a: {  	v60 =	vld [tilespmem:s21+$0x1BD00]  }
0x1b: {  	v3 =	vadd.f32 v5, v3  }
0x1c: {  	v61 =	vld [tilespmem:s21+$0x1C100]  }
0x1d: {  	v3 =	vadd.f32 v6, v3  }
0x1e: {  	v62 =	vld [tilespmem:s21+$0x1C500]  }
0x1f: {  	v3 =	vadd.f32 v60, v3  }
0x20: {  	v63 =	vld [tilespmem:s21+$0x1C900]  }
0x21: {  	v3 =	vadd.f32 v61, v3;
	_ =	sdelay $0x1  }
0x22: {  	v3 =	vadd.f32 v62, v3;
	_ =	sdelay $0x1  }
0x23: {  	v3 =	vadd.f32 v63, v3  }
0x24: {  	s20 =	sadd.s32 $0x10, s20  }
0x25: {  	[tilespmem:s20+$0x0] =	vst v3  }
0x26: {  	[hbm4b:s10+s13] =	stream.strided.scatter [tilespmem:s16], [sflag:$0x1], $0x400, s18, s13, $0x38;
	[tilespmem:$0x1CD00] =	vst v63  }
0x27: {  	_ =	swait.ge [sflag:s12], $0x400  }
0x28: {  	[sflag:s12] =	ssyncset.done $0x0  }
0x29: {  	[sflag:s12] =	ssyncadd.s32 $0xFFFFFC00  }
.LBB2_15:
0x2a: {  	s19 =	sadd.s32 $0x1, s19  }
0x2b: {  	p1 =	sne.s32 s19, s11  }
.Ltmp1:
0x2c: {  	_ = 	snop;
	(pc) =	sbr.rel @!p1 .LBB2_16-.Ltmp1, $1  }
0x2d: {  	_ =	sdelay $0x3  }
.LBB2_1:
0x2e: {  	[tilespmem:s2], [sflag:$0x1] =	stream.linear.gather [hbm4b:s3+s2], $0x10000, $0x38;
	[tilespmem:$0x1CD00] =	vst v63  }
0x2f: {  	_ =	swait.ge [sflag:s12], $0x10000  }
0x30: {  	[sflag:s12] =	ssyncset.done $0x0  }
0x31: {  	s20 =	simm.s32 $0x40;
	s21 =	simm.s32 $0x0;
	[sflag:s12] =	ssyncadd.s32 $0xFFFF0000  }
.LBB2_2:
0x32: {  	p1 =	sne.s32 s20, $0xFC0;
	[tilespmem:s21+$0x1A900] =	vst v1;
	s21 =	smov.u32 s20;
	s20 =	sadd.s32 $0x40, s20  }
.Ltmp2:
0x33: {  	(pc) =	sbr.rel @p1 .LBB2_2-.Ltmp2, $2  }
0x34: {  	_ =	sdelay $0x2  }
0x35: {  	s21 =	sshra.s32 s21, $0x2  }
0x36: {  	[tilespmem:s21+$0x1A900] =	vst v1  }
0x37: {  	[tilespmem:s15], [sflag:$0x1] =	stream.strided.gather [hbm4b:s4+s13], $0x900, s14, s13, $0x38;
	[tilespmem:$0x1CD00] =	vst v63  }
0x38: {  	_ =	swait.ge [sflag:s12], $0x900  }
0x39: {  	s20 =	simm.s32 $0x0;
	[sflag:s12] =	ssyncset.done $0x0  }
0x3a: {  	s21 =	simm.s32 $0x0;
	s22 =	simm.s32 $0x0;
	[sflag:s12] =	ssyncadd.s32 $0xFFFFF700  }
.LBB2_4:
0x3b: {  	v3 =	vor.u32 s22, v0;
	_ =	sdelay $0x4  }
0x3c: {  	v3 =	vld.idx.msk [tilespmem:v3+s15+$0x0], $0xffff;
	_ =	sdelay $0x7  }
0x3d: {  	v4 =	vld.idx.msk [tilespmem:v3+s2+$0x0], $0xffff  }
0x3e: {  	v5 =	vadd.s32 $0x400, v3;
	_ =	sdelay $0x1  }
0x3f: {  	s23 =	sand.u32 $0x70, s20;
	s24 =	sand.u32 $0x1C00, s21  }
0x40: {  	s23 =	sor.u32 s23, s24  }
0x41: {  	[tilespmem:s23+$0x10900] =	vst v4  }
0x42: {  	v4 =	vld.idx.msk [tilespmem:v5+s2+$0x0], $0xffff  }
0x43: {  	v58 =	vadd.s32 $0x800, v3;
	_ =	sdelay $0x2  }
0x44: {  	s24 =	sadd.s32 $0x10900, s23  }
0x45: {  	[tilespmem:s24+$0x80] =	vst v4  }
0x46: {  	v4 =	vld.idx.msk [tilespmem:v58+s2+$0x0], $0xffff  }
0x47: {  	v59 =	vadd.s32 $0xC00, v3;
	_ =	sdelay $0x3  }
0x48: {  	[tilespmem:s24+$0x100] =	vst v4  }
0x49: {  	v4 =	vld.idx.msk [tilespmem:v59+s2+$0x0], $0xffff  }
0x4a: {  	v60 =	vadd.s32 $0x1000, v3;
	_ =	sdelay $0x3  }
0x4b: {  	[tilespmem:s24+$0x180] =	vst v4  }
0x4c: {  	v4 =	vld.idx.msk [tilespmem:v60+s2+$0x0], $0xffff  }
0x4d: {  	v61 =	vadd.s32 $0x1400, v3;
	_ =	sdelay $0x3  }
0x4e: {  	[tilespmem:s24+$0x200] =	vst v4  }
0x4f: {  	v4 =	vld.idx.msk [tilespmem:v61+s2+$0x0], $0xffff  }
0x50: {  	v62 =	vadd.s32 $0x1800, v3;
	_ =	sdelay $0x3  }
0x51: {  	[tilespmem:s24+$0x280] =	vst v4  }
0x52: {  	v4 =	vld.idx.msk [tilespmem:v62+s2+$0x0], $0xffff  }
0x53: {  	v63 =	vadd.s32 $0x1C00, v3;
	_ =	sdelay $0x3  }
0x54: {  	[tilespmem:s24+$0x300] =	vst v4  }
0x55: {  	v4 =	vld.idx.msk [tilespmem:v63+s2+$0x0], $0xffff  }
0x56: {  	v8 =	vadd.s32 $0x2000, v3;
	_ =	sdelay $0x1  }
0x57: {  	s31 =	sor.u32 s21, s20  }
0x58: {  	s24 =	sor.u32 $0x380, s31  }
0x59: {  	[tilespmem:s24+$0x10900] =	vst v4  }
0x5a: {  	v4 =	vld.idx.msk [tilespmem:v8+s2+$0x0], $0xffff  }
0x5b: {  	v9 =	vadd.s32 $0x2400, v3;
	_ =	sdelay $0x3  }
0x5c: {  	[tilespmem:s23+$0x11D00] =	vst v4  }
0x5d: {  	v4 =	vld.idx.msk [tilespmem:v9+s2+$0x0], $0xffff  }
0x5e: {  	v10 =	vadd.s32 $0x2800, v3;
	_ =	sdelay $0x3  }
0x5f: {  	[tilespmem:s23+$0x11D80] =	vst v4  }
0x60: {  	v4 =	vld.idx.msk [tilespmem:v10+s2+$0x0], $0xffff  }
0x61: {  	v11 =	vadd.s32 $0x2C00, v3;
	_ =	sdelay $0x3  }
0x62: {  	[tilespmem:s23+$0x11E00] =	vst v4  }
0x63: {  	v4 =	vld.idx.msk [tilespmem:v11+s2+$0x0], $0xffff  }
0x64: {  	v12 =	vadd.s32 $0x3000, v3;
	_ =	sdelay $0x3  }
0x65: {  	[tilespmem:s23+$0x11E80] =	vst v4  }
0x66: {  	v4 =	vld.idx.msk [tilespmem:v12+s2+$0x0], $0xffff  }
0x67: {  	v13 =	vadd.s32 $0x3400, v3;
	_ =	sdelay $0x3  }
0x68: {  	[tilespmem:s23+$0x11F00] =	vst v4  }
0x69: {  	v4 =	vld.idx.msk [tilespmem:v13+s2+$0x0], $0xffff  }
0x6a: {  	v14 =	vadd.s32 $0x3800, v3;
	_ =	sdelay $0x3  }
0x6b: {  	[tilespmem:s23+$0x11F80] =	vst v4  }
0x6c: {  	v4 =	vld.idx.msk [tilespmem:v14+s2+$0x0], $0xffff  }
0x6d: {  	v15 =	vadd.s32 $0x3C00, v3;
	_ =	sdelay $0x3  }
0x6e: {  	[tilespmem:s23+$0x12000] =	vst v4  }
0x6f: {  	v4 =	vld.idx.msk [tilespmem:v15+s2+$0x0], $0xffff  }
0x70: {  	v16 =	vadd.s32 $0x4000, v3;
	_ =	sdelay $0x3  }
0x71: {  	[tilespmem:s23+$0x12080] =	vst v4  }
0x72: {  	v4 =	vld.idx.msk [tilespmem:v16+s2+$0x0], $0xffff  }
0x73: {  	v17 =	vadd.s32 $0x4400, v3;
	_ =	sdelay $0x3  }
0x74: {  	[tilespmem:s23+$0x13100] =	vst v4  }
0x75: {  	v4 =	vld.idx.msk [tilespmem:v17+s2+$0x0], $0xffff  }
0x76: {  	v18 =	vadd.s32 $0x4800, v3;
	_ =	sdelay $0x3  }
0x77: {  	[tilespmem:s23+$0x13180] =	vst v4  }
0x78: {  	v4 =	vld.idx.msk [tilespmem:v18+s2+$0x0], $0xffff  }
0x79: {  	v19 =	vadd.s32 $0x4C00, v3;
	_ =	sdelay $0x3  }
0x7a: {  	[tilespmem:s23+$0x13200] =	vst v4  }
0x7b: {  	v4 =	vld.idx.msk [tilespmem:v19+s2+$0x0], $0xffff  }
0x7c: {  	v20 =	vadd.s32 $0x5000, v3;
	_ =	sdelay $0x3  }
0x7d: {  	[tilespmem:s23+$0x13280] =	vst v4  }
0x7e: {  	v4 =	vld.idx.msk [tilespmem:v20+s2+$0x0], $0xffff  }
0x7f: {  	v21 =	vadd.s32 $0x5400, v3;
	_ =	sdelay $0x3  }
0x80: {  	[tilespmem:s23+$0x13300] =	vst v4  }
0x81: {  	v4 =	vld.idx.msk [tilespmem:v21+s2+$0x0], $0xffff  }
0x82: {  	v22 =	vadd.s32 $0x5800, v3;
	_ =	sdelay $0x3  }
0x83: {  	[tilespmem:s23+$0x13380] =	vst v4  }
0x84: {  	v4 =	vld.idx.msk [tilespmem:v22+s2+$0x0], $0xffff  }
0x85: {  	v23 =	vadd.s32 $0x5C00, v3;
	_ =	sdelay $0x3  }
0x86: {  	[tilespmem:s23+$0x13400] =	vst v4  }
0x87: {  	v4 =	vld.idx.msk [tilespmem:v23+s2+$0x0], $0xffff  }
0x88: {  	v24 =	vadd.s32 $0x6000, v3;
	_ =	sdelay $0x3  }
0x89: {  	[tilespmem:s23+$0x13480] =	vst v4  }
0x8a: {  	v4 =	vld.idx.msk [tilespmem:v24+s2+$0x0], $0xffff  }
0x8b: {  	v25 =	vadd.s32 $0x6400, v3;
	_ =	sdelay $0x3  }
0x8c: {  	[tilespmem:s23+$0x14500] =	vst v4  }
0x8d: {  	v4 =	vld.idx.msk [tilespmem:v25+s2+$0x0], $0xffff  }
0x8e: {  	v26 =	vadd.s32 $0x6800, v3;
	_ =	sdelay $0x3  }
0x8f: {  	[tilespmem:s23+$0x14580] =	vst v4  }
0x90: {  	v4 =	vld.idx.msk [tilespmem:v26+s2+$0x0], $0xffff  }
0x91: {  	v27 =	vadd.s32 $0x6C00, v3;
	_ =	sdelay $0x3  }
0x92: {  	[tilespmem:s23+$0x14600] =	vst v4  }
0x93: {  	v4 =	vld.idx.msk [tilespmem:v27+s2+$0x0], $0xffff  }
0x94: {  	v28 =	vadd.s32 $0x7000, v3;
	_ =	sdelay $0x3  }
0x95: {  	[tilespmem:s23+$0x14680] =	vst v4  }
0x96: {  	v4 =	vld.idx.msk [tilespmem:v28+s2+$0x0], $0xffff  }
0x97: {  	v29 =	vadd.s32 $0x7400, v3;
	_ =	sdelay $0x3  }
0x98: {  	[tilespmem:s23+$0x14700] =	vst v4  }
0x99: {  	v4 =	vld.idx.msk [tilespmem:v29+s2+$0x0], $0xffff  }
0x9a: {  	v30 =	vadd.s32 $0x7800, v3;
	_ =	sdelay $0x3  }
0x9b: {  	[tilespmem:s23+$0x14780] =	vst v4  }
0x9c: {  	v4 =	vld.idx.msk [tilespmem:v30+s2+$0x0], $0xffff  }
0x9d: {  	v31 =	vadd.s32 $0x7C00, v3;
	_ =	sdelay $0x3  }
0x9e: {  	[tilespmem:s23+$0x14800] =	vst v4  }
0x9f: {  	v4 =	vld.idx.msk [tilespmem:v31+s2+$0x0], $0xffff  }
0xa0: {  	v32 =	vadd.s32 $0x8000, v3;
	_ =	sdelay $0x3  }
0xa1: {  	[tilespmem:s23+$0x14880] =	vst v4  }
0xa2: {  	v4 =	vld.idx.msk [tilespmem:v32+s2+$0x0], $0xffff  }
0xa3: {  	v33 =	vadd.s32 $0x8400, v3;
	_ =	sdelay $0x3  }
0xa4: {  	[tilespmem:s23+$0x15900] =	vst v4  }
0xa5: {  	v4 =	vld.idx.msk [tilespmem:v33+s2+$0x0], $0xffff  }
0xa6: {  	v34 =	vadd.s32 $0x8800, v3;
	_ =	sdelay $0x3  }
0xa7: {  	[tilespmem:s23+$0x15980] =	vst v4  }
0xa8: {  	v4 =	vld.idx.msk [tilespmem:v34+s2+$0x0], $0xffff  }
0xa9: {  	v35 =	vadd.s32 $0x8C00, v3;
	_ =	sdelay $0x3  }
0xaa: {  	[tilespmem:s23+$0x15A00] =	vst v4  }
0xab: {  	v4 =	vld.idx.msk [tilespmem:v35+s2+$0x0], $0xffff  }
0xac: {  	v36 =	vadd.s32 $0x9000, v3;
	_ =	sdelay $0x3  }
0xad: {  	[tilespmem:s23+$0x15A80] =	vst v4  }
0xae: {  	v4 =	vld.idx.msk [tilespmem:v36+s2+$0x0], $0xffff  }
0xaf: {  	v37 =	vadd.s32 $0x9400, v3;
	_ =	sdelay $0x3  }
0xb0: {  	[tilespmem:s23+$0x15B00] =	vst v4  }
0xb1: {  	v4 =	vld.idx.msk [tilespmem:v37+s2+$0x0], $0xffff  }
0xb2: {  	v38 =	vadd.s32 $0x9800, v3;
	_ =	sdelay $0x3  }
0xb3: {  	[tilespmem:s23+$0x15B80] =	vst v4  }
0xb4: {  	v4 =	vld.idx.msk [tilespmem:v38+s2+$0x0], $0xffff  }
0xb5: {  	v39 =	vadd.s32 $0x9C00, v3;
	_ =	sdelay $0x3  }
0xb6: {  	[tilespmem:s23+$0x15C00] =	vst v4  }
0xb7: {  	v4 =	vld.idx.msk [tilespmem:v39+s2+$0x0], $0xffff  }
0xb8: {  	v40 =	vadd.s32 $0xA000, v3;
	_ =	sdelay $0x3  }
0xb9: {  	[tilespmem:s23+$0x15C80] =	vst v4  }
0xba: {  	v4 =	vld.idx.msk [tilespmem:v40+s2+$0x0], $0xffff  }
0xbb: {  	v41 =	vadd.s32 $0xA400, v3;
	_ =	sdelay $0x3  }
0xbc: {  	[tilespmem:s23+$0x16D00] =	vst v4  }
0xbd: {  	v4 =	vld.idx.msk [tilespmem:v41+s2+$0x0], $0xffff  }
0xbe: {  	v42 =	vadd.s32 $0xA800, v3;
	_ =	sdelay $0x3  }
0xbf: {  	[tilespmem:s23+$0x16D80] =	vst v4  }
0xc0: {  	v4 =	vld.idx.msk [tilespmem:v42+s2+$0x0], $0xffff  }
0xc1: {  	v43 =	vadd.s32 $0xAC00, v3;
	_ =	sdelay $0x3  }
0xc2: {  	[tilespmem:s23+$0x16E00] =	vst v4  }
0xc3: {  	v4 =	vld.idx.msk [tilespmem:v43+s2+$0x0], $0xffff  }
0xc4: {  	v44 =	vadd.s32 $0xB000, v3;
	_ =	sdelay $0x3  }
0xc5: {  	[tilespmem:s23+$0x16E80] =	vst v4  }
0xc6: {  	v4 =	vld.idx.msk [tilespmem:v44+s2+$0x0], $0xffff  }
0xc7: {  	v45 =	vadd.s32 $0xB400, v3;
	_ =	sdelay $0x3  }
0xc8: {  	[tilespmem:s23+$0x16F00] =	vst v4  }
0xc9: {  	v4 =	vld.idx.msk [tilespmem:v45+s2+$0x0], $0xffff  }
0xca: {  	v46 =	vadd.s32 $0xB800, v3;
	_ =	sdelay $0x3  }
0xcb: {  	[tilespmem:s23+$0x16F80] =	vst v4  }
0xcc: {  	v4 =	vld.idx.msk [tilespmem:v46+s2+$0x0], $0xffff  }
0xcd: {  	v47 =	vadd.s32 $0xBC00, v3;
	_ =	sdelay $0x3  }
0xce: {  	[tilespmem:s23+$0x17000] =	vst v4  }
0xcf: {  	v4 =	vld.idx.msk [tilespmem:v47+s2+$0x0], $0xffff  }
0xd0: {  	v48 =	vadd.s32 $0xC000, v3;
	_ =	sdelay $0x3  }
0xd1: {  	[tilespmem:s23+$0x17080] =	vst v4  }
0xd2: {  	v4 =	vld.idx.msk [tilespmem:v48+s2+$0x0], $0xffff  }
0xd3: {  	v49 =	vadd.s32 $0xC400, v3;
	_ =	sdelay $0x3  }
0xd4: {  	[tilespmem:s23+$0x18100] =	vst v4  }
0xd5: {  	v4 =	vld.idx.msk [tilespmem:v49+s2+$0x0], $0xffff  }
0xd6: {  	v50 =	vadd.s32 $0xC800, v3;
	_ =	sdelay $0x3  }
0xd7: {  	[tilespmem:s23+$0x18180] =	vst v4  }
0xd8: {  	v4 =	vld.idx.msk [tilespmem:v50+s2+$0x0], $0xffff  }
0xd9: {  	v51 =	vadd.s32 $0xCC00, v3;
	_ =	sdelay $0x3  }
0xda: {  	[tilespmem:s23+$0x18200] =	vst v4  }
0xdb: {  	v4 =	vld.idx.msk [tilespmem:v51+s2+$0x0], $0xffff  }
0xdc: {  	v52 =	vadd.s32 $0xD000, v3;
	_ =	sdelay $0x3  }
0xdd: {  	[tilespmem:s23+$0x18280] =	vst v4  }
0xde: {  	v4 =	vld.idx.msk [tilespmem:v52+s2+$0x0], $0xffff  }
0xdf: {  	v53 =	vadd.s32 $0xD400, v3;
	_ =	sdelay $0x3  }
0xe0: {  	[tilespmem:s23+$0x18300] =	vst v4  }
0xe1: {  	v4 =	vld.idx.msk [tilespmem:v53+s2+$0x0], $0xffff  }
0xe2: {  	v54 =	vadd.s32 $0xD800, v3;
	_ =	sdelay $0x3  }
0xe3: {  	[tilespmem:s23+$0x18380] =	vst v4  }
0xe4: {  	v4 =	vld.idx.msk [tilespmem:v54+s2+$0x0], $0xffff  }
0xe5: {  	v55 =	vadd.s32 $0xDC00, v3;
	_ =	sdelay $0x3  }
0xe6: {  	[tilespmem:s23+$0x18400] =	vst v4  }
0xe7: {  	v4 =	vld.idx.msk [tilespmem:v55+s2+$0x0], $0xffff  }
0xe8: {  	v56 =	vadd.s32 $0xE000, v3;
	_ =	sdelay $0x3  }
0xe9: {  	[tilespmem:s23+$0x18480] =	vst v4  }
0xea: {  	v4 =	vld.idx.msk [tilespmem:v56+s2+$0x0], $0xffff  }
0xeb: {  	v57 =	vadd.s32 $0xE400, v3;
	_ =	sdelay $0x3  }
0xec: {  	[tilespmem:s23+$0x19500] =	vst v4  }
0xed: {  	v4 =	vld.idx.msk [tilespmem:v57+s2+$0x0], $0xffff  }
0xee: {  	v58 =	vadd.s32 $0xE800, v3;
	_ =	sdelay $0x3  }
0xef: {  	[tilespmem:s23+$0x19580] =	vst v4  }
0xf0: {  	v4 =	vld.idx.msk [tilespmem:v58+s2+$0x0], $0xffff  }
0xf1: {  	v59 =	vadd.s32 $0xEC00, v3;
	_ =	sdelay $0x3  }
0xf2: {  	[tilespmem:s23+$0x19600] =	vst v4  }
0xf3: {  	v4 =	vld.idx.msk [tilespmem:v59+s2+$0x0], $0xffff  }
0xf4: {  	v60 =	vadd.s32 $0xF000, v3;
	_ =	sdelay $0x3  }
0xf5: {  	[tilespmem:s23+$0x19680] =	vst v4  }
0xf6: {  	v4 =	vld.idx.msk [tilespmem:v60+s2+$0x0], $0xffff  }
0xf7: {  	v61 =	vadd.s32 $0xF400, v3;
	_ =	sdelay $0x3  }
0xf8: {  	[tilespmem:s23+$0x19700] =	vst v4  }
0xf9: {  	v4 =	vld.idx.msk [tilespmem:v61+s2+$0x0], $0xffff  }
0xfa: {  	v62 =	vadd.s32 $0xF800, v3;
	_ =	sdelay $0x3  }
0xfb: {  	[tilespmem:s23+$0x19780] =	vst v4  }
0xfc: {  	v4 =	vld.idx.msk [tilespmem:v62+s2+$0x0], $0xffff  }
0xfd: {  	v63 =	vadd.s32 $0xFC00, v3;
	_ =	sdelay $0x3  }
0xfe: {  	[tilespmem:s23+$0x19800] =	vst v4  }
0xff: {  	v4 =	vld.idx.msk [tilespmem:v63+s2+$0x0], $0xffff  }
0x100: {  	p1 =	sne.s32 s22, $0x8C0  }
.Ltmp3:
0x101: {  	_ = 	snop;
	(pc) =	sbr.rel @p1 .LBB2_4-.Ltmp3, $3  }
0x102: {  	_ =	sdelay $0x1  }
0x103: {  	[tilespmem:s23+$0x19880] =	vst v4  }
0x104: {  	s21 =	sadd.s32 $0x80, s21;
	s20 =	sadd.s32 $0x10, s20;
	s22 =	sadd.s32 $0x40, s22;
	[tilespmem:v3+s16+$0x0] =	vst.idx.add.f32.msk $0xffff, v2  }
0x105: {  	s20 =	simm.s32 $0x10900;
	s26 =	simm.s32 $0x10D00;
	s21 =	sadd.s32 $0x40, s5  }
0x106: {  	[hbm4b:s5+s13] =	stream.strided.scatter [tilespmem:s20], [sflag:$0x1], $0x400, s17, s13, $0x38;
	[tilespmem:$0x1CD00] =	vst v63  }
0x107: {  	s28 =	simm.s32 $0x11100;
	s29 =	sadd.s32 $0x80, s5;
	s30 =	simm.s32 $0x11500  }
0x108: {  	[hbm4b:s21+s13] =	stream.strided.scatter [tilespmem:s26], [sflag:$0x1], $0x400, s17, s13, $0x38;
	[tilespmem:$0x1CD00] =	vst v63  }
0x109: {  	s31 =	sadd.s32 $0xC0, s5;
	s22 =	simm.s32 $0xA000;
	s23 =	simm.s32 $0x11900  }
0x10a: {  	[hbm4b:s29+s13] =	stream.strided.scatter [tilespmem:s28], [sflag:$0x1], $0x400, s17, s13, $0x38;
	[tilespmem:$0x1CD00] =	vst v63  }
0x10b: {  	s24 =	sadd.s32 $0x100, s5;
	s20 =	simm.s32 $0x1400;
	s21 =	sadd.s32 $0xA00, s5  }
0x10c: {  	[hbm4b:s31+s13] =	stream.strided.scatter [tilespmem:s30], [sflag:$0x1], $0x400, s17, s13, $0x38;
	[tilespmem:$0x1CD00] =	vst v63  }
.LBB2_6:
0x10d: {  	[hbm4b:s24+s13] =	stream.strided.scatter [tilespmem:s23], [sflag:$0x1], $0x400, s17, s13, $0x38;
	[tilespmem:$0x1CD00] =	vst v63  }
0x10e: {  	s23 =	smov.u32 s20;
	s20 =	smov.u32 s22  }
0x10f: {  	s25 =	sadd.s32 $0x5000, s22;
	s20 =	sshra.s32 s20, $0x2;
	s24 =	sadd.s32 $0x10900, s23  }
0x110: {  	[hbm4b:s21+s13] =	stream.strided.scatter [tilespmem:s24], [sflag:$0x1], $0x400, s17, s13, $0x38;
	[tilespmem:$0x1CD00] =	vst v63  }
0x111: {  	p1 =	sne.s32 s22, $0x23000;
	s22 =	sadd.s32 $0x10D00, s23;
	s24 =	sadd.s32 $0x40, s21  }
0x112: {  	[hbm4b:s24+s13] =	stream.strided.scatter [tilespmem:s22], [sflag:$0x1], $0x400, s17, s13, $0x38;
	[tilespmem:$0x1CD00] =	vst v63  }
.Ltmp4:
0x113: {  	s22 =	sadd.s32 $0x11100, s23;
	s24 =	sadd.s32 $0x80, s21;
	(pc) =	sbr.rel @p1 .LBB2_6-.Ltmp4, $4  }
0x114: {  	[hbm4b:s24+s13] =	stream.strided.scatter [tilespmem:s22], [sflag:$0x1], $0x400, s17, s13, $0x38;
	[tilespmem:$0x1CD00] =	vst v63  }
0x115: {  	s22 =	sadd.s32 $0x11500, s23;
	s24 =	sadd.s32 $0xC0, s21;
	s23 =	sadd.s32 $0x11900, s23  }
0x116: {  	[hbm4b:s24+s13] =	stream.strided.scatter [tilespmem:s22], [sflag:$0x1], $0x400, s17, s13, $0x38;
	[tilespmem:$0x1CD00] =	vst v63  }
0x117: {  	s24 =	sadd.s32 $0x100, s21;
	s21 =	sadd.s32 $0xA00, s21;
	s22 =	smov.u32 s25  }
0x118: {  	[hbm4b:s24+s13] =	stream.strided.scatter [tilespmem:s23], [sflag:$0x1], $0x400, s17, s13, $0x38;
	[tilespmem:$0x1CD00] =	vst v63  }
0x119: {  	s22 =	sadd.s32 $0x10900, s20  }
0x11a: {  	[hbm4b:s21+s13] =	stream.strided.scatter [tilespmem:s22], [sflag:$0x1], $0x400, s17, s13, $0x38;
	[tilespmem:$0x1CD00] =	vst v63  }
0x11b: {  	s23 =	sadd.s32 $0x10D00, s20;
	s24 =	sadd.s32 $0x40, s21  }
0x11c: {  	[hbm4b:s24+s13] =	stream.strided.scatter [tilespmem:s23], [sflag:$0x1], $0x400, s17, s13, $0x38;
	[tilespmem:$0x1CD00] =	vst v63  }
0x11d: {  	s25 =	sadd.s32 $0x11100, s20;
	s26 =	sadd.s32 $0x80, s21  }
0x11e: {  	[hbm4b:s26+s13] =	stream.strided.scatter [tilespmem:s25], [sflag:$0x1], $0x400, s17, s13, $0x38;
	[tilespmem:$0x1CD00] =	vst v63  }
0x11f: {  	s28 =	sadd.s32 $0x11500, s20;
	s29 =	sadd.s32 $0xC0, s21  }
0x120: {  	[hbm4b:s29+s13] =	stream.strided.scatter [tilespmem:s28], [sflag:$0x1], $0x400, s17, s13, $0x38;
	[tilespmem:$0x1CD00] =	vst v63  }
0x121: {  	s30 =	sadd.s32 $0x11900, s20;
	s31 =	sadd.s32 $0x100, s21  }
0x122: {  	[hbm4b:s31+s13] =	stream.strided.scatter [tilespmem:s30], [sflag:$0x1], $0x400, s17, s13, $0x38;
	[tilespmem:$0x1CD00] =	vst v63  }
0x123: {  	_ =	swait.ge [sflag:s12], $0xA000  }
0x124: {  	[sflag:s12] =	ssyncset.done $0x0  }
0x125: {  	[sflag:s12] =	ssyncadd.s32 $0xFFFF6000  }
0x126: {  	[tilespmem:s15], [sflag:$0x1] =	stream.strided.gather [hbm4b:s6+s13], $0x900, s14, s13, $0x38;
	[tilespmem:$0x1CD00] =	vst v63  }
0x127: {  	_ =	swait.ge [sflag:s12], $0x900  }
0x128: {  	s20 =	simm.s32 $0x0;
	[sflag:s12] =	ssyncset.done $0x0  }
0x129: {  	s21 =	simm.s32 $0x0;
	s22 =	simm.s32 $0x0;
	[sflag:s12] =	ssyncadd.s32 $0xFFFFF700  }
.LBB2_8:
0x12a: {  	v3 =	vor.u32 s22, v0;
	_ =	sdelay $0x4  }
0x12b: {  	v3 =	vld.idx.msk [tilespmem:v3+s15+$0x0], $0xffff;
	_ =	sdelay $0x7  }
0x12c: {  	v4 =	vld.idx.msk [tilespmem:v3+s2+$0x0], $0xffff  }
0x12d: {  	v5 =	vadd.s32 $0x400, v3;
	_ =	sdelay $0x1  }
0x12e: {  	s23 =	sand.u32 $0x70, s20;
	s24 =	sand.u32 $0x1C00, s21  }
0x12f: {  	s23 =	sor.u32 s23, s24  }
0x130: {  	[tilespmem:s23+$0x10900] =	vst v4  }
0x131: {  	v4 =	vld.idx.msk [tilespmem:v5+s2+$0x0], $0xffff  }
0x132: {  	v58 =	vadd.s32 $0x800, v3;
	_ =	sdelay $0x2  }
0x133: {  	s24 =	sadd.s32 $0x10900, s23  }
0x134: {  	[tilespmem:s24+$0x80] =	vst v4  }
0x135: {  	v4 =	vld.idx.msk [tilespmem:v58+s2+$0x0], $0xffff  }
0x136: {  	v59 =	vadd.s32 $0xC00, v3;
	_ =	sdelay $0x3  }
0x137: {  	[tilespmem:s24+$0x100] =	vst v4  }
0x138: {  	v4 =	vld.idx.msk [tilespmem:v59+s2+$0x0], $0xffff  }
0x139: {  	v60 =	vadd.s32 $0x1000, v3;
	_ =	sdelay $0x3  }
0x13a: {  	[tilespmem:s24+$0x180] =	vst v4  }
0x13b: {  	v4 =	vld.idx.msk [tilespmem:v60+s2+$0x0], $0xffff  }
0x13c: {  	v61 =	vadd.s32 $0x1400, v3;
	_ =	sdelay $0x3  }
0x13d: {  	[tilespmem:s24+$0x200] =	vst v4  }
0x13e: {  	v4 =	vld.idx.msk [tilespmem:v61+s2+$0x0], $0xffff  }
0x13f: {  	v62 =	vadd.s32 $0x1800, v3;
	_ =	sdelay $0x3  }
0x140: {  	[tilespmem:s24+$0x280] =	vst v4  }
0x141: {  	v4 =	vld.idx.msk [tilespmem:v62+s2+$0x0], $0xffff  }
0x142: {  	v63 =	vadd.s32 $0x1C00, v3;
	_ =	sdelay $0x3  }
0x143: {  	[tilespmem:s24+$0x300] =	vst v4  }
0x144: {  	v4 =	vld.idx.msk [tilespmem:v63+s2+$0x0], $0xffff  }
0x145: {  	v8 =	vadd.s32 $0x2000, v3;
	_ =	sdelay $0x1  }
0x146: {  	s31 =	sor.u32 s21, s20  }
0x147: {  	s24 =	sor.u32 $0x380, s31  }
0x148: {  	[tilespmem:s24+$0x10900] =	vst v4  }
0x149: {  	v4 =	vld.idx.msk [tilespmem:v8+s2+$0x0], $0xffff  }
0x14a: {  	v9 =	vadd.s32 $0x2400, v3;
	_ =	sdelay $0x3  }
0x14b: {  	[tilespmem:s23+$0x11D00] =	vst v4  }
0x14c: {  	v4 =	vld.idx.msk [tilespmem:v9+s2+$0x0], $0xffff  }
0x14d: {  	v10 =	vadd.s32 $0x2800, v3;
	_ =	sdelay $0x3  }
0x14e: {  	[tilespmem:s23+$0x11D80] =	vst v4  }
0x14f: {  	v4 =	vld.idx.msk [tilespmem:v10+s2+$0x0], $0xffff  }
0x150: {  	v11 =	vadd.s32 $0x2C00, v3;
	_ =	sdelay $0x3  }
0x151: {  	[tilespmem:s23+$0x11E00] =	vst v4  }
0x152: {  	v4 =	vld.idx.msk [tilespmem:v11+s2+$0x0], $0xffff  }
0x153: {  	v12 =	vadd.s32 $0x3000, v3;
	_ =	sdelay $0x3  }
0x154: {  	[tilespmem:s23+$0x11E80] =	vst v4  }
0x155: {  	v4 =	vld.idx.msk [tilespmem:v12+s2+$0x0], $0xffff  }
0x156: {  	v13 =	vadd.s32 $0x3400, v3;
	_ =	sdelay $0x3  }
0x157: {  	[tilespmem:s23+$0x11F00] =	vst v4  }
0x158: {  	v4 =	vld.idx.msk [tilespmem:v13+s2+$0x0], $0xffff  }
0x159: {  	v14 =	vadd.s32 $0x3800, v3;
	_ =	sdelay $0x3  }
0x15a: {  	[tilespmem:s23+$0x11F80] =	vst v4  }
0x15b: {  	v4 =	vld.idx.msk [tilespmem:v14+s2+$0x0], $0xffff  }
0x15c: {  	v15 =	vadd.s32 $0x3C00, v3;
	_ =	sdelay $0x3  }
0x15d: {  	[tilespmem:s23+$0x12000] =	vst v4  }
0x15e: {  	v4 =	vld.idx.msk [tilespmem:v15+s2+$0x0], $0xffff  }
0x15f: {  	v16 =	vadd.s32 $0x4000, v3;
	_ =	sdelay $0x3  }
0x160: {  	[tilespmem:s23+$0x12080] =	vst v4  }
0x161: {  	v4 =	vld.idx.msk [tilespmem:v16+s2+$0x0], $0xffff  }
0x162: {  	v17 =	vadd.s32 $0x4400, v3;
	_ =	sdelay $0x3  }
0x163: {  	[tilespmem:s23+$0x13100] =	vst v4  }
0x164: {  	v4 =	vld.idx.msk [tilespmem:v17+s2+$0x0], $0xffff  }
0x165: {  	v18 =	vadd.s32 $0x4800, v3;
	_ =	sdelay $0x3  }
0x166: {  	[tilespmem:s23+$0x13180] =	vst v4  }
0x167: {  	v4 =	vld.idx.msk [tilespmem:v18+s2+$0x0], $0xffff  }
0x168: {  	v19 =	vadd.s32 $0x4C00, v3;
	_ =	sdelay $0x3  }
0x169: {  	[tilespmem:s23+$0x13200] =	vst v4  }
0x16a: {  	v4 =	vld.idx.msk [tilespmem:v19+s2+$0x0], $0xffff  }
0x16b: {  	v20 =	vadd.s32 $0x5000, v3;
	_ =	sdelay $0x3  }
0x16c: {  	[tilespmem:s23+$0x13280] =	vst v4  }
0x16d: {  	v4 =	vld.idx.msk [tilespmem:v20+s2+$0x0], $0xffff  }
0x16e: {  	v21 =	vadd.s32 $0x5400, v3;
	_ =	sdelay $0x3  }
0x16f: {  	[tilespmem:s23+$0x13300] =	vst v4  }
0x170: {  	v4 =	vld.idx.msk [tilespmem:v21+s2+$0x0], $0xffff  }
0x171: {  	v22 =	vadd.s32 $0x5800, v3;
	_ =	sdelay $0x3  }
0x172: {  	[tilespmem:s23+$0x13380] =	vst v4  }
0x173: {  	v4 =	vld.idx.msk [tilespmem:v22+s2+$0x0], $0xffff  }
0x174: {  	v23 =	vadd.s32 $0x5C00, v3;
	_ =	sdelay $0x3  }
0x175: {  	[tilespmem:s23+$0x13400] =	vst v4  }
0x176: {  	v4 =	vld.idx.msk [tilespmem:v23+s2+$0x0], $0xffff  }
0x177: {  	v24 =	vadd.s32 $0x6000, v3;
	_ =	sdelay $0x3  }
0x178: {  	[tilespmem:s23+$0x13480] =	vst v4  }
0x179: {  	v4 =	vld.idx.msk [tilespmem:v24+s2+$0x0], $0xffff  }
0x17a: {  	v25 =	vadd.s32 $0x6400, v3;
	_ =	sdelay $0x3  }
0x17b: {  	[tilespmem:s23+$0x14500] =	vst v4  }
0x17c: {  	v4 =	vld.idx.msk [tilespmem:v25+s2+$0x0], $0xffff  }
0x17d: {  	v26 =	vadd.s32 $0x6800, v3;
	_ =	sdelay $0x3  }
0x17e: {  	[tilespmem:s23+$0x14580] =	vst v4  }
0x17f: {  	v4 =	vld.idx.msk [tilespmem:v26+s2+$0x0], $0xffff  }
0x180: {  	v27 =	vadd.s32 $0x6C00, v3;
	_ =	sdelay $0x3  }
0x181: {  	[tilespmem:s23+$0x14600] =	vst v4  }
0x182: {  	v4 =	vld.idx.msk [tilespmem:v27+s2+$0x0], $0xffff  }
0x183: {  	v28 =	vadd.s32 $0x7000, v3;
	_ =	sdelay $0x3  }
0x184: {  	[tilespmem:s23+$0x14680] =	vst v4  }
0x185: {  	v4 =	vld.idx.msk [tilespmem:v28+s2+$0x0], $0xffff  }
0x186: {  	v29 =	vadd.s32 $0x7400, v3;
	_ =	sdelay $0x3  }
0x187: {  	[tilespmem:s23+$0x14700] =	vst v4  }
0x188: {  	v4 =	vld.idx.msk [tilespmem:v29+s2+$0x0], $0xffff  }
0x189: {  	v30 =	vadd.s32 $0x7800, v3;
	_ =	sdelay $0x3  }
0x18a: {  	[tilespmem:s23+$0x14780] =	vst v4  }
0x18b: {  	v4 =	vld.idx.msk [tilespmem:v30+s2+$0x0], $0xffff  }
0x18c: {  	v31 =	vadd.s32 $0x7C00, v3;
	_ =	sdelay $0x3  }
0x18d: {  	[tilespmem:s23+$0x14800] =	vst v4  }
0x18e: {  	v4 =	vld.idx.msk [tilespmem:v31+s2+$0x0], $0xffff  }
0x18f: {  	v32 =	vadd.s32 $0x8000, v3;
	_ =	sdelay $0x3  }
0x190: {  	[tilespmem:s23+$0x14880] =	vst v4  }
0x191: {  	v4 =	vld.idx.msk [tilespmem:v32+s2+$0x0], $0xffff  }
0x192: {  	v33 =	vadd.s32 $0x8400, v3;
	_ =	sdelay $0x3  }
0x193: {  	[tilespmem:s23+$0x15900] =	vst v4  }
0x194: {  	v4 =	vld.idx.msk [tilespmem:v33+s2+$0x0], $0xffff  }
0x195: {  	v34 =	vadd.s32 $0x8800, v3;
	_ =	sdelay $0x3  }
0x196: {  	[tilespmem:s23+$0x15980] =	vst v4  }
0x197: {  	v4 =	vld.idx.msk [tilespmem:v34+s2+$0x0], $0xffff  }
0x198: {  	v35 =	vadd.s32 $0x8C00, v3;
	_ =	sdelay $0x3  }
0x199: {  	[tilespmem:s23+$0x15A00] =	vst v4  }
0x19a: {  	v4 =	vld.idx.msk [tilespmem:v35+s2+$0x0], $0xffff  }
0x19b: {  	v36 =	vadd.s32 $0x9000, v3;
	_ =	sdelay $0x3  }
0x19c: {  	[tilespmem:s23+$0x15A80] =	vst v4  }
0x19d: {  	v4 =	vld.idx.msk [tilespmem:v36+s2+$0x0], $0xffff  }
0x19e: {  	v37 =	vadd.s32 $0x9400, v3;
	_ =	sdelay $0x3  }
0x19f: {  	[tilespmem:s23+$0x15B00] =	vst v4  }
0x1a0: {  	v4 =	vld.idx.msk [tilespmem:v37+s2+$0x0], $0xffff  }
0x1a1: {  	v38 =	vadd.s32 $0x9800, v3;
	_ =	sdelay $0x3  }
0x1a2: {  	[tilespmem:s23+$0x15B80] =	vst v4  }
0x1a3: {  	v4 =	vld.idx.msk [tilespmem:v38+s2+$0x0], $0xffff  }
0x1a4: {  	v39 =	vadd.s32 $0x9C00, v3;
	_ =	sdelay $0x3  }
0x1a5: {  	[tilespmem:s23+$0x15C00] =	vst v4  }
0x1a6: {  	v4 =	vld.idx.msk [tilespmem:v39+s2+$0x0], $0xffff  }
0x1a7: {  	v40 =	vadd.s32 $0xA000, v3;
	_ =	sdelay $0x3  }
0x1a8: {  	[tilespmem:s23+$0x15C80] =	vst v4  }
0x1a9: {  	v4 =	vld.idx.msk [tilespmem:v40+s2+$0x0], $0xffff  }
0x1aa: {  	v41 =	vadd.s32 $0xA400, v3;
	_ =	sdelay $0x3  }
0x1ab: {  	[tilespmem:s23+$0x16D00] =	vst v4  }
0x1ac: {  	v4 =	vld.idx.msk [tilespmem:v41+s2+$0x0], $0xffff  }
0x1ad: {  	v42 =	vadd.s32 $0xA800, v3;
	_ =	sdelay $0x3  }
0x1ae: {  	[tilespmem:s23+$0x16D80] =	vst v4  }
0x1af: {  	v4 =	vld.idx.msk [tilespmem:v42+s2+$0x0], $0xffff  }
0x1b0: {  	v43 =	vadd.s32 $0xAC00, v3;
	_ =	sdelay $0x3  }
0x1b1: {  	[tilespmem:s23+$0x16E00] =	vst v4  }
0x1b2: {  	v4 =	vld.idx.msk [tilespmem:v43+s2+$0x0], $0xffff  }
0x1b3: {  	v44 =	vadd.s32 $0xB000, v3;
	_ =	sdelay $0x3  }
0x1b4: {  	[tilespmem:s23+$0x16E80] =	vst v4  }
0x1b5: {  	v4 =	vld.idx.msk [tilespmem:v44+s2+$0x0], $0xffff  }
0x1b6: {  	v45 =	vadd.s32 $0xB400, v3;
	_ =	sdelay $0x3  }
0x1b7: {  	[tilespmem:s23+$0x16F00] =	vst v4  }
0x1b8: {  	v4 =	vld.idx.msk [tilespmem:v45+s2+$0x0], $0xffff  }
0x1b9: {  	v46 =	vadd.s32 $0xB800, v3;
	_ =	sdelay $0x3  }
0x1ba: {  	[tilespmem:s23+$0x16F80] =	vst v4  }
0x1bb: {  	v4 =	vld.idx.msk [tilespmem:v46+s2+$0x0], $0xffff  }
0x1bc: {  	v47 =	vadd.s32 $0xBC00, v3;
	_ =	sdelay $0x3  }
0x1bd: {  	[tilespmem:s23+$0x17000] =	vst v4  }
0x1be: {  	v4 =	vld.idx.msk [tilespmem:v47+s2+$0x0], $0xffff  }
0x1bf: {  	v48 =	vadd.s32 $0xC000, v3;
	_ =	sdelay $0x3  }
0x1c0: {  	[tilespmem:s23+$0x17080] =	vst v4  }
0x1c1: {  	v4 =	vld.idx.msk [tilespmem:v48+s2+$0x0], $0xffff  }
0x1c2: {  	v49 =	vadd.s32 $0xC400, v3;
	_ =	sdelay $0x3  }
0x1c3: {  	[tilespmem:s23+$0x18100] =	vst v4  }
0x1c4: {  	v4 =	vld.idx.msk [tilespmem:v49+s2+$0x0], $0xffff  }
0x1c5: {  	v50 =	vadd.s32 $0xC800, v3;
	_ =	sdelay $0x3  }
0x1c6: {  	[tilespmem:s23+$0x18180] =	vst v4  }
0x1c7: {  	v4 =	vld.idx.msk [tilespmem:v50+s2+$0x0], $0xffff  }
0x1c8: {  	v51 =	vadd.s32 $0xCC00, v3;
	_ =	sdelay $0x3  }
0x1c9: {  	[tilespmem:s23+$0x18200] =	vst v4  }
0x1ca: {  	v4 =	vld.idx.msk [tilespmem:v51+s2+$0x0], $0xffff  }
0x1cb: {  	v52 =	vadd.s32 $0xD000, v3;
	_ =	sdelay $0x3  }
0x1cc: {  	[tilespmem:s23+$0x18280] =	vst v4  }
0x1cd: {  	v4 =	vld.idx.msk [tilespmem:v52+s2+$0x0], $0xffff  }
0x1ce: {  	v53 =	vadd.s32 $0xD400, v3;
	_ =	sdelay $0x3  }
0x1cf: {  	[tilespmem:s23+$0x18300] =	vst v4  }
0x1d0: {  	v4 =	vld.idx.msk [tilespmem:v53+s2+$0x0], $0xffff  }
0x1d1: {  	v54 =	vadd.s32 $0xD800, v3;
	_ =	sdelay $0x3  }
0x1d2: {  	[tilespmem:s23+$0x18380] =	vst v4  }
0x1d3: {  	v4 =	vld.idx.msk [tilespmem:v54+s2+$0x0], $0xffff  }
0x1d4: {  	v55 =	vadd.s32 $0xDC00, v3;
	_ =	sdelay $0x3  }
0x1d5: {  	[tilespmem:s23+$0x18400] =	vst v4  }
0x1d6: {  	v4 =	vld.idx.msk [tilespmem:v55+s2+$0x0], $0xffff  }
0x1d7: {  	v56 =	vadd.s32 $0xE000, v3;
	_ =	sdelay $0x3  }
0x1d8: {  	[tilespmem:s23+$0x18480] =	vst v4  }
0x1d9: {  	v4 =	vld.idx.msk [tilespmem:v56+s2+$0x0], $0xffff  }
0x1da: {  	v57 =	vadd.s32 $0xE400, v3;
	_ =	sdelay $0x3  }
0x1db: {  	[tilespmem:s23+$0x19500] =	vst v4  }
0x1dc: {  	v4 =	vld.idx.msk [tilespmem:v57+s2+$0x0], $0xffff  }
0x1dd: {  	v58 =	vadd.s32 $0xE800, v3;
	_ =	sdelay $0x3  }
0x1de: {  	[tilespmem:s23+$0x19580] =	vst v4  }
0x1df: {  	v4 =	vld.idx.msk [tilespmem:v58+s2+$0x0], $0xffff  }
0x1e0: {  	v59 =	vadd.s32 $0xEC00, v3;
	_ =	sdelay $0x3  }
0x1e1: {  	[tilespmem:s23+$0x19600] =	vst v4  }
0x1e2: {  	v4 =	vld.idx.msk [tilespmem:v59+s2+$0x0], $0xffff  }
0x1e3: {  	v60 =	vadd.s32 $0xF000, v3;
	_ =	sdelay $0x3  }
0x1e4: {  	[tilespmem:s23+$0x19680] =	vst v4  }
0x1e5: {  	v4 =	vld.idx.msk [tilespmem:v60+s2+$0x0], $0xffff  }
0x1e6: {  	v61 =	vadd.s32 $0xF400, v3;
	_ =	sdelay $0x3  }
0x1e7: {  	[tilespmem:s23+$0x19700] =	vst v4  }
0x1e8: {  	v4 =	vld.idx.msk [tilespmem:v61+s2+$0x0], $0xffff  }
0x1e9: {  	v62 =	vadd.s32 $0xF800, v3;
	_ =	sdelay $0x3  }
0x1ea: {  	[tilespmem:s23+$0x19780] =	vst v4  }
0x1eb: {  	v4 =	vld.idx.msk [tilespmem:v62+s2+$0x0], $0xffff  }
0x1ec: {  	v63 =	vadd.s32 $0xFC00, v3;
	_ =	sdelay $0x3  }
0x1ed: {  	[tilespmem:s23+$0x19800] =	vst v4  }
0x1ee: {  	v4 =	vld.idx.msk [tilespmem:v63+s2+$0x0], $0xffff  }
0x1ef: {  	p1 =	sne.s32 s22, $0x8C0  }
.Ltmp5:
0x1f0: {  	_ = 	snop;
	(pc) =	sbr.rel @p1 .LBB2_8-.Ltmp5, $3  }
0x1f1: {  	_ =	sdelay $0x1  }
0x1f2: {  	[tilespmem:s23+$0x19880] =	vst v4  }
0x1f3: {  	s21 =	sadd.s32 $0x80, s21;
	s20 =	sadd.s32 $0x10, s20;
	s22 =	sadd.s32 $0x40, s22;
	[tilespmem:v3+s16+$0x0] =	vst.idx.add.f32.msk $0xffff, v2  }
0x1f4: {  	s20 =	simm.s32 $0x10900;
	s26 =	simm.s32 $0x10D00;
	s21 =	sadd.s32 $0x40, s7  }
0x1f5: {  	[hbm4b:s7+s13] =	stream.strided.scatter [tilespmem:s20], [sflag:$0x1], $0x400, s17, s13, $0x38;
	[tilespmem:$0x1CD00] =	vst v63  }
0x1f6: {  	s28 =	simm.s32 $0x11100;
	s29 =	sadd.s32 $0x80, s7;
	s30 =	simm.s32 $0x11500  }
0x1f7: {  	[hbm4b:s21+s13] =	stream.strided.scatter [tilespmem:s26], [sflag:$0x1], $0x400, s17, s13, $0x38;
	[tilespmem:$0x1CD00] =	vst v63  }
0x1f8: {  	s31 =	sadd.s32 $0xC0, s7;
	s22 =	simm.s32 $0xA000;
	s23 =	simm.s32 $0x11900  }
0x1f9: {  	[hbm4b:s29+s13] =	stream.strided.scatter [tilespmem:s28], [sflag:$0x1], $0x400, s17, s13, $0x38;
	[tilespmem:$0x1CD00] =	vst v63  }
0x1fa: {  	s24 =	sadd.s32 $0x100, s7;
	s20 =	simm.s32 $0x1400;
	s21 =	sadd.s32 $0xA00, s7  }
0x1fb: {  	[hbm4b:s31+s13] =	stream.strided.scatter [tilespmem:s30], [sflag:$0x1], $0x400, s17, s13, $0x38;
	[tilespmem:$0x1CD00] =	vst v63  }
.LBB2_10:
0x1fc: {  	[hbm4b:s24+s13] =	stream.strided.scatter [tilespmem:s23], [sflag:$0x1], $0x400, s17, s13, $0x38;
	[tilespmem:$0x1CD00] =	vst v63  }
0x1fd: {  	s23 =	smov.u32 s20;
	s20 =	smov.u32 s22  }
0x1fe: {  	s25 =	sadd.s32 $0x5000, s22;
	s20 =	sshra.s32 s20, $0x2;
	s24 =	sadd.s32 $0x10900, s23  }
0x1ff: {  	[hbm4b:s21+s13] =	stream.strided.scatter [tilespmem:s24], [sflag:$0x1], $0x400, s17, s13, $0x38;
	[tilespmem:$0x1CD00] =	vst v63  }
0x200: {  	p1 =	sne.s32 s22, $0x23000;
	s22 =	sadd.s32 $0x10D00, s23;
	s24 =	sadd.s32 $0x40, s21  }
0x201: {  	[hbm4b:s24+s13] =	stream.strided.scatter [tilespmem:s22], [sflag:$0x1], $0x400, s17, s13, $0x38;
	[tilespmem:$0x1CD00] =	vst v63  }
.Ltmp6:
0x202: {  	s22 =	sadd.s32 $0x11100, s23;
	s24 =	sadd.s32 $0x80, s21;
	(pc) =	sbr.rel @p1 .LBB2_10-.Ltmp6, $4  }
0x203: {  	[hbm4b:s24+s13] =	stream.strided.scatter [tilespmem:s22], [sflag:$0x1], $0x400, s17, s13, $0x38;
	[tilespmem:$0x1CD00] =	vst v63  }
0x204: {  	s22 =	sadd.s32 $0x11500, s23;
	s24 =	sadd.s32 $0xC0, s21;
	s23 =	sadd.s32 $0x11900, s23  }
0x205: {  	[hbm4b:s24+s13] =	stream.strided.scatter [tilespmem:s22], [sflag:$0x1], $0x400, s17, s13, $0x38;
	[tilespmem:$0x1CD00] =	vst v63  }
0x206: {  	s24 =	sadd.s32 $0x100, s21;
	s21 =	sadd.s32 $0xA00, s21;
	s22 =	smov.u32 s25  }
0x207: {  	[hbm4b:s24+s13] =	stream.strided.scatter [tilespmem:s23], [sflag:$0x1], $0x400, s17, s13, $0x38;
	[tilespmem:$0x1CD00] =	vst v63  }
0x208: {  	s22 =	sadd.s32 $0x10900, s20  }
0x209: {  	[hbm4b:s21+s13] =	stream.strided.scatter [tilespmem:s22], [sflag:$0x1], $0x400, s17, s13, $0x38;
	[tilespmem:$0x1CD00] =	vst v63  }
0x20a: {  	s23 =	sadd.s32 $0x10D00, s20;
	s24 =	sadd.s32 $0x40, s21  }
0x20b: {  	[hbm4b:s24+s13] =	stream.strided.scatter [tilespmem:s23], [sflag:$0x1], $0x400, s17, s13, $0x38;
	[tilespmem:$0x1CD00] =	vst v63  }
0x20c: {  	s25 =	sadd.s32 $0x11100, s20;
	s26 =	sadd.s32 $0x80, s21  }
0x20d: {  	[hbm4b:s26+s13] =	stream.strided.scatter [tilespmem:s25], [sflag:$0x1], $0x400, s17, s13, $0x38;
	[tilespmem:$0x1CD00] =	vst v63  }
0x20e: {  	s28 =	sadd.s32 $0x11500, s20;
	s29 =	sadd.s32 $0xC0, s21  }
0x20f: {  	[hbm4b:s29+s13] =	stream.strided.scatter [tilespmem:s28], [sflag:$0x1], $0x400, s17, s13, $0x38;
	[tilespmem:$0x1CD00] =	vst v63  }
0x210: {  	s30 =	sadd.s32 $0x11900, s20;
	s31 =	sadd.s32 $0x100, s21  }
0x211: {  	[hbm4b:s31+s13] =	stream.strided.scatter [tilespmem:s30], [sflag:$0x1], $0x400, s17, s13, $0x38;
	[tilespmem:$0x1CD00] =	vst v63  }
0x212: {  	_ =	swait.ge [sflag:s12], $0xA000  }
0x213: {  	[sflag:s12] =	ssyncset.done $0x0  }
0x214: {  	[sflag:s12] =	ssyncadd.s32 $0xFFFF6000  }
0x215: {  	[hbm4b:s8+s13] =	stream.strided.scatter [tilespmem:s16], [sflag:$0x1], $0x400, s18, s13, $0x38;
	[tilespmem:$0x1CD00] =	vst v63  }
.Ltmp7:
0x216: {  	_ =	swait.ge [sflag:s12], $0x400;
	(pc) =	sbr.rel @p0 .LBB2_15-.Ltmp7, $3  }
0x217: {  	[sflag:s12] =	ssyncset.done $0x0  }
0x218: {  	[sflag:s12] =	ssyncadd.s32 $0xFFFFFC00  }
0x219: {  	[bflag:$0x0] =	sbarrier.arrive $0xFFFF;
	_ =	sdelay $0x1  }
0x21a: {  	s20 =	simm.s32 $0x1AD00  }
0x21b: {  	[tilespmem:s20], [sflag:$0x1] =	stream.strided.gather [hbm4b:s9+s13], $0x2000, s18, s13, $0x38;
	[tilespmem:$0x1CD00] =	vst v63  }
0x21c: {  	_ =	swait.ge [sflag:s12], $0x2000  }
0x21d: {  	s21 =	simm.s32 $0x0;
	[sflag:s12] =	ssyncset.done $0x0  }
0x21e: {  	s21 =	sand.u32 $0x3F0, s21;
	[sflag:s12] =	ssyncadd.s32 $0xFFFFE000  }
0x21f: {  	v3 =	vld [tilespmem:s21+$0x1B100]  }
0x220: {  	v4 =	vld [tilespmem:s20+$0x0];
	_ =	sdelay $0x1  }
0x221: {  	v5 =	vld [tilespmem:s21+$0x1B500];
	_ =	sdelay $0x1  }
0x222: {  	v6 =	vld [tilespmem:s21+$0x1B900]  }
0x223: {  	v3 =	vadd.f32 v3, v4  }
0x224: {  	v4 =	vld [tilespmem:s21+$0x1BD00]  }
0x225: {  	v3 =	vadd.f32 v5, v3  }
0x226: {  	v5 =	vld [tilespmem:s21+$0x1C100]  }
0x227: {  	v3 =	vadd.f32 v6, v3  }
0x228: {  	v63 =	vld [tilespmem:s21+$0x1C500]  }
0x229: {  	v3 =	vadd.f32 v4, v3  }
0x22a: {  	v4 =	vld [tilespmem:s21+$0x1C900]  }
0x22b: {  	v3 =	vadd.f32 v5, v3;
	_ =	sdelay $0x1  }
0x22c: {  	v3 =	vadd.f32 v63, v3;
	_ =	sdelay $0x1  }
0x22d: {  	v3 =	vadd.f32 v4, v3  }
0x22e: {  	s31 =	simm.s32 $0x10;
	s20 =	simm.s32 $0x1A900  }
0x22f: {  	s21 =	sand.u32 $0x3F0, s31;
	[tilespmem:s20+$0x0] =	vst v3  }
0x230: {  	s23 =	simm.s32 $0x20;
	s22 =	simm.s32 $0x1AD10;
	v3 =	vld [tilespmem:s21+$0x1B100]  }
.LBB2_13:
0x231: {  	p1 =	sne.s32 s23, $0x3F0;
	v4 =	vld [tilespmem:s22+$0x0];
	_ =	sdelay $0x1  }
0x232: {  	v5 =	vld [tilespmem:s21+$0x1B500];
	_ =	sdelay $0x1  }
0x233: {  	v6 =	vld [tilespmem:s21+$0x1B900]  }
0x234: {  	v3 =	vadd.f32 v3, v4  }
0x235: {  	v4 =	vld [tilespmem:s21+$0x1BD00]  }
0x236: {  	v3 =	vadd.f32 v5, v3  }
0x237: {  	v5 =	vld [tilespmem:s21+$0x1C100]  }
0x238: {  	v3 =	vadd.f32 v6, v3  }
0x239: {  	v6 =	vld [tilespmem:s21+$0x1C500]  }
0x23a: {  	v3 =	vadd.f32 v4, v3  }
0x23b: {  	v4 =	vld [tilespmem:s21+$0x1C900]  }
0x23c: {  	v3 =	vadd.f32 v5, v3;
	_ =	sdelay $0x1  }
0x23d: {  	v3 =	vadd.f32 v6, v3  }
.Ltmp8:
0x23e: {  	(pc) =	sbr.rel @p1 .LBB2_13-.Ltmp8, $4  }
0x23f: {  	v3 =	vadd.f32 v4, v3  }
0x240: {  	s20 =	sadd.s32 $0x10, s20  }
0x241: {  	s21 =	sand.u32 $0x3F0, s23;
	[tilespmem:s20+$0x0] =	vst v3  }
0x242: {  	s22 =	sadd.s32 $0x10, s22;
	s23 =	sadd.s32 $0x10, s23;
	v3 =	vld [tilespmem:s21+$0x1B100]  }
.Ltmp9:
0x243: {  	_ = 	snop;
	(pc) =	sbr.rel .LBB2_14-.Ltmp9, $1  }
0x244: {  	_ =	sdelay $0x3  }
.LBB2_16:
0x245: {  	_ =	sfence.sel $0x180000  }
0x246: {  	[bflag:$0x0] =	sbarrier.arrive $0xFFFF  }
0x247: {  	p0 =	sne.s32 s0, $0x0;
	_ =	strace $0x90000047  }
0x248: {  	s0 =	sadd.s32 @!p0 $0x100000, s1;
	[bflag:$0x2] =	sbarrier.arrive $0xFFFF  }
0x249: {  	[sflag:s0] =	ssyncadd.tile.s32 @!p0 $0x1;
	_ =	shalt  }
.Lfunc_end2:
_tile_overlayer_lowered:
.L_overlay_start_2:
0x24a: {  	(tag) =	ssettag $0x2  }
0x24b: {  	s0 =	rddreg [dreg:$0x0];
	s2 =	stileid.u32  }
0x24c: {  	s1 =	rddreg [dreg:$0x1];
	p0 =	sne.s32 s2, $0x0  }
0x24d: {  	s3 =	rddreg [dreg:$0x2];
	[bflag:$0x3] =	sbarrier.arrive $0xFFFF;
	s2 =	simm.s32 @!p0 $0x1C01  }
0x24e: {  	[timem:s3], [sflag:s2] =	dma.local @!p0 [hbm:s0], s1  }
0x24f: {  	s0 =	simm.s32 @!p0 $0x1  }
0x250: {  	_ =	swait.ge @!p0 [sflag:s0], s1  }
0x251: {  	s1 =	ssub.s32 @!p0 $0x0, s1;
	[sflag:s0] =	ssyncset.done @!p0 $0x0  }
0x252: {  	[sflag:s0] =	ssyncadd.s32 @!p0 s1  }
0x253: {  	[bflag:$0x3] =	sbarrier.arrive $0xFFFF  }
0x254: {  	_ =	shalt  }

</sc_bundles>
